<compile_context>
chip_gen: v7x
topology: tpu7x:2x2x1
jax: 0.10.2.dev20260603
libtpu: 0.0.44.dev20260713+nightly
codegen_flags: <defaults>
</compile_context>

<pallas_src>
import functools

import jax
import jax.numpy as jnp
from jax import lax
from jax.experimental import pallas as pl
from jax.experimental.pallas import tpu as pltpu
from jax.experimental.pallas import tpu_sc as plsc

_B, _S, _H = 4, 2048, 1024
_TOK = _B * _S
_NW = 32
_TPW = _TOK // _NW
_CHUNK = 16
_NCHUNK = _TPW // _CHUNK
_SPW = _S // _NW
_NJ = _SPW // _CHUNK
_LANES = 16
_HV = _H // _LANES
_NWB = 4
_NPB = 2


def _make_sc_kernel():
    mesh = plsc.VectorSubcoreMesh(core_axis_name="c", subcore_axis_name="s")

    @functools.partial(
        pl.kernel,
        out_type=jax.ShapeDtypeStruct((_TOK, _H), jnp.float32),
        mesh=mesh,
        scratch_types=(
            [pltpu.VMEM((_NCHUNK, _CHUNK), jnp.int32),
             pltpu.VMEM((_TPW * _LANES,), jnp.float32),
             pltpu.VMEM((2, _H), jnp.float32),
             pltpu.VMEM((_H,), jnp.float32)]
            + [pltpu.VMEM((_CHUNK, _H), jnp.float32)] * (_NWB + _NPB)
            + [pltpu.SemaphoreType.DMA] * (2 * _NWB + _NPB)
        ),
    )
    def k(ids_hbm, mexp_hbm, word_hbm, tttab_hbm, pos_hbm, out_hbm,
          idx_v, mexp_v, ttv, dv, *bufs_and_sems):
        wbufs = bufs_and_sems[:_NWB]
        pbufs = bufs_and_sems[_NWB:_NWB + _NPB]
        sem_g = bufs_and_sems[_NWB + _NPB:2 * _NWB + _NPB]
        sem_o = bufs_and_sems[2 * _NWB + _NPB:3 * _NWB + _NPB]
        sem_p = bufs_and_sems[3 * _NWB + _NPB:]
        wid = lax.axis_index("s") * 2 + lax.axis_index("c")
        s0 = wid * _SPW
        pltpu.sync_copy(ids_hbm.at[wid], idx_v)
        pltpu.sync_copy(
            mexp_hbm.at[pl.ds(wid * (_TPW * _LANES), _TPW * _LANES)], mexp_v)
        pltpu.sync_copy(tttab_hbm, ttv)

        def d_body(hb, _):
            for u in range(4):
                h = (hb * 4 + u) * _LANES
                dv[pl.ds(h, _LANES)] = ttv[1, pl.ds(h, _LANES)] - ttv[0, pl.ds(h, _LANES)]
            return 0

        lax.fori_loop(0, _HV // 4, d_body, 0)

        def gather(c):
            return pltpu.async_copy(
                word_hbm.at[idx_v.at[c]], wbufs[c % _NWB], sem_g[c % _NWB])

        def posdma(j):
            return pltpu.async_copy(
                pos_hbm.at[pl.ds(s0 + j * _CHUNK, _CHUNK)],
                pbufs[j % _NPB], sem_p[j % _NPB])

        gathers = [None] * _NWB
        scatters = [None] * _NWB
        posdmas = [posdma(0), posdma(1)]
        for c in range(2):
            gathers[c % _NWB] = gather(c)

        for c in range(_NCHUNK):
            j, b = divmod(c, _B)
            if c + 2 < _NCHUNK:
                bi = (c + 2) % _NWB
                if scatters[bi] is not None:
                    scatters[bi].wait()
                    scatters[bi] = None
                gathers[bi] = gather(c + 2)
            if b == 0:
                posdmas[j % _NPB].wait()
            gathers[c % _NWB].wait()
            wbuf = wbufs[c % _NWB]
            pbuf = pbufs[j % _NPB]

            @plsc.parallel_loop(0, _HV, step=1)
            def h_body(hb, c=c, wbuf=wbuf, pbuf=pbuf):
                hoff = hb * _LANES
                t0h = ttv[0, pl.ds(hoff, _LANES)]
                dh = dv[pl.ds(hoff, _LANES)]

                @plsc.parallel_loop(0, _CHUNK, step=1, unroll=8)
                def t_body(i):
                    m = mexp_v[pl.ds((c * _CHUNK + i) * _LANES, _LANES)]
                    pv = pbuf[i, pl.ds(hoff, _LANES)]
                    plsc.addupdate(wbuf.at[i, pl.ds(hoff, _LANES)],
                                   pv + t0h + m * dh)

            scatters[c % _NWB] = pltpu.async_copy(
                wbuf,
                out_hbm.at[pl.ds(b * _S + s0 + j * _CHUNK, _CHUNK)],
                sem_o[c % _NWB])
            if b == _B - 1 and j + _NPB < _NJ:
                posdmas[j % _NPB] = posdma(j + _NPB)
        for s in scatters:
            if s is not None:
                s.wait()

    return k


_sc_embed = _make_sc_kernel()


def kernel(input_ids, token_type_ids, word_weight, token_type_weight, position_weight):
    ids4 = input_ids.astype(jnp.int32).reshape(_B, _NW, _NJ, _CHUNK)
    ids = jnp.transpose(ids4, (1, 2, 0, 3)).reshape(_NW, _NCHUNK, _CHUNK)
    tt4 = token_type_ids.astype(jnp.float32).reshape(_B, _NW, _NJ, _CHUNK)
    mexp = jnp.broadcast_to(
        jnp.transpose(tt4, (1, 2, 0, 3))[..., None],
        (_NW, _NJ, _B, _CHUNK, _LANES),
    ).reshape(_TOK * _LANES)
    out = _sc_embed(ids, mexp, word_weight, token_type_weight, position_weight)
    return out.reshape(_B, _S, _H)

# --- scband reference (transcript-rebuilt; emitter-appended) ---
"""Pipeline reference for scband-bert-embeddings-16432544875000 (READ-ONLY COPY).

The authoritative reference and input builder live on the scoring server;
editing this copy changes nothing except your own understanding.
"""

import jax, jax.numpy as jnp
import numpy as np

VOCAB = 100000
HIDDEN = 1024
MAX_POS = 2048
TYPE_VOCAB = 2
B, S = 4, 2048


def setup_inputs(seed: int = 0) -> dict:
    key = jax.random.key(seed)
    k1, k2, k3, k4, k5 = jax.random.split(key, 5)
    input_ids = jax.random.randint(k1, (B, S), 0, VOCAB, dtype=jnp.int64 if jax.config.jax_enable_x64 else jnp.int32)
    token_type_ids = jax.random.randint(k2, (B, S), 0, TYPE_VOCAB, dtype=jnp.int64 if jax.config.jax_enable_x64 else jnp.int32)
    word_weight = jax.random.normal(k3, (VOCAB, HIDDEN), dtype=jnp.float32)
    token_type_weight = jax.random.normal(k4, (TYPE_VOCAB, HIDDEN), dtype=jnp.float32)
    position_weight = jax.random.normal(k5, (MAX_POS, HIDDEN), dtype=jnp.float32)
    return {
        "input_ids": input_ids,
        "token_type_ids": token_type_ids,
        "word_weight": word_weight,
        "token_type_weight": token_type_weight,
        "position_weight": position_weight,
    }


def reference(input_ids, token_type_ids, word_weight, token_type_weight, position_weight):
    # word embedding lookup
    word_emb = jnp.take(word_weight, input_ids, axis=0)  # [B, S, H]
    # token type embedding lookup
    tt_emb = jnp.take(token_type_weight, token_type_ids, axis=0)  # [B, S, H]
    # absolute position embedding
    seq_len = input_ids.shape[1]
    position_ids = jnp.arange(seq_len)
    pos_emb = jnp.take(position_weight, position_ids, axis=0)  # [S, H]
    out = word_emb + tt_emb + pos_emb[None, :, :]
    return out

if __name__ == "__main__":
    import jax
    _d = setup_inputs()
    print(jax.jit(kernel)(*tuple(_d.values())))

</pallas_src>

<mosaic_0001>
#map = affine_map<(d0, d1) -> (0, 0, 0)>
#map1 = affine_map<(d0, d1) -> (0)>
#map2 = affine_map<(d0, d1) -> (0, 0)>
module attributes {stable_mosaic.version = 14 : i64} {
  func.func @k(%arg0: i32, %arg1: i32, %arg2: memref<32x16x16xi32, #tpu.memory_space<hbm>>, %arg3: memref<131072xf32, #tpu.memory_space<hbm>>, %arg4: memref<100000x1024xf32, #tpu.memory_space<hbm>>, %arg5: memref<2x1024xf32, #tpu.memory_space<hbm>>, %arg6: memref<2048x1024xf32, #tpu.memory_space<hbm>>, %arg7: memref<8192x1024xf32, #tpu.memory_space<hbm>>, %arg8: memref<16x16xi32, #tpu.memory_space<vmem>>, %arg9: memref<4096xf32, #tpu.memory_space<vmem>>, %arg10: memref<2x1024xf32, #tpu.memory_space<vmem>>, %arg11: memref<1024xf32, #tpu.memory_space<vmem>>, %arg12: memref<16x1024xf32, #tpu.memory_space<vmem>>, %arg13: memref<16x1024xf32, #tpu.memory_space<vmem>>, %arg14: memref<16x1024xf32, #tpu.memory_space<vmem>>, %arg15: memref<16x1024xf32, #tpu.memory_space<vmem>>, %arg16: memref<16x1024xf32, #tpu.memory_space<vmem>>, %arg17: memref<16x1024xf32, #tpu.memory_space<vmem>>, %arg18: memref<!tpu.dma_semaphore, #tpu.memory_space<semaphore_mem>>, %arg19: memref<!tpu.dma_semaphore, #tpu.memory_space<semaphore_mem>>, %arg20: memref<!tpu.dma_semaphore, #tpu.memory_space<semaphore_mem>>, %arg21: memref<!tpu.dma_semaphore, #tpu.memory_space<semaphore_mem>>, %arg22: memref<!tpu.dma_semaphore, #tpu.memory_space<semaphore_mem>>, %arg23: memref<!tpu.dma_semaphore, #tpu.memory_space<semaphore_mem>>, %arg24: memref<!tpu.dma_semaphore, #tpu.memory_space<semaphore_mem>>, %arg25: memref<!tpu.dma_semaphore, #tpu.memory_space<semaphore_mem>>, %arg26: memref<!tpu.dma_semaphore, #tpu.memory_space<semaphore_mem>>, %arg27: memref<!tpu.dma_semaphore, #tpu.memory_space<semaphore_mem>>) attributes {dimension_semantics = [#tpu.dimension_semantics<core_parallel>, #tpu.dimension_semantics<subcore_parallel>], iteration_bounds = array<i64: 2, 16>, scalar_prefetch = 0 : i64, scratch_operands = 20 : i64, tpu.core_type = #tpu.core_type<sc_vector_subcore>, window_params = [{transform_indices = #map}, {transform_indices = #map1}, {transform_indices = #map2}, {transform_indices = #map2}, {transform_indices = #map2}, {transform_indices = #map2}]} {
    %mul3A = arith.constant 2 : i32
    %mul3A_0 = arith.muli %arg1, %mul3A : i32
    %add3A = arith.addi %mul3A_0, %arg0 : i32
    %mul3A_1 = arith.constant 64 : i32
    %mul3A_2 = arith.muli %add3A, %mul3A_1 : i32
    "tpu.region"() ({
      %run_scoped3A = tpu.sem_alloc : memref<!tpu.dma_semaphore, #tpu.memory_space<semaphore_mem>>
      %dma_start3A_512 = arith.constant 0 : i32
      %dma_start3A_513 = arith.constant 0 : i32
      %dma_start3A_514 = tpu.memref_slice %arg2[%add3A, %dma_start3A_512, %dma_start3A_513] : memref<32x16x16xi32, #tpu.memory_space<hbm>> -> memref<1x16x16xi32, #tpu.memory_space<hbm>>
      %dma_start3A_515 = tpu.memref_squeeze %dma_start3A_514 : memref<1x16x16xi32, #tpu.memory_space<hbm>> -> memref<16x16xi32, #tpu.memory_space<hbm>>
      %dma_start3A_516 = arith.constant 0 : i32
      %dma_start3A_517 = arith.constant 0 : i32
      %dma_start3A_518 = tpu.memref_slice %arg2[%add3A, %dma_start3A_516, %dma_start3A_517] : memref<32x16x16xi32, #tpu.memory_space<hbm>> -> memref<1x16x16xi32, #tpu.memory_space<hbm>>
      %dma_start3A_519 = tpu.memref_squeeze %dma_start3A_518 : memref<1x16x16xi32, #tpu.memory_space<hbm>> -> memref<16x16xi32, #tpu.memory_space<hbm>>
      tpu.enqueue_dma source(%dma_start3A_519 : memref<16x16xi32, #tpu.memory_space<hbm>>) target(%arg8 : memref<16x16xi32, #tpu.memory_space<vmem>>) target_semaphore(%run_scoped3A : memref<!tpu.dma_semaphore, #tpu.memory_space<semaphore_mem>>)
      %dma_wait3A_520 = arith.constant 0 : i32
      %dma_wait3A_521 = arith.constant 0 : i32
      %dma_wait3A_522 = tpu.memref_slice %arg2[%add3A, %dma_wait3A_520, %dma_wait3A_521] : memref<32x16x16xi32, #tpu.memory_space<hbm>> -> memref<1x16x16xi32, #tpu.memory_space<hbm>>
      %dma_wait3A_523 = tpu.memref_squeeze %dma_wait3A_522 : memref<1x16x16xi32, #tpu.memory_space<hbm>> -> memref<16x16xi32, #tpu.memory_space<hbm>>
      %dma_wait3A_524 = arith.constant 0 : i32
      %dma_wait3A_525 = arith.constant 0 : i32
      %dma_wait3A_526 = tpu.memref_slice %arg2[%add3A, %dma_wait3A_524, %dma_wait3A_525] : memref<32x16x16xi32, #tpu.memory_space<hbm>> -> memref<1x16x16xi32, #tpu.memory_space<hbm>>
      %dma_wait3A_527 = tpu.memref_squeeze %dma_wait3A_526 : memref<1x16x16xi32, #tpu.memory_space<hbm>> -> memref<16x16xi32, #tpu.memory_space<hbm>>
      tpu.wait_dma2 semaphore(%run_scoped3A : memref<!tpu.dma_semaphore, #tpu.memory_space<semaphore_mem>>) src(%dma_wait3A_527 : memref<16x16xi32, #tpu.memory_space<hbm>>) dst(%arg8 : memref<16x16xi32, #tpu.memory_space<vmem>>)
      tpu.yield
    }) : () -> ()
    %mul3A_3 = arith.constant 4096 : i32
    %mul3A_4 = arith.muli %add3A, %mul3A_3 : i32
    "tpu.region"() ({
      %run_scoped3A = tpu.sem_alloc : memref<!tpu.dma_semaphore, #tpu.memory_space<semaphore_mem>>
      %dma_start3A_512 = tpu.memref_slice %arg3[%mul3A_4] : memref<131072xf32, #tpu.memory_space<hbm>> -> memref<4096xf32, #tpu.memory_space<hbm>>
      %dma_start3A_513 = tpu.memref_slice %arg3[%mul3A_4] : memref<131072xf32, #tpu.memory_space<hbm>> -> memref<4096xf32, #tpu.memory_space<hbm>>
      tpu.enqueue_dma source(%dma_start3A_513 : memref<4096xf32, #tpu.memory_space<hbm>>) target(%arg9 : memref<4096xf32, #tpu.memory_space<vmem>>) target_semaphore(%run_scoped3A : memref<!tpu.dma_semaphore, #tpu.memory_space<semaphore_mem>>)
      %dma_wait3A_514 = tpu.memref_slice %arg3[%mul3A_4] : memref<131072xf32, #tpu.memory_space<hbm>> -> memref<4096xf32, #tpu.memory_space<hbm>>
      %dma_wait3A_515 = tpu.memref_slice %arg3[%mul3A_4] : memref<131072xf32, #tpu.memory_space<hbm>> -> memref<4096xf32, #tpu.memory_space<hbm>>
      tpu.wait_dma2 semaphore(%run_scoped3A : memref<!tpu.dma_semaphore, #tpu.memory_space<semaphore_mem>>) src(%dma_wait3A_515 : memref<4096xf32, #tpu.memory_space<hbm>>) dst(%arg9 : memref<4096xf32, #tpu.memory_space<vmem>>)
      tpu.yield
    }) : () -> ()
    "tpu.region"() ({
      %run_scoped3A = tpu.sem_alloc : memref<!tpu.dma_semaphore, #tpu.memory_space<semaphore_mem>>
      tpu.enqueue_dma source(%arg5 : memref<2x1024xf32, #tpu.memory_space<hbm>>) target(%arg10 : memref<2x1024xf32, #tpu.memory_space<vmem>>) target_semaphore(%run_scoped3A : memref<!tpu.dma_semaphore, #tpu.memory_space<semaphore_mem>>)
      tpu.wait_dma2 semaphore(%run_scoped3A : memref<!tpu.dma_semaphore, #tpu.memory_space<semaphore_mem>>) src(%arg5 : memref<2x1024xf32, #tpu.memory_space<hbm>>) dst(%arg10 : memref<2x1024xf32, #tpu.memory_space<vmem>>)
      tpu.yield
    }) : () -> ()
    %scan3A = arith.constant 0 : i32
    %scan3A_5 = arith.constant 0 : i32
    %scan3A_6 = arith.constant 16 : i32
    %scan3A_7 = arith.addi %scan3A_5, %scan3A_6 : i32
    %scan3A_8 = arith.constant 1 : i32
    %scan3A_9 = scf.for %scan3A_512 = %scan3A_5 to %scan3A_7 step %scan3A_8 iter_args(%scan3A_513 = %scan3A) -> (i32)  : i32 {
      %mul3A_514 = arith.constant 4 : i32
      %mul3A_515 = arith.muli %scan3A_512, %mul3A_514 : i32
      %add3A_516 = arith.constant 0 : i32
      %add3A_517 = arith.addi %mul3A_515, %add3A_516 : i32
      %mul3A_518 = arith.constant 16 : i32
      %mul3A_519 = arith.muli %add3A_517, %mul3A_518 : i32
      %get3A = arith.constant 1 : i32
      %get3A_520 = arith.index_cast %get3A : i32 to index
      %get3A_521 = arith.index_cast %mul3A_519 : i32 to index
      %get3A_522 = tpu.vector_load %arg10[%get3A_520, %get3A_521] {strides = array<i32>} : memref<2x1024xf32, #tpu.memory_space<vmem>>, vector<1x16xf32>,
      %get3A_523 = vector.shape_cast %get3A_522 : vector<1x16xf32> to vector<16xf32>
      %get3A_524 = arith.constant 0 : i32
      %get3A_525 = arith.index_cast %get3A_524 : i32 to index
      %get3A_526 = arith.index_cast %mul3A_519 : i32 to index
      %get3A_527 = tpu.vector_load %arg10[%get3A_525, %get3A_526] {strides = array<i32>} : memref<2x1024xf32, #tpu.memory_space<vmem>>, vector<1x16xf32>,
      %get3A_528 = vector.shape_cast %get3A_527 : vector<1x16xf32> to vector<16xf32>
      %sub3A = arith.subf %get3A_523, %get3A_528 : vector<16xf32>
      %swap3A = arith.index_cast %mul3A_519 : i32 to index
      %swap3A_529 = tpu.vector_load %arg11[%swap3A] {strides = array<i32>} : memref<1024xf32, #tpu.memory_space<vmem>>, vector<16xf32>,
      %swap3A_530 = vector.shape_cast %swap3A_529 : vector<16xf32> to vector<16xf32>
      %swap3A_531 = vector.shape_cast %sub3A : vector<16xf32> to vector<16xf32>
      tpu.vector_store %arg11[%swap3A], %swap3A_531 {strides = array<i32>} : memref<1024xf32, #tpu.memory_space<vmem>>, vector<16xf32>,
      %mul3A_532 = arith.constant 4 : i32
      %mul3A_533 = arith.muli %scan3A_512, %mul3A_532 : i32
      %add3A_534 = arith.constant 1 : i32
      %add3A_535 = arith.addi %mul3A_533, %add3A_534 : i32
      %mul3A_536 = arith.constant 16 : i32
      %mul3A_537 = arith.muli %add3A_535, %mul3A_536 : i32
      %get3A_538 = arith.constant 1 : i32
      %get3A_539 = arith.index_cast %get3A_538 : i32 to index
      %get3A_540 = arith.index_cast %mul3A_537 : i32 to index
      %get3A_541 = tpu.vector_load %arg10[%get3A_539, %get3A_540] {strides = array<i32>} : memref<2x1024xf32, #tpu.memory_space<vmem>>, vector<1x16xf32>,
      %get3A_542 = vector.shape_cast %get3A_541 : vector<1x16xf32> to vector<16xf32>
      %get3A_543 = arith.constant 0 : i32
      %get3A_544 = arith.index_cast %get3A_543 : i32 to index
      %get3A_545 = arith.index_cast %mul3A_537 : i32 to index
      %get3A_546 = tpu.vector_load %arg10[%get3A_544, %get3A_545] {strides = array<i32>} : memref<2x1024xf32, #tpu.memory_space<vmem>>, vector<1x16xf32>,
      %get3A_547 = vector.shape_cast %get3A_546 : vector<1x16xf32> to vector<16xf32>
      %sub3A_548 = arith.subf %get3A_542, %get3A_547 : vector<16xf32>
      %swap3A_549 = arith.index_cast %mul3A_537 : i32 to index
      %swap3A_550 = tpu.vector_load %arg11[%swap3A_549] {strides = array<i32>} : memref<1024xf32, #tpu.memory_space<vmem>>, vector<16xf32>,
      %swap3A_551 = vector.shape_cast %swap3A_550 : vector<16xf32> to vector<16xf32>
      %swap3A_552 = vector.shape_cast %sub3A_548 : vector<16xf32> to vector<16xf32>
      tpu.vector_store %arg11[%swap3A_549], %swap3A_552 {strides = array<i32>} : memref<1024xf32, #tpu.memory_space<vmem>>, vector<16xf32>,
      %mul3A_553 = arith.constant 4 : i32
      %mul3A_554 = arith.muli %scan3A_512, %mul3A_553 : i32
      %add3A_555 = arith.constant 2 : i32
      %add3A_556 = arith.addi %mul3A_554, %add3A_555 : i32
      %mul3A_557 = arith.constant 16 : i32
      %mul3A_558 = arith.muli %add3A_556, %mul3A_557 : i32
      %get3A_559 = arith.constant 1 : i32
      %get3A_560 = arith.index_cast %get3A_559 : i32 to index
      %get3A_561 = arith.index_cast %mul3A_558 : i32 to index
      %get3A_562 = tpu.vector_load %arg10[%get3A_560, %get3A_561] {strides = array<i32>} : memref<2x1024xf32, #tpu.memory_space<vmem>>, vector<1x16xf32>,
      %get3A_563 = vector.shape_cast %get3A_562 : vector<1x16xf32> to vector<16xf32>
      %get3A_564 = arith.constant 0 : i32
      %get3A_565 = arith.index_cast %get3A_564 : i32 to index
      %get3A_566 = arith.index_cast %mul3A_558 : i32 to index
      %get3A_567 = tpu.vector_load %arg10[%get3A_565, %get3A_566] {strides = array<i32>} : memref<2x1024xf32, #tpu.memory_space<vmem>>, vector<1x16xf32>,
      %get3A_568 = vector.shape_cast %get3A_567 : vector<1x16xf32> to vector<16xf32>
      %sub3A_569 = arith.subf %get3A_563, %get3A_568 : vector<16xf32>
      %swap3A_570 = arith.index_cast %mul3A_558 : i32 to index
      %swap3A_571 = tpu.vector_load %arg11[%swap3A_570] {strides = array<i32>} : memref<1024xf32, #tpu.memory_space<vmem>>, vector<16xf32>,
      %swap3A_572 = vector.shape_cast %swap3A_571 : vector<16xf32> to vector<16xf32>
      %swap3A_573 = vector.shape_cast %sub3A_569 : vector<16xf32> to vector<16xf32>
      tpu.vector_store %arg11[%swap3A_570], %swap3A_573 {strides = array<i32>} : memref<1024xf32, #tpu.memory_space<vmem>>, vector<16xf32>,
      %mul3A_574 = arith.constant 4 : i32
      %mul3A_575 = arith.muli %scan3A_512, %mul3A_574 : i32
      %add3A_576 = arith.constant 3 : i32
      %add3A_577 = arith.addi %mul3A_575, %add3A_576 : i32
      %mul3A_578 = arith.constant 16 : i32
      %mul3A_579 = arith.muli %add3A_577, %mul3A_578 : i32
      %get3A_580 = arith.constant 1 : i32
      %get3A_581 = arith.index_cast %get3A_580 : i32 to index
      %get3A_582 = arith.index_cast %mul3A_579 : i32 to index
      %get3A_583 = tpu.vector_load %arg10[%get3A_581, %get3A_582] {strides = array<i32>} : memref<2x1024xf32, #tpu.memory_space<vmem>>, vector<1x16xf32>,
      %get3A_584 = vector.shape_cast %get3A_583 : vector<1x16xf32> to vector<16xf32>
      %get3A_585 = arith.constant 0 : i32
      %get3A_586 = arith.index_cast %get3A_585 : i32 to index
      %get3A_587 = arith.index_cast %mul3A_579 : i32 to index
      %get3A_588 = tpu.vector_load %arg10[%get3A_586, %get3A_587] {strides = array<i32>} : memref<2x1024xf32, #tpu.memory_space<vmem>>, vector<1x16xf32>,
      %get3A_589 = vector.shape_cast %get3A_588 : vector<1x16xf32> to vector<16xf32>
      %sub3A_590 = arith.subf %get3A_584, %get3A_589 : vector<16xf32>
      %swap3A_591 = arith.index_cast %mul3A_579 : i32 to index
      %swap3A_592 = tpu.vector_load %arg11[%swap3A_591] {strides = array<i32>} : memref<1024xf32, #tpu.memory_space<vmem>>, vector<16xf32>,
      %swap3A_593 = vector.shape_cast %swap3A_592 : vector<16xf32> to vector<16xf32>
      %swap3A_594 = vector.shape_cast %sub3A_590 : vector<16xf32> to vector<16xf32>
      tpu.vector_store %arg11[%swap3A_591], %swap3A_594 {strides = array<i32>} : memref<1024xf32, #tpu.memory_space<vmem>>, vector<16xf32>,
      %scan3A_595 = arith.constant 0 : i32
      scf.yield %scan3A_595 : i32
    }
    %scan3A_10 = arith.constant 16 : i32
    %add3A_11 = arith.constant 0 : i32
    %add3A_12 = arith.addi %mul3A_2, %add3A_11 : i32
    %dma_start3A = arith.constant 0 : i32
    %dma_start3A_13 = tpu.memref_slice %arg6[%add3A_12, %dma_start3A] : memref<2048x1024xf32, #tpu.memory_space<hbm>> -> memref<16x1024xf32, #tpu.memory_space<hbm>>
    %dma_start3A_14 = arith.constant 0 : i32
    %dma_start3A_15 = tpu.memref_slice %arg6[%add3A_12, %dma_start3A_14] : memref<2048x1024xf32, #tpu.memory_space<hbm>> -> memref<16x1024xf32, #tpu.memory_space<hbm>>
    tpu.enqueue_dma source(%dma_start3A_15 : memref<16x1024xf32, #tpu.memory_space<hbm>>) target(%arg16 : memref<16x1024xf32, #tpu.memory_space<vmem>>) target_semaphore(%arg26 : memref<!tpu.dma_semaphore, #tpu.memory_space<semaphore_mem>>)
    %add3A_16 = arith.constant 16 : i32
    %add3A_17 = arith.addi %mul3A_2, %add3A_16 : i32
    %dma_start3A_18 = arith.constant 0 : i32
    %dma_start3A_19 = tpu.memref_slice %arg6[%add3A_17, %dma_start3A_18] : memref<2048x1024xf32, #tpu.memory_space<hbm>> -> memref<16x1024xf32, #tpu.memory_space<hbm>>
    %dma_start3A_20 = arith.constant 0 : i32
    %dma_start3A_21 = tpu.memref_slice %arg6[%add3A_17, %dma_start3A_20] : memref<2048x1024xf32, #tpu.memory_space<hbm>> -> memref<16x1024xf32, #tpu.memory_space<hbm>>
    tpu.enqueue_dma source(%dma_start3A_21 : memref<16x1024xf32, #tpu.memory_space<hbm>>) target(%arg17 : memref<16x1024xf32, #tpu.memory_space<vmem>>) target_semaphore(%arg27 : memref<!tpu.dma_semaphore, #tpu.memory_space<semaphore_mem>>)
    %dma_start3A_22 = arith.constant 0 : i32
    %dma_start3A_23 = arith.constant 0 : i32
    %dma_start3A_24 = tpu.memref_slice %arg8[%dma_start3A_22, %dma_start3A_23] : memref<16x16xi32, #tpu.memory_space<vmem>> -> memref<1x16xi32, #tpu.memory_space<vmem>>
    %dma_start3A_25 = tpu.memref_squeeze %dma_start3A_24 : memref<1x16xi32, #tpu.memory_space<vmem>> -> memref<16xi32, #tpu.memory_space<vmem>>
    %dma_start3A_26 = arith.constant 0 : i32
    %dma_start3A_27 = arith.constant 0 : i32
    %dma_start3A_28 = tpu.memref_slice %arg4[%dma_start3A_26, %dma_start3A_27] : memref<100000x1024xf32, #tpu.memory_space<hbm>> -> memref<100000x1024xf32, #tpu.memory_space<hbm>>
    tpu.enqueue_indirect_dma source(%dma_start3A_28 : memref<100000x1024xf32, #tpu.memory_space<hbm>>) target(%arg12 : memref<16x1024xf32, #tpu.memory_space<vmem>>) offsets(%dma_start3A_25 : memref<16xi32, #tpu.memory_space<vmem>>) semaphore(%arg18 : memref<!tpu.dma_semaphore, #tpu.memory_space<semaphore_mem>>)
    %dma_start3A_29 = arith.constant 1 : i32
    %dma_start3A_30 = arith.constant 0 : i32
    %dma_start3A_31 = tpu.memref_slice %arg8[%dma_start3A_29, %dma_start3A_30] : memref<16x16xi32, #tpu.memory_space<vmem>> -> memref<1x16xi32, #tpu.memory_space<vmem>>
    %dma_start3A_32 = tpu.memref_squeeze %dma_start3A_31 : memref<1x16xi32, #tpu.memory_space<vmem>> -> memref<16xi32, #tpu.memory_space<vmem>>
    %dma_start3A_33 = arith.constant 0 : i32
    %dma_start3A_34 = arith.constant 0 : i32
    %dma_start3A_35 = tpu.memref_slice %arg4[%dma_start3A_33, %dma_start3A_34] : memref<100000x1024xf32, #tpu.memory_space<hbm>> -> memref<100000x1024xf32, #tpu.memory_space<hbm>>
    tpu.enqueue_indirect_dma source(%dma_start3A_35 : memref<100000x1024xf32, #tpu.memory_space<hbm>>) target(%arg13 : memref<16x1024xf32, #tpu.memory_space<vmem>>) offsets(%dma_start3A_32 : memref<16xi32, #tpu.memory_space<vmem>>) semaphore(%arg19 : memref<!tpu.dma_semaphore, #tpu.memory_space<semaphore_mem>>)
    %dma_start3A_36 = arith.constant 2 : i32
    %dma_start3A_37 = arith.constant 0 : i32
    %dma_start3A_38 = tpu.memref_slice %arg8[%dma_start3A_36, %dma_start3A_37] : memref<16x16xi32, #tpu.memory_space<vmem>> -> memref<1x16xi32, #tpu.memory_space<vmem>>
    %dma_start3A_39 = tpu.memref_squeeze %dma_start3A_38 : memref<1x16xi32, #tpu.memory_space<vmem>> -> memref<16xi32, #tpu.memory_space<vmem>>
    %dma_start3A_40 = arith.constant 0 : i32
    %dma_start3A_41 = arith.constant 0 : i32
    %dma_start3A_42 = tpu.memref_slice %arg4[%dma_start3A_40, %dma_start3A_41] : memref<100000x1024xf32, #tpu.memory_space<hbm>> -> memref<100000x1024xf32, #tpu.memory_space<hbm>>
    tpu.enqueue_indirect_dma source(%dma_start3A_42 : memref<100000x1024xf32, #tpu.memory_space<hbm>>) target(%arg14 : memref<16x1024xf32, #tpu.memory_space<vmem>>) offsets(%dma_start3A_39 : memref<16xi32, #tpu.memory_space<vmem>>) semaphore(%arg20 : memref<!tpu.dma_semaphore, #tpu.memory_space<semaphore_mem>>)
    %dma_wait3A = arith.constant 0 : i32
    %dma_wait3A_43 = tpu.memref_slice %arg6[%add3A_12, %dma_wait3A] : memref<2048x1024xf32, #tpu.memory_space<hbm>> -> memref<16x1024xf32, #tpu.memory_space<hbm>>
    %dma_wait3A_44 = arith.constant 0 : i32
    %dma_wait3A_45 = tpu.memref_slice %arg6[%add3A_12, %dma_wait3A_44] : memref<2048x1024xf32, #tpu.memory_space<hbm>> -> memref<16x1024xf32, #tpu.memory_space<hbm>>
    tpu.wait_dma2 semaphore(%arg26 : memref<!tpu.dma_semaphore, #tpu.memory_space<semaphore_mem>>) src(%dma_wait3A_45 : memref<16x1024xf32, #tpu.memory_space<hbm>>) dst(%arg16 : memref<16x1024xf32, #tpu.memory_space<vmem>>)
    %dma_wait3A_46 = arith.constant 0 : i32
    %dma_wait3A_47 = arith.constant 0 : i32
    %dma_wait3A_48 = tpu.memref_slice %arg8[%dma_wait3A_46, %dma_wait3A_47] : memref<16x16xi32, #tpu.memory_space<vmem>> -> memref<1x16xi32, #tpu.memory_space<vmem>>
    %dma_wait3A_49 = tpu.memref_squeeze %dma_wait3A_48 : memref<1x16xi32, #tpu.memory_space<vmem>> -> memref<16xi32, #tpu.memory_space<vmem>>
    %dma_wait3A_50 = arith.constant 0 : i32
    %dma_wait3A_51 = arith.constant 0 : i32
    %dma_wait3A_52 = tpu.memref_slice %arg4[%dma_wait3A_50, %dma_wait3A_51] : memref<100000x1024xf32, #tpu.memory_space<hbm>> -> memref<100000x1024xf32, #tpu.memory_space<hbm>>
    tpu.wait_indirect_dma semaphore(%arg18 : memref<!tpu.dma_semaphore, #tpu.memory_space<semaphore_mem>>) src(%dma_wait3A_52 : memref<100000x1024xf32, #tpu.memory_space<hbm>>) dst(%arg12 : memref<16x1024xf32, #tpu.memory_space<vmem>>)
    %parallel_loop3A = arith.constant 0 : i32
    %parallel_loop3A_53 = arith.constant 64 : i32
    %parallel_loop3A_54 = arith.constant 1 : i32
    scf.for %parallel_loop3A_512 = %parallel_loop3A to %parallel_loop3A_53 step %parallel_loop3A_54  : i32 {
      %parallel_loop3A_513 = arith.constant 16 : i32
      %parallel_loop3A_514 = arith.muli %parallel_loop3A_512, %parallel_loop3A_513 : i32
      %parallel_loop3A_515 = arith.constant 0 : i32
      %parallel_loop3A_516 = arith.index_cast %parallel_loop3A_515 : i32 to index
      %parallel_loop3A_517 = arith.index_cast %parallel_loop3A_514 : i32 to index
      %parallel_loop3A_518 = tpu.vector_load %arg10[%parallel_loop3A_516, %parallel_loop3A_517] {strides = array<i32>} : memref<2x1024xf32, #tpu.memory_space<vmem>>, vector<1x16xf32>,
      %parallel_loop3A_519 = vector.shape_cast %parallel_loop3A_518 : vector<1x16xf32> to vector<16xf32>
      %parallel_loop3A_520 = arith.index_cast %parallel_loop3A_514 : i32 to index
      %parallel_loop3A_521 = tpu.vector_load %arg11[%parallel_loop3A_520] {strides = array<i32>} : memref<1024xf32, #tpu.memory_space<vmem>>, vector<16xf32>,
      %parallel_loop3A_522 = vector.shape_cast %parallel_loop3A_521 : vector<16xf32> to vector<16xf32>
      %parallel_loop3A_523 = arith.constant 0 : i32
      %parallel_loop3A_524 = arith.constant 16 : i32
      %parallel_loop3A_525 = arith.constant 1 : i32
      scf.for %parallel_loop3A_526 = %parallel_loop3A_523 to %parallel_loop3A_524 step %parallel_loop3A_525  : i32 {
        %parallel_loop3A_527 = arith.constant 0 : i32
        %parallel_loop3A_528 = arith.addi %parallel_loop3A_527, %parallel_loop3A_526 : i32
        %parallel_loop3A_529 = arith.constant 16 : i32
        %parallel_loop3A_530 = arith.muli %parallel_loop3A_528, %parallel_loop3A_529 : i32
        %parallel_loop3A_531 = arith.index_cast %parallel_loop3A_530 : i32 to index
        %parallel_loop3A_532 = tpu.vector_load %arg9[%parallel_loop3A_531] {strides = array<i32>} : memref<4096xf32, #tpu.memory_space<vmem>>, vector<16xf32>,
        %parallel_loop3A_533 = vector.shape_cast %parallel_loop3A_532 : vector<16xf32> to vector<16xf32>
        %parallel_loop3A_534 = arith.index_cast %parallel_loop3A_526 : i32 to index
        %parallel_loop3A_535 = arith.index_cast %parallel_loop3A_514 : i32 to index
        %parallel_loop3A_536 = tpu.vector_load %arg16[%parallel_loop3A_534, %parallel_loop3A_535] {strides = array<i32>} : memref<16x1024xf32, #tpu.memory_space<vmem>>, vector<1x16xf32>,
        %parallel_loop3A_537 = vector.shape_cast %parallel_loop3A_536 : vector<1x16xf32> to vector<16xf32>
        %parallel_loop3A_538 = arith.addf %parallel_loop3A_537, %parallel_loop3A_519 : vector<16xf32>
        %parallel_loop3A_539 = arith.mulf %parallel_loop3A_533, %parallel_loop3A_522 : vector<16xf32>
        %parallel_loop3A_540 = arith.addf %parallel_loop3A_538, %parallel_loop3A_539 : vector<16xf32>
        %parallel_loop3A_541 = arith.index_cast %parallel_loop3A_526 : i32 to index
        %parallel_loop3A_542 = arith.index_cast %parallel_loop3A_514 : i32 to index
        %parallel_loop3A_543 = tpu.vector_load %arg12[%parallel_loop3A_541, %parallel_loop3A_542] {strides = array<i32>} : memref<16x1024xf32, #tpu.memory_space<vmem>>, vector<1x16xf32>,
        %parallel_loop3A_544 = vector.shape_cast %parallel_loop3A_543 : vector<1x16xf32> to vector<16xf32>
        %parallel_loop3A_545 = vector.shape_cast %parallel_loop3A_540 : vector<16xf32> to vector<1x16xf32>
        tpu.vector_store %arg12[%parallel_loop3A_541, %parallel_loop3A_542], %parallel_loop3A_545 {add = true, strides = array<i32>} : memref<16x1024xf32, #tpu.memory_space<vmem>>, vector<1x16xf32>,
      } {sc.loop_unroll_factor = 8 : i64, sc.parallel_access}
    } {sc.loop_unroll_factor = 1 : i64, sc.parallel_access}
    %add3A_55 = arith.constant 0 : i32
    %add3A_56 = arith.addi %add3A_55, %mul3A_2 : i32
    %add3A_57 = arith.constant 0 : i32
    %add3A_58 = arith.addi %add3A_56, %add3A_57 : i32
    %dma_start3A_59 = arith.constant 0 : i32
    %dma_start3A_60 = tpu.memref_slice %arg7[%add3A_58, %dma_start3A_59] : memref<8192x1024xf32, #tpu.memory_space<hbm>> -> memref<16x1024xf32, #tpu.memory_space<hbm>>
    %dma_start3A_61 = arith.constant 0 : i32
    %dma_start3A_62 = tpu.memref_slice %arg7[%add3A_58, %dma_start3A_61] : memref<8192x1024xf32, #tpu.memory_space<hbm>> -> memref<16x1024xf32, #tpu.memory_space<hbm>>
    tpu.enqueue_dma source(%arg12 : memref<16x1024xf32, #tpu.memory_space<vmem>>) target(%dma_start3A_62 : memref<16x1024xf32, #tpu.memory_space<hbm>>) target_semaphore(%arg22 : memref<!tpu.dma_semaphore, #tpu.memory_space<semaphore_mem>>)
    %dma_start3A_63 = arith.constant 3 : i32
    %dma_start3A_64 = arith.constant 0 : i32
    %dma_start3A_65 = tpu.memref_slice %arg8[%dma_start3A_63, %dma_start3A_64] : memref<16x16xi32, #tpu.memory_space<vmem>> -> memref<1x16xi32, #tpu.memory_space<vmem>>
    %dma_start3A_66 = tpu.memref_squeeze %dma_start3A_65 : memref<1x16xi32, #tpu.memory_space<vmem>> -> memref<16xi32, #tpu.memory_space<vmem>>
    %dma_start3A_67 = arith.constant 0 : i32
    %dma_start3A_68 = arith.constant 0 : i32
    %dma_start3A_69 = tpu.memref_slice %arg4[%dma_start3A_67, %dma_start3A_68] : memref<100000x1024xf32, #tpu.memory_space<hbm>> -> memref<100000x1024xf32, #tpu.memory_space<hbm>>
    tpu.enqueue_indirect_dma source(%dma_start3A_69 : memref<100000x1024xf32, #tpu.memory_space<hbm>>) target(%arg15 : memref<16x1024xf32, #tpu.memory_space<vmem>>) offsets(%dma_start3A_66 : memref<16xi32, #tpu.memory_space<vmem>>) semaphore(%arg21 : memref<!tpu.dma_semaphore, #tpu.memory_space<semaphore_mem>>)
    %dma_wait3A_70 = arith.constant 1 : i32
    %dma_wait3A_71 = arith.constant 0 : i32
    %dma_wait3A_72 = tpu.memref_slice %arg8[%dma_wait3A_70, %dma_wait3A_71] : memref<16x16xi32, #tpu.memory_space<vmem>> -> memref<1x16xi32, #tpu.memory_space<vmem>>
    %dma_wait3A_73 = tpu.memref_squeeze %dma_wait3A_72 : memref<1x16xi32, #tpu.memory_space<vmem>> -> memref<16xi32, #tpu.memory_space<vmem>>
    %dma_wait3A_74 = arith.constant 0 : i32
    %dma_wait3A_75 = arith.constant 0 : i32
    %dma_wait3A_76 = tpu.memref_slice %arg4[%dma_wait3A_74, %dma_wait3A_75] : memref<100000x1024xf32, #tpu.memory_space<hbm>> -> memref<100000x1024xf32, #tpu.memory_space<hbm>>
    tpu.wait_indirect_dma semaphore(%arg19 : memref<!tpu.dma_semaphore, #tpu.memory_space<semaphore_mem>>) src(%dma_wait3A_76 : memref<100000x1024xf32, #tpu.memory_space<hbm>>) dst(%arg13 : memref<16x1024xf32, #tpu.memory_space<vmem>>)
    %parallel_loop3A_77 = arith.constant 0 : i32
    %parallel_loop3A_78 = arith.constant 64 : i32
    %parallel_loop3A_79 = arith.constant 1 : i32
    scf.for %parallel_loop3A_512 = %parallel_loop3A_77 to %parallel_loop3A_78 step %parallel_loop3A_79  : i32 {
      %parallel_loop3A_513 = arith.constant 16 : i32
      %parallel_loop3A_514 = arith.muli %parallel_loop3A_512, %parallel_loop3A_513 : i32
      %parallel_loop3A_515 = arith.constant 0 : i32
      %parallel_loop3A_516 = arith.index_cast %parallel_loop3A_515 : i32 to index
      %parallel_loop3A_517 = arith.index_cast %parallel_loop3A_514 : i32 to index
      %parallel_loop3A_518 = tpu.vector_load %arg10[%parallel_loop3A_516, %parallel_loop3A_517] {strides = array<i32>} : memref<2x1024xf32, #tpu.memory_space<vmem>>, vector<1x16xf32>,
      %parallel_loop3A_519 = vector.shape_cast %parallel_loop3A_518 : vector<1x16xf32> to vector<16xf32>
      %parallel_loop3A_520 = arith.index_cast %parallel_loop3A_514 : i32 to index
      %parallel_loop3A_521 = tpu.vector_load %arg11[%parallel_loop3A_520] {strides = array<i32>} : memref<1024xf32, #tpu.memory_space<vmem>>, vector<16xf32>,
      %parallel_loop3A_522 = vector.shape_cast %parallel_loop3A_521 : vector<16xf32> to vector<16xf32>
      %parallel_loop3A_523 = arith.constant 0 : i32
      %parallel_loop3A_524 = arith.constant 16 : i32
      %parallel_loop3A_525 = arith.constant 1 : i32
      scf.for %parallel_loop3A_526 = %parallel_loop3A_523 to %parallel_loop3A_524 step %parallel_loop3A_525  : i32 {
        %parallel_loop3A_527 = arith.constant 16 : i32
        %parallel_loop3A_528 = arith.addi %parallel_loop3A_527, %parallel_loop3A_526 : i32
        %parallel_loop3A_529 = arith.constant 16 : i32
        %parallel_loop3A_530 = arith.muli %parallel_loop3A_528, %parallel_loop3A_529 : i32
        %parallel_loop3A_531 = arith.index_cast %parallel_loop3A_530 : i32 to index
        %parallel_loop3A_532 = tpu.vector_load %arg9[%parallel_loop3A_531] {strides = array<i32>} : memref<4096xf32, #tpu.memory_space<vmem>>, vector<16xf32>,
        %parallel_loop3A_533 = vector.shape_cast %parallel_loop3A_532 : vector<16xf32> to vector<16xf32>
        %parallel_loop3A_534 = arith.index_cast %parallel_loop3A_526 : i32 to index
        %parallel_loop3A_535 = arith.index_cast %parallel_loop3A_514 : i32 to index
        %parallel_loop3A_536 = tpu.vector_load %arg16[%parallel_loop3A_534, %parallel_loop3A_535] {strides = array<i32>} : memref<16x1024xf32, #tpu.memory_space<vmem>>, vector<1x16xf32>,
        %parallel_loop3A_537 = vector.shape_cast %parallel_loop3A_536 : vector<1x16xf32> to vector<16xf32>
        %parallel_loop3A_538 = arith.addf %parallel_loop3A_537, %parallel_loop3A_519 : vector<16xf32>
        %parallel_loop3A_539 = arith.mulf %parallel_loop3A_533, %parallel_loop3A_522 : vector<16xf32>
        %parallel_loop3A_540 = arith.addf %parallel_loop3A_538, %parallel_loop3A_539 : vector<16xf32>
        %parallel_loop3A_541 = arith.index_cast %parallel_loop3A_526 : i32 to index
        %parallel_loop3A_542 = arith.index_cast %parallel_loop3A_514 : i32 to index
        %parallel_loop3A_543 = tpu.vector_load %arg13[%parallel_loop3A_541, %parallel_loop3A_542] {strides = array<i32>} : memref<16x1024xf32, #tpu.memory_space<vmem>>, vector<1x16xf32>,
        %parallel_loop3A_544 = vector.shape_cast %parallel_loop3A_543 : vector<1x16xf32> to vector<16xf32>
        %parallel_loop3A_545 = vector.shape_cast %parallel_loop3A_540 : vector<16xf32> to vector<1x16xf32>
        tpu.vector_store %arg13[%parallel_loop3A_541, %parallel_loop3A_542], %parallel_loop3A_545 {add = true, strides = array<i32>} : memref<16x1024xf32, #tpu.memory_space<vmem>>, vector<1x16xf32>,
      } {sc.loop_unroll_factor = 8 : i64, sc.parallel_access}
    } {sc.loop_unroll_factor = 1 : i64, sc.parallel_access}
    %add3A_80 = arith.constant 2048 : i32
    %add3A_81 = arith.addi %add3A_80, %mul3A_2 : i32
    %add3A_82 = arith.constant 0 : i32
    %add3A_83 = arith.addi %add3A_81, %add3A_82 : i32
    %dma_start3A_84 = arith.constant 0 : i32
    %dma_start3A_85 = tpu.memref_slice %arg7[%add3A_83, %dma_start3A_84] : memref<8192x1024xf32, #tpu.memory_space<hbm>> -> memref<16x1024xf32, #tpu.memory_space<hbm>>
    %dma_start3A_86 = arith.constant 0 : i32
    %dma_start3A_87 = tpu.memref_slice %arg7[%add3A_83, %dma_start3A_86] : memref<8192x1024xf32, #tpu.memory_space<hbm>> -> memref<16x1024xf32, #tpu.memory_space<hbm>>
    tpu.enqueue_dma source(%arg13 : memref<16x1024xf32, #tpu.memory_space<vmem>>) target(%dma_start3A_87 : memref<16x1024xf32, #tpu.memory_space<hbm>>) target_semaphore(%arg23 : memref<!tpu.dma_semaphore, #tpu.memory_space<semaphore_mem>>)
    %dma_wait3A_88 = arith.constant 0 : i32
    %dma_wait3A_89 = tpu.memref_slice %arg7[%add3A_58, %dma_wait3A_88] : memref<8192x1024xf32, #tpu.memory_space<hbm>> -> memref<16x1024xf32, #tpu.memory_space<hbm>>
    %dma_wait3A_90 = arith.constant 0 : i32
    %dma_wait3A_91 = tpu.memref_slice %arg7[%add3A_58, %dma_wait3A_90] : memref<8192x1024xf32, #tpu.memory_space<hbm>> -> memref<16x1024xf32, #tpu.memory_space<hbm>>
    tpu.wait_dma2 semaphore(%arg22 : memref<!tpu.dma_semaphore, #tpu.memory_space<semaphore_mem>>) src(%arg12 : memref<16x1024xf32, #tpu.memory_space<vmem>>) dst(%dma_wait3A_91 : memref<16x1024xf32, #tpu.memory_space<hbm>>)
    %dma_start3A_92 = arith.constant 4 : i32
    %dma_start3A_93 = arith.constant 0 : i32
    %dma_start3A_94 = tpu.memref_slice %arg8[%dma_start3A_92, %dma_start3A_93] : memref<16x16xi32, #tpu.memory_space<vmem>> -> memref<1x16xi32, #tpu.memory_space<vmem>>
    %dma_start3A_95 = tpu.memref_squeeze %dma_start3A_94 : memref<1x16xi32, #tpu.memory_space<vmem>> -> memref<16xi32, #tpu.memory_space<vmem>>
    %dma_start3A_96 = arith.constant 0 : i32
    %dma_start3A_97 = arith.constant 0 : i32
    %dma_start3A_98 = tpu.memref_slice %arg4[%dma_start3A_96, %dma_start3A_97] : memref<100000x1024xf32, #tpu.memory_space<hbm>> -> memref<100000x1024xf32, #tpu.memory_space<hbm>>
    tpu.enqueue_indirect_dma source(%dma_start3A_98 : memref<100000x1024xf32, #tpu.memory_space<hbm>>) target(%arg12 : memref<16x1024xf32, #tpu.memory_space<vmem>>) offsets(%dma_start3A_95 : memref<16xi32, #tpu.memory_space<vmem>>) semaphore(%arg18 : memref<!tpu.dma_semaphore, #tpu.memory_space<semaphore_mem>>)
    %dma_wait3A_99 = arith.constant 2 : i32
    %dma_wait3A_100 = arith.constant 0 : i32
    %dma_wait3A_101 = tpu.memref_slice %arg8[%dma_wait3A_99, %dma_wait3A_100] : memref<16x16xi32, #tpu.memory_space<vmem>> -> memref<1x16xi32, #tpu.memory_space<vmem>>
    %dma_wait3A_102 = tpu.memref_squeeze %dma_wait3A_101 : memref<1x16xi32, #tpu.memory_space<vmem>> -> memref<16xi32, #tpu.memory_space<vmem>>
    %dma_wait3A_103 = arith.constant 0 : i32
    %dma_wait3A_104 = arith.constant 0 : i32
    %dma_wait3A_105 = tpu.memref_slice %arg4[%dma_wait3A_103, %dma_wait3A_104] : memref<100000x1024xf32, #tpu.memory_space<hbm>> -> memref<100000x1024xf32, #tpu.memory_space<hbm>>
    tpu.wait_indirect_dma semaphore(%arg20 : memref<!tpu.dma_semaphore, #tpu.memory_space<semaphore_mem>>) src(%dma_wait3A_105 : memref<100000x1024xf32, #tpu.memory_space<hbm>>) dst(%arg14 : memref<16x1024xf32, #tpu.memory_space<vmem>>)
    %parallel_loop3A_106 = arith.constant 0 : i32
    %parallel_loop3A_107 = arith.constant 64 : i32
    %parallel_loop3A_108 = arith.constant 1 : i32
    scf.for %parallel_loop3A_512 = %parallel_loop3A_106 to %parallel_loop3A_107 step %parallel_loop3A_108  : i32 {
      %parallel_loop3A_513 = arith.constant 16 : i32
      %parallel_loop3A_514 = arith.muli %parallel_loop3A_512, %parallel_loop3A_513 : i32
      %parallel_loop3A_515 = arith.constant 0 : i32
      %parallel_loop3A_516 = arith.index_cast %parallel_loop3A_515 : i32 to index
      %parallel_loop3A_517 = arith.index_cast %parallel_loop3A_514 : i32 to index
      %parallel_loop3A_518 = tpu.vector_load %arg10[%parallel_loop3A_516, %parallel_loop3A_517] {strides = array<i32>} : memref<2x1024xf32, #tpu.memory_space<vmem>>, vector<1x16xf32>,
      %parallel_loop3A_519 = vector.shape_cast %parallel_loop3A_518 : vector<1x16xf32> to vector<16xf32>
      %parallel_loop3A_520 = arith.index_cast %parallel_loop3A_514 : i32 to index
      %parallel_loop3A_521 = tpu.vector_load %arg11[%parallel_loop3A_520] {strides = array<i32>} : memref<1024xf32, #tpu.memory_space<vmem>>, vector<16xf32>,
      %parallel_loop3A_522 = vector.shape_cast %parallel_loop3A_521 : vector<16xf32> to vector<16xf32>
      %parallel_loop3A_523 = arith.constant 0 : i32
      %parallel_loop3A_524 = arith.constant 16 : i32
      %parallel_loop3A_525 = arith.constant 1 : i32
      scf.for %parallel_loop3A_526 = %parallel_loop3A_523 to %parallel_loop3A_524 step %parallel_loop3A_525  : i32 {
        %parallel_loop3A_527 = arith.constant 32 : i32
        %parallel_loop3A_528 = arith.addi %parallel_loop3A_527, %parallel_loop3A_526 : i32
        %parallel_loop3A_529 = arith.constant 16 : i32
        %parallel_loop3A_530 = arith.muli %parallel_loop3A_528, %parallel_loop3A_529 : i32
        %parallel_loop3A_531 = arith.index_cast %parallel_loop3A_530 : i32 to index
        %parallel_loop3A_532 = tpu.vector_load %arg9[%parallel_loop3A_531] {strides = array<i32>} : memref<4096xf32, #tpu.memory_space<vmem>>, vector<16xf32>,
        %parallel_loop3A_533 = vector.shape_cast %parallel_loop3A_532 : vector<16xf32> to vector<16xf32>
        %parallel_loop3A_534 = arith.index_cast %parallel_loop3A_526 : i32 to index
        %parallel_loop3A_535 = arith.index_cast %parallel_loop3A_514 : i32 to index
        %parallel_loop3A_536 = tpu.vector_load %arg16[%parallel_loop3A_534, %parallel_loop3A_535] {strides = array<i32>} : memref<16x1024xf32, #tpu.memory_space<vmem>>, vector<1x16xf32>,
        %parallel_loop3A_537 = vector.shape_cast %parallel_loop3A_536 : vector<1x16xf32> to vector<16xf32>
        %parallel_loop3A_538 = arith.addf %parallel_loop3A_537, %parallel_loop3A_519 : vector<16xf32>
        %parallel_loop3A_539 = arith.mulf %parallel_loop3A_533, %parallel_loop3A_522 : vector<16xf32>
        %parallel_loop3A_540 = arith.addf %parallel_loop3A_538, %parallel_loop3A_539 : vector<16xf32>
        %parallel_loop3A_541 = arith.index_cast %parallel_loop3A_526 : i32 to index
        %parallel_loop3A_542 = arith.index_cast %parallel_loop3A_514 : i32 to index
        %parallel_loop3A_543 = tpu.vector_load %arg14[%parallel_loop3A_541, %parallel_loop3A_542] {strides = array<i32>} : memref<16x1024xf32, #tpu.memory_space<vmem>>, vector<1x16xf32>,
        %parallel_loop3A_544 = vector.shape_cast %parallel_loop3A_543 : vector<1x16xf32> to vector<16xf32>
        %parallel_loop3A_545 = vector.shape_cast %parallel_loop3A_540 : vector<16xf32> to vector<1x16xf32>
        tpu.vector_store %arg14[%parallel_loop3A_541, %parallel_loop3A_542], %parallel_loop3A_545 {add = true, strides = array<i32>} : memref<16x1024xf32, #tpu.memory_space<vmem>>, vector<1x16xf32>,
      } {sc.loop_unroll_factor = 8 : i64, sc.parallel_access}
    } {sc.loop_unroll_factor = 1 : i64, sc.parallel_access}
    %add3A_109 = arith.constant 4096 : i32
    %add3A_110 = arith.addi %add3A_109, %mul3A_2 : i32
    %add3A_111 = arith.constant 0 : i32
    %add3A_112 = arith.addi %add3A_110, %add3A_111 : i32
    %dma_start3A_113 = arith.constant 0 : i32
    %dma_start3A_114 = tpu.memref_slice %arg7[%add3A_112, %dma_start3A_113] : memref<8192x1024xf32, #tpu.memory_space<hbm>> -> memref<16x1024xf32, #tpu.memory_space<hbm>>
    %dma_start3A_115 = arith.constant 0 : i32
    %dma_start3A_116 = tpu.memref_slice %arg7[%add3A_112, %dma_start3A_115] : memref<8192x1024xf32, #tpu.memory_space<hbm>> -> memref<16x1024xf32, #tpu.memory_space<hbm>>
    tpu.enqueue_dma source(%arg14 : memref<16x1024xf32, #tpu.memory_space<vmem>>) target(%dma_start3A_116 : memref<16x1024xf32, #tpu.memory_space<hbm>>) target_semaphore(%arg24 : memref<!tpu.dma_semaphore, #tpu.memory_space<semaphore_mem>>)
    %dma_wait3A_117 = arith.constant 0 : i32
    %dma_wait3A_118 = tpu.memref_slice %arg7[%add3A_83, %dma_wait3A_117] : memref<8192x1024xf32, #tpu.memory_space<hbm>> -> memref<16x1024xf32, #tpu.memory_space<hbm>>
    %dma_wait3A_119 = arith.constant 0 : i32
    %dma_wait3A_120 = tpu.memref_slice %arg7[%add3A_83, %dma_wait3A_119] : memref<8192x1024xf32, #tpu.memory_space<hbm>> -> memref<16x1024xf32, #tpu.memory_space<hbm>>
    tpu.wait_dma2 semaphore(%arg23 : memref<!tpu.dma_semaphore, #tpu.memory_space<semaphore_mem>>) src(%arg13 : memref<16x1024xf32, #tpu.memory_space<vmem>>) dst(%dma_wait3A_120 : memref<16x1024xf32, #tpu.memory_space<hbm>>)
    %dma_start3A_121 = arith.constant 5 : i32
    %dma_start3A_122 = arith.constant 0 : i32
    %dma_start3A_123 = tpu.memref_slice %arg8[%dma_start3A_121, %dma_start3A_122] : memref<16x16xi32, #tpu.memory_space<vmem>> -> memref<1x16xi32, #tpu.memory_space<vmem>>
    %dma_start3A_124 = tpu.memref_squeeze %dma_start3A_123 : memref<1x16xi32, #tpu.memory_space<vmem>> -> memref<16xi32, #tpu.memory_space<vmem>>
    %dma_start3A_125 = arith.constant 0 : i32
    %dma_start3A_126 = arith.constant 0 : i32
    %dma_start3A_127 = tpu.memref_slice %arg4[%dma_start3A_125, %dma_start3A_126] : memref<100000x1024xf32, #tpu.memory_space<hbm>> -> memref<100000x1024xf32, #tpu.memory_space<hbm>>
    tpu.enqueue_indirect_dma source(%dma_start3A_127 : memref<100000x1024xf32, #tpu.memory_space<hbm>>) target(%arg13 : memref<16x1024xf32, #tpu.memory_space<vmem>>) offsets(%dma_start3A_124 : memref<16xi32, #tpu.memory_space<vmem>>) semaphore(%arg19 : memref<!tpu.dma_semaphore, #tpu.memory_space<semaphore_mem>>)
    %dma_wait3A_128 = arith.constant 3 : i32
    %dma_wait3A_129 = arith.constant 0 : i32
    %dma_wait3A_130 = tpu.memref_slice %arg8[%dma_wait3A_128, %dma_wait3A_129] : memref<16x16xi32, #tpu.memory_space<vmem>> -> memref<1x16xi32, #tpu.memory_space<vmem>>
    %dma_wait3A_131 = tpu.memref_squeeze %dma_wait3A_130 : memref<1x16xi32, #tpu.memory_space<vmem>> -> memref<16xi32, #tpu.memory_space<vmem>>
    %dma_wait3A_132 = arith.constant 0 : i32
    %dma_wait3A_133 = arith.constant 0 : i32
    %dma_wait3A_134 = tpu.memref_slice %arg4[%dma_wait3A_132, %dma_wait3A_133] : memref<100000x1024xf32, #tpu.memory_space<hbm>> -> memref<100000x1024xf32, #tpu.memory_space<hbm>>
    tpu.wait_indirect_dma semaphore(%arg21 : memref<!tpu.dma_semaphore, #tpu.memory_space<semaphore_mem>>) src(%dma_wait3A_134 : memref<100000x1024xf32, #tpu.memory_space<hbm>>) dst(%arg15 : memref<16x1024xf32, #tpu.memory_space<vmem>>)
    %parallel_loop3A_135 = arith.constant 0 : i32
    %parallel_loop3A_136 = arith.constant 64 : i32
    %parallel_loop3A_137 = arith.constant 1 : i32
    scf.for %parallel_loop3A_512 = %parallel_loop3A_135 to %parallel_loop3A_136 step %parallel_loop3A_137  : i32 {
      %parallel_loop3A_513 = arith.constant 16 : i32
      %parallel_loop3A_514 = arith.muli %parallel_loop3A_512, %parallel_loop3A_513 : i32
      %parallel_loop3A_515 = arith.constant 0 : i32
      %parallel_loop3A_516 = arith.index_cast %parallel_loop3A_515 : i32 to index
      %parallel_loop3A_517 = arith.index_cast %parallel_loop3A_514 : i32 to index
      %parallel_loop3A_518 = tpu.vector_load %arg10[%parallel_loop3A_516, %parallel_loop3A_517] {strides = array<i32>} : memref<2x1024xf32, #tpu.memory_space<vmem>>, vector<1x16xf32>,
      %parallel_loop3A_519 = vector.shape_cast %parallel_loop3A_518 : vector<1x16xf32> to vector<16xf32>
      %parallel_loop3A_520 = arith.index_cast %parallel_loop3A_514 : i32 to index
      %parallel_loop3A_521 = tpu.vector_load %arg11[%parallel_loop3A_520] {strides = array<i32>} : memref<1024xf32, #tpu.memory_space<vmem>>, vector<16xf32>,
      %parallel_loop3A_522 = vector.shape_cast %parallel_loop3A_521 : vector<16xf32> to vector<16xf32>
      %parallel_loop3A_523 = arith.constant 0 : i32
      %parallel_loop3A_524 = arith.constant 16 : i32
      %parallel_loop3A_525 = arith.constant 1 : i32
      scf.for %parallel_loop3A_526 = %parallel_loop3A_523 to %parallel_loop3A_524 step %parallel_loop3A_525  : i32 {
        %parallel_loop3A_527 = arith.constant 48 : i32
        %parallel_loop3A_528 = arith.addi %parallel_loop3A_527, %parallel_loop3A_526 : i32
        %parallel_loop3A_529 = arith.constant 16 : i32
        %parallel_loop3A_530 = arith.muli %parallel_loop3A_528, %parallel_loop3A_529 : i32
        %parallel_loop3A_531 = arith.index_cast %parallel_loop3A_530 : i32 to index
        %parallel_loop3A_532 = tpu.vector_load %arg9[%parallel_loop3A_531] {strides = array<i32>} : memref<4096xf32, #tpu.memory_space<vmem>>, vector<16xf32>,
        %parallel_loop3A_533 = vector.shape_cast %parallel_loop3A_532 : vector<16xf32> to vector<16xf32>
        %parallel_loop3A_534 = arith.index_cast %parallel_loop3A_526 : i32 to index
        %parallel_loop3A_535 = arith.index_cast %parallel_loop3A_514 : i32 to index
        %parallel_loop3A_536 = tpu.vector_load %arg16[%parallel_loop3A_534, %parallel_loop3A_535] {strides = array<i32>} : memref<16x1024xf32, #tpu.memory_space<vmem>>, vector<1x16xf32>,
        %parallel_loop3A_537 = vector.shape_cast %parallel_loop3A_536 : vector<1x16xf32> to vector<16xf32>
        %parallel_loop3A_538 = arith.addf %parallel_loop3A_537, %parallel_loop3A_519 : vector<16xf32>
        %parallel_loop3A_539 = arith.mulf %parallel_loop3A_533, %parallel_loop3A_522 : vector<16xf32>
        %parallel_loop3A_540 = arith.addf %parallel_loop3A_538, %parallel_loop3A_539 : vector<16xf32>
        %parallel_loop3A_541 = arith.index_cast %parallel_loop3A_526 : i32 to index
        %parallel_loop3A_542 = arith.index_cast %parallel_loop3A_514 : i32 to index
        %parallel_loop3A_543 = tpu.vector_load %arg15[%parallel_loop3A_541, %parallel_loop3A_542] {strides = array<i32>} : memref<16x1024xf32, #tpu.memory_space<vmem>>, vector<1x16xf32>,
        %parallel_loop3A_544 = vector.shape_cast %parallel_loop3A_543 : vector<1x16xf32> to vector<16xf32>
        %parallel_loop3A_545 = vector.shape_cast %parallel_loop3A_540 : vector<16xf32> to vector<1x16xf32>
        tpu.vector_store %arg15[%parallel_loop3A_541, %parallel_loop3A_542], %parallel_loop3A_545 {add = true, strides = array<i32>} : memref<16x1024xf32, #tpu.memory_space<vmem>>, vector<1x16xf32>,
      } {sc.loop_unroll_factor = 8 : i64, sc.parallel_access}
    } {sc.loop_unroll_factor = 1 : i64, sc.parallel_access}
    %add3A_138 = arith.constant 6144 : i32
    %add3A_139 = arith.addi %add3A_138, %mul3A_2 : i32
    %add3A_140 = arith.constant 0 : i32
    %add3A_141 = arith.addi %add3A_139, %add3A_140 : i32
    %dma_start3A_142 = arith.constant 0 : i32
    %dma_start3A_143 = tpu.memref_slice %arg7[%add3A_141, %dma_start3A_142] : memref<8192x1024xf32, #tpu.memory_space<hbm>> -> memref<16x1024xf32, #tpu.memory_space<hbm>>
    %dma_start3A_144 = arith.constant 0 : i32
    %dma_start3A_145 = tpu.memref_slice %arg7[%add3A_141, %dma_start3A_144] : memref<8192x1024xf32, #tpu.memory_space<hbm>> -> memref<16x1024xf32, #tpu.memory_space<hbm>>
    tpu.enqueue_dma source(%arg15 : memref<16x1024xf32, #tpu.memory_space<vmem>>) target(%dma_start3A_145 : memref<16x1024xf32, #tpu.memory_space<hbm>>) target_semaphore(%arg25 : memref<!tpu.dma_semaphore, #tpu.memory_space<semaphore_mem>>)
    %add3A_146 = arith.constant 32 : i32
    %add3A_147 = arith.addi %mul3A_2, %add3A_146 : i32
    %dma_start3A_148 = arith.constant 0 : i32
    %dma_start3A_149 = tpu.memref_slice %arg6[%add3A_147, %dma_start3A_148] : memref<2048x1024xf32, #tpu.memory_space<hbm>> -> memref<16x1024xf32, #tpu.memory_space<hbm>>
    %dma_start3A_150 = arith.constant 0 : i32
    %dma_start3A_151 = tpu.memref_slice %arg6[%add3A_147, %dma_start3A_150] : memref<2048x1024xf32, #tpu.memory_space<hbm>> -> memref<16x1024xf32, #tpu.memory_space<hbm>>
    tpu.enqueue_dma source(%dma_start3A_151 : memref<16x1024xf32, #tpu.memory_space<hbm>>) target(%arg16 : memref<16x1024xf32, #tpu.memory_space<vmem>>) target_semaphore(%arg26 : memref<!tpu.dma_semaphore, #tpu.memory_space<semaphore_mem>>)
    %dma_wait3A_152 = arith.constant 0 : i32
    %dma_wait3A_153 = tpu.memref_slice %arg7[%add3A_112, %dma_wait3A_152] : memref<8192x1024xf32, #tpu.memory_space<hbm>> -> memref<16x1024xf32, #tpu.memory_space<hbm>>
    %dma_wait3A_154 = arith.constant 0 : i32
    %dma_wait3A_155 = tpu.memref_slice %arg7[%add3A_112, %dma_wait3A_154] : memref<8192x1024xf32, #tpu.memory_space<hbm>> -> memref<16x1024xf32, #tpu.memory_space<hbm>>
    tpu.wait_dma2 semaphore(%arg24 : memref<!tpu.dma_semaphore, #tpu.memory_space<semaphore_mem>>) src(%arg14 : memref<16x1024xf32, #tpu.memory_space<vmem>>) dst(%dma_wait3A_155 : memref<16x1024xf32, #tpu.memory_space<hbm>>)
    %dma_start3A_156 = arith.constant 6 : i32
    %dma_start3A_157 = arith.constant 0 : i32
    %dma_start3A_158 = tpu.memref_slice %arg8[%dma_start3A_156, %dma_start3A_157] : memref<16x16xi32, #tpu.memory_space<vmem>> -> memref<1x16xi32, #tpu.memory_space<vmem>>
    %dma_start3A_159 = tpu.memref_squeeze %dma_start3A_158 : memref<1x16xi32, #tpu.memory_space<vmem>> -> memref<16xi32, #tpu.memory_space<vmem>>
    %dma_start3A_160 = arith.constant 0 : i32
    %dma_start3A_161 = arith.constant 0 : i32
    %dma_start3A_162 = tpu.memref_slice %arg4[%dma_start3A_160, %dma_start3A_161] : memref<100000x1024xf32, #tpu.memory_space<hbm>> -> memref<100000x1024xf32, #tpu.memory_space<hbm>>
    tpu.enqueue_indirect_dma source(%dma_start3A_162 : memref<100000x1024xf32, #tpu.memory_space<hbm>>) target(%arg14 : memref<16x1024xf32, #tpu.memory_space<vmem>>) offsets(%dma_start3A_159 : memref<16xi32, #tpu.memory_space<vmem>>) semaphore(%arg20 : memref<!tpu.dma_semaphore, #tpu.memory_space<semaphore_mem>>)
    %dma_wait3A_163 = arith.constant 0 : i32
    %dma_wait3A_164 = tpu.memref_slice %arg6[%add3A_17, %dma_wait3A_163] : memref<2048x1024xf32, #tpu.memory_space<hbm>> -> memref<16x1024xf32, #tpu.memory_space<hbm>>
    %dma_wait3A_165 = arith.constant 0 : i32
    %dma_wait3A_166 = tpu.memref_slice %arg6[%add3A_17, %dma_wait3A_165] : memref<2048x1024xf32, #tpu.memory_space<hbm>> -> memref<16x1024xf32, #tpu.memory_space<hbm>>
    tpu.wait_dma2 semaphore(%arg27 : memref<!tpu.dma_semaphore, #tpu.memory_space<semaphore_mem>>) src(%dma_wait3A_166 : memref<16x1024xf32, #tpu.memory_space<hbm>>) dst(%arg17 : memref<16x1024xf32, #tpu.memory_space<vmem>>)
    %dma_wait3A_167 = arith.constant 4 : i32
    %dma_wait3A_168 = arith.constant 0 : i32
    %dma_wait3A_169 = tpu.memref_slice %arg8[%dma_wait3A_167, %dma_wait3A_168] : memref<16x16xi32, #tpu.memory_space<vmem>> -> memref<1x16xi32, #tpu.memory_space<vmem>>
    %dma_wait3A_170 = tpu.memref_squeeze %dma_wait3A_169 : memref<1x16xi32, #tpu.memory_space<vmem>> -> memref<16xi32, #tpu.memory_space<vmem>>
    %dma_wait3A_171 = arith.constant 0 : i32
    %dma_wait3A_172 = arith.constant 0 : i32
    %dma_wait3A_173 = tpu.memref_slice %arg4[%dma_wait3A_171, %dma_wait3A_172] : memref<100000x1024xf32, #tpu.memory_space<hbm>> -> memref<100000x1024xf32, #tpu.memory_space<hbm>>
    tpu.wait_indirect_dma semaphore(%arg18 : memref<!tpu.dma_semaphore, #tpu.memory_space<semaphore_mem>>) src(%dma_wait3A_173 : memref<100000x1024xf32, #tpu.memory_space<hbm>>) dst(%arg12 : memref<16x1024xf32, #tpu.memory_space<vmem>>)
    %parallel_loop3A_174 = arith.constant 0 : i32
    %parallel_loop3A_175 = arith.constant 64 : i32
    %parallel_loop3A_176 = arith.constant 1 : i32
    scf.for %parallel_loop3A_512 = %parallel_loop3A_174 to %parallel_loop3A_175 step %parallel_loop3A_176  : i32 {
      %parallel_loop3A_513 = arith.constant 16 : i32
      %parallel_loop3A_514 = arith.muli %parallel_loop3A_512, %parallel_loop3A_513 : i32
      %parallel_loop3A_515 = arith.constant 0 : i32
      %parallel_loop3A_516 = arith.index_cast %parallel_loop3A_515 : i32 to index
      %parallel_loop3A_517 = arith.index_cast %parallel_loop3A_514 : i32 to index
      %parallel_loop3A_518 = tpu.vector_load %arg10[%parallel_loop3A_516, %parallel_loop3A_517] {strides = array<i32>} : memref<2x1024xf32, #tpu.memory_space<vmem>>, vector<1x16xf32>,
      %parallel_loop3A_519 = vector.shape_cast %parallel_loop3A_518 : vector<1x16xf32> to vector<16xf32>
      %parallel_loop3A_520 = arith.index_cast %parallel_loop3A_514 : i32 to index
      %parallel_loop3A_521 = tpu.vector_load %arg11[%parallel_loop3A_520] {strides = array<i32>} : memref<1024xf32, #tpu.memory_space<vmem>>, vector<16xf32>,
      %parallel_loop3A_522 = vector.shape_cast %parallel_loop3A_521 : vector<16xf32> to vector<16xf32>
      %parallel_loop3A_523 = arith.constant 0 : i32
      %parallel_loop3A_524 = arith.constant 16 : i32
      %parallel_loop3A_525 = arith.constant 1 : i32
      scf.for %parallel_loop3A_526 = %parallel_loop3A_523 to %parallel_loop3A_524 step %parallel_loop3A_525  : i32 {
        %parallel_loop3A_527 = arith.constant 64 : i32
        %parallel_loop3A_528 = arith.addi %parallel_loop3A_527, %parallel_loop3A_526 : i32
        %parallel_loop3A_529 = arith.constant 16 : i32
        %parallel_loop3A_530 = arith.muli %parallel_loop3A_528, %parallel_loop3A_529 : i32
        %parallel_loop3A_531 = arith.index_cast %parallel_loop3A_530 : i32 to index
        %parallel_loop3A_532 = tpu.vector_load %arg9[%parallel_loop3A_531] {strides = array<i32>} : memref<4096xf32, #tpu.memory_space<vmem>>, vector<16xf32>,
        %parallel_loop3A_533 = vector.shape_cast %parallel_loop3A_532 : vector<16xf32> to vector<16xf32>
        %parallel_loop3A_534 = arith.index_cast %parallel_loop3A_526 : i32 to index
        %parallel_loop3A_535 = arith.index_cast %parallel_loop3A_514 : i32 to index
        %parallel_loop3A_536 = tpu.vector_load %arg17[%parallel_loop3A_534, %parallel_loop3A_535] {strides = array<i32>} : memref<16x1024xf32, #tpu.memory_space<vmem>>, vector<1x16xf32>,
        %parallel_loop3A_537 = vector.shape_cast %parallel_loop3A_536 : vector<1x16xf32> to vector<16xf32>
        %parallel_loop3A_538 = arith.addf %parallel_loop3A_537, %parallel_loop3A_519 : vector<16xf32>
        %parallel_loop3A_539 = arith.mulf %parallel_loop3A_533, %parallel_loop3A_522 : vector<16xf32>
        %parallel_loop3A_540 = arith.addf %parallel_loop3A_538, %parallel_loop3A_539 : vector<16xf32>
        %parallel_loop3A_541 = arith.index_cast %parallel_loop3A_526 : i32 to index
        %parallel_loop3A_542 = arith.index_cast %parallel_loop3A_514 : i32 to index
        %parallel_loop3A_543 = tpu.vector_load %arg12[%parallel_loop3A_541, %parallel_loop3A_542] {strides = array<i32>} : memref<16x1024xf32, #tpu.memory_space<vmem>>, vector<1x16xf32>,
        %parallel_loop3A_544 = vector.shape_cast %parallel_loop3A_543 : vector<1x16xf32> to vector<16xf32>
        %parallel_loop3A_545 = vector.shape_cast %parallel_loop3A_540 : vector<16xf32> to vector<1x16xf32>
        tpu.vector_store %arg12[%parallel_loop3A_541, %parallel_loop3A_542], %parallel_loop3A_545 {add = true, strides = array<i32>} : memref<16x1024xf32, #tpu.memory_space<vmem>>, vector<1x16xf32>,
      } {sc.loop_unroll_factor = 8 : i64, sc.parallel_access}
    } {sc.loop_unroll_factor = 1 : i64, sc.parallel_access}
    %add3A_177 = arith.constant 0 : i32
    %add3A_178 = arith.addi %add3A_177, %mul3A_2 : i32
    %add3A_179 = arith.constant 16 : i32
    %add3A_180 = arith.addi %add3A_178, %add3A_179 : i32
    %dma_start3A_181 = arith.constant 0 : i32
    %dma_start3A_182 = tpu.memref_slice %arg7[%add3A_180, %dma_start3A_181] : memref<8192x1024xf32, #tpu.memory_space<hbm>> -> memref<16x1024xf32, #tpu.memory_space<hbm>>
    %dma_start3A_183 = arith.constant 0 : i32
    %dma_start3A_184 = tpu.memref_slice %arg7[%add3A_180, %dma_start3A_183] : memref<8192x1024xf32, #tpu.memory_space<hbm>> -> memref<16x1024xf32, #tpu.memory_space<hbm>>
    tpu.enqueue_dma source(%arg12 : memref<16x1024xf32, #tpu.memory_space<vmem>>) target(%dma_start3A_184 : memref<16x1024xf32, #tpu.memory_space<hbm>>) target_semaphore(%arg22 : memref<!tpu.dma_semaphore, #tpu.memory_space<semaphore_mem>>)
    %dma_wait3A_185 = arith.constant 0 : i32
    %dma_wait3A_186 = tpu.memref_slice %arg7[%add3A_141, %dma_wait3A_185] : memref<8192x1024xf32, #tpu.memory_space<hbm>> -> memref<16x1024xf32, #tpu.memory_space<hbm>>
    %dma_wait3A_187 = arith.constant 0 : i32
    %dma_wait3A_188 = tpu.memref_slice %arg7[%add3A_141, %dma_wait3A_187] : memref<8192x1024xf32, #tpu.memory_space<hbm>> -> memref<16x1024xf32, #tpu.memory_space<hbm>>
    tpu.wait_dma2 semaphore(%arg25 : memref<!tpu.dma_semaphore, #tpu.memory_space<semaphore_mem>>) src(%arg15 : memref<16x1024xf32, #tpu.memory_space<vmem>>) dst(%dma_wait3A_188 : memref<16x1024xf32, #tpu.memory_space<hbm>>)
    %dma_start3A_189 = arith.constant 7 : i32
    %dma_start3A_190 = arith.constant 0 : i32
    %dma_start3A_191 = tpu.memref_slice %arg8[%dma_start3A_189, %dma_start3A_190] : memref<16x16xi32, #tpu.memory_space<vmem>> -> memref<1x16xi32, #tpu.memory_space<vmem>>
    %dma_start3A_192 = tpu.memref_squeeze %dma_start3A_191 : memref<1x16xi32, #tpu.memory_space<vmem>> -> memref<16xi32, #tpu.memory_space<vmem>>
    %dma_start3A_193 = arith.constant 0 : i32
    %dma_start3A_194 = arith.constant 0 : i32
    %dma_start3A_195 = tpu.memref_slice %arg4[%dma_start3A_193, %dma_start3A_194] : memref<100000x1024xf32, #tpu.memory_space<hbm>> -> memref<100000x1024xf32, #tpu.memory_space<hbm>>
    tpu.enqueue_indirect_dma source(%dma_start3A_195 : memref<100000x1024xf32, #tpu.memory_space<hbm>>) target(%arg15 : memref<16x1024xf32, #tpu.memory_space<vmem>>) offsets(%dma_start3A_192 : memref<16xi32, #tpu.memory_space<vmem>>) semaphore(%arg21 : memref<!tpu.dma_semaphore, #tpu.memory_space<semaphore_mem>>)
    %dma_wait3A_196 = arith.constant 5 : i32
    %dma_wait3A_197 = arith.constant 0 : i32
    %dma_wait3A_198 = tpu.memref_slice %arg8[%dma_wait3A_196, %dma_wait3A_197] : memref<16x16xi32, #tpu.memory_space<vmem>> -> memref<1x16xi32, #tpu.memory_space<vmem>>
    %dma_wait3A_199 = tpu.memref_squeeze %dma_wait3A_198 : memref<1x16xi32, #tpu.memory_space<vmem>> -> memref<16xi32, #tpu.memory_space<vmem>>
    %dma_wait3A_200 = arith.constant 0 : i32
    %dma_wait3A_201 = arith.constant 0 : i32
    %dma_wait3A_202 = tpu.memref_slice %arg4[%dma_wait3A_200, %dma_wait3A_201] : memref<100000x1024xf32, #tpu.memory_space<hbm>> -> memref<100000x1024xf32, #tpu.memory_space<hbm>>
    tpu.wait_indirect_dma semaphore(%arg19 : memref<!tpu.dma_semaphore, #tpu.memory_space<semaphore_mem>>) src(%dma_wait3A_202 : memref<100000x1024xf32, #tpu.memory_space<hbm>>) dst(%arg13 : memref<16x1024xf32, #tpu.memory_space<vmem>>)
    %parallel_loop3A_203 = arith.constant 0 : i32
    %parallel_loop3A_204 = arith.constant 64 : i32
    %parallel_loop3A_205 = arith.constant 1 : i32
    scf.for %parallel_loop3A_512 = %parallel_loop3A_203 to %parallel_loop3A_204 step %parallel_loop3A_205  : i32 {
      %parallel_loop3A_513 = arith.constant 16 : i32
      %parallel_loop3A_514 = arith.muli %parallel_loop3A_512, %parallel_loop3A_513 : i32
      %parallel_loop3A_515 = arith.constant 0 : i32
      %parallel_loop3A_516 = arith.index_cast %parallel_loop3A_515 : i32 to index
      %parallel_loop3A_517 = arith.index_cast %parallel_loop3A_514 : i32 to index
      %parallel_loop3A_518 = tpu.vector_load %arg10[%parallel_loop3A_516, %parallel_loop3A_517] {strides = array<i32>} : memref<2x1024xf32, #tpu.memory_space<vmem>>, vector<1x16xf32>,
      %parallel_loop3A_519 = vector.shape_cast %parallel_loop3A_518 : vector<1x16xf32> to vector<16xf32>
      %parallel_loop3A_520 = arith.index_cast %parallel_loop3A_514 : i32 to index
      %parallel_loop3A_521 = tpu.vector_load %arg11[%parallel_loop3A_520] {strides = array<i32>} : memref<1024xf32, #tpu.memory_space<vmem>>, vector<16xf32>,
      %parallel_loop3A_522 = vector.shape_cast %parallel_loop3A_521 : vector<16xf32> to vector<16xf32>
      %parallel_loop3A_523 = arith.constant 0 : i32
      %parallel_loop3A_524 = arith.constant 16 : i32
      %parallel_loop3A_525 = arith.constant 1 : i32
      scf.for %parallel_loop3A_526 = %parallel_loop3A_523 to %parallel_loop3A_524 step %parallel_loop3A_525  : i32 {
        %parallel_loop3A_527 = arith.constant 80 : i32
        %parallel_loop3A_528 = arith.addi %parallel_loop3A_527, %parallel_loop3A_526 : i32
        %parallel_loop3A_529 = arith.constant 16 : i32
        %parallel_loop3A_530 = arith.muli %parallel_loop3A_528, %parallel_loop3A_529 : i32
        %parallel_loop3A_531 = arith.index_cast %parallel_loop3A_530 : i32 to index
        %parallel_loop3A_532 = tpu.vector_load %arg9[%parallel_loop3A_531] {strides = array<i32>} : memref<4096xf32, #tpu.memory_space<vmem>>, vector<16xf32>,
        %parallel_loop3A_533 = vector.shape_cast %parallel_loop3A_532 : vector<16xf32> to vector<16xf32>
        %parallel_loop3A_534 = arith.index_cast %parallel_loop3A_526 : i32 to index
        %parallel_loop3A_535 = arith.index_cast %parallel_loop3A_514 : i32 to index
        %parallel_loop3A_536 = tpu.vector_load %arg17[%parallel_loop3A_534, %parallel_loop3A_535] {strides = array<i32>} : memref<16x1024xf32, #tpu.memory_space<vmem>>, vector<1x16xf32>,
        %parallel_loop3A_537 = vector.shape_cast %parallel_loop3A_536 : vector<1x16xf32> to vector<16xf32>
        %parallel_loop3A_538 = arith.addf %parallel_loop3A_537, %parallel_loop3A_519 : vector<16xf32>
        %parallel_loop3A_539 = arith.mulf %parallel_loop3A_533, %parallel_loop3A_522 : vector<16xf32>
        %parallel_loop3A_540 = arith.addf %parallel_loop3A_538, %parallel_loop3A_539 : vector<16xf32>
        %parallel_loop3A_541 = arith.index_cast %parallel_loop3A_526 : i32 to index
        %parallel_loop3A_542 = arith.index_cast %parallel_loop3A_514 : i32 to index
        %parallel_loop3A_543 = tpu.vector_load %arg13[%parallel_loop3A_541, %parallel_loop3A_542] {strides = array<i32>} : memref<16x1024xf32, #tpu.memory_space<vmem>>, vector<1x16xf32>,
        %parallel_loop3A_544 = vector.shape_cast %parallel_loop3A_543 : vector<1x16xf32> to vector<16xf32>
        %parallel_loop3A_545 = vector.shape_cast %parallel_loop3A_540 : vector<16xf32> to vector<1x16xf32>
        tpu.vector_store %arg13[%parallel_loop3A_541, %parallel_loop3A_542], %parallel_loop3A_545 {add = true, strides = array<i32>} : memref<16x1024xf32, #tpu.memory_space<vmem>>, vector<1x16xf32>,
      } {sc.loop_unroll_factor = 8 : i64, sc.parallel_access}
    } {sc.loop_unroll_factor = 1 : i64, sc.parallel_access}
    %add3A_206 = arith.constant 2048 : i32
    %add3A_207 = arith.addi %add3A_206, %mul3A_2 : i32
    %add3A_208 = arith.constant 16 : i32
    %add3A_209 = arith.addi %add3A_207, %add3A_208 : i32
    %dma_start3A_210 = arith.constant 0 : i32
    %dma_start3A_211 = tpu.memref_slice %arg7[%add3A_209, %dma_start3A_210] : memref<8192x1024xf32, #tpu.memory_space<hbm>> -> memref<16x1024xf32, #tpu.memory_space<hbm>>
    %dma_start3A_212 = arith.constant 0 : i32
    %dma_start3A_213 = tpu.memref_slice %arg7[%add3A_209, %dma_start3A_212] : memref<8192x1024xf32, #tpu.memory_space<hbm>> -> memref<16x1024xf32, #tpu.memory_space<hbm>>
    tpu.enqueue_dma source(%arg13 : memref<16x1024xf32, #tpu.memory_space<vmem>>) target(%dma_start3A_213 : memref<16x1024xf32, #tpu.memory_space<hbm>>) target_semaphore(%arg23 : memref<!tpu.dma_semaphore, #tpu.memory_space<semaphore_mem>>)
    %dma_wait3A_214 = arith.constant 0 : i32
    %dma_wait3A_215 = tpu.memref_slice %arg7[%add3A_180, %dma_wait3A_214] : memref<8192x1024xf32, #tpu.memory_space<hbm>> -> memref<16x1024xf32, #tpu.memory_space<hbm>>
    %dma_wait3A_216 = arith.constant 0 : i32
    %dma_wait3A_217 = tpu.memref_slice %arg7[%add3A_180, %dma_wait3A_216] : memref<8192x1024xf32, #tpu.memory_space<hbm>> -> memref<16x1024xf32, #tpu.memory_space<hbm>>
    tpu.wait_dma2 semaphore(%arg22 : memref<!tpu.dma_semaphore, #tpu.memory_space<semaphore_mem>>) src(%arg12 : memref<16x1024xf32, #tpu.memory_space<vmem>>) dst(%dma_wait3A_217 : memref<16x1024xf32, #tpu.memory_space<hbm>>)
    %dma_start3A_218 = arith.constant 8 : i32
    %dma_start3A_219 = arith.constant 0 : i32
    %dma_start3A_220 = tpu.memref_slice %arg8[%dma_start3A_218, %dma_start3A_219] : memref<16x16xi32, #tpu.memory_space<vmem>> -> memref<1x16xi32, #tpu.memory_space<vmem>>
    %dma_start3A_221 = tpu.memref_squeeze %dma_start3A_220 : memref<1x16xi32, #tpu.memory_space<vmem>> -> memref<16xi32, #tpu.memory_space<vmem>>
    %dma_start3A_222 = arith.constant 0 : i32
    %dma_start3A_223 = arith.constant 0 : i32
    %dma_start3A_224 = tpu.memref_slice %arg4[%dma_start3A_222, %dma_start3A_223] : memref<100000x1024xf32, #tpu.memory_space<hbm>> -> memref<100000x1024xf32, #tpu.memory_space<hbm>>
    tpu.enqueue_indirect_dma source(%dma_start3A_224 : memref<100000x1024xf32, #tpu.memory_space<hbm>>) target(%arg12 : memref<16x1024xf32, #tpu.memory_space<vmem>>) offsets(%dma_start3A_221 : memref<16xi32, #tpu.memory_space<vmem>>) semaphore(%arg18 : memref<!tpu.dma_semaphore, #tpu.memory_space<semaphore_mem>>)
    %dma_wait3A_225 = arith.constant 6 : i32
    %dma_wait3A_226 = arith.constant 0 : i32
    %dma_wait3A_227 = tpu.memref_slice %arg8[%dma_wait3A_225, %dma_wait3A_226] : memref<16x16xi32, #tpu.memory_space<vmem>> -> memref<1x16xi32, #tpu.memory_space<vmem>>
    %dma_wait3A_228 = tpu.memref_squeeze %dma_wait3A_227 : memref<1x16xi32, #tpu.memory_space<vmem>> -> memref<16xi32, #tpu.memory_space<vmem>>
    %dma_wait3A_229 = arith.constant 0 : i32
    %dma_wait3A_230 = arith.constant 0 : i32
    %dma_wait3A_231 = tpu.memref_slice %arg4[%dma_wait3A_229, %dma_wait3A_230] : memref<100000x1024xf32, #tpu.memory_space<hbm>> -> memref<100000x1024xf32, #tpu.memory_space<hbm>>
    tpu.wait_indirect_dma semaphore(%arg20 : memref<!tpu.dma_semaphore, #tpu.memory_space<semaphore_mem>>) src(%dma_wait3A_231 : memref<100000x1024xf32, #tpu.memory_space<hbm>>) dst(%arg14 : memref<16x1024xf32, #tpu.memory_space<vmem>>)
    %parallel_loop3A_232 = arith.constant 0 : i32
    %parallel_loop3A_233 = arith.constant 64 : i32
    %parallel_loop3A_234 = arith.constant 1 : i32
    scf.for %parallel_loop3A_512 = %parallel_loop3A_232 to %parallel_loop3A_233 step %parallel_loop3A_234  : i32 {
      %parallel_loop3A_513 = arith.constant 16 : i32
      %parallel_loop3A_514 = arith.muli %parallel_loop3A_512, %parallel_loop3A_513 : i32
      %parallel_loop3A_515 = arith.constant 0 : i32
      %parallel_loop3A_516 = arith.index_cast %parallel_loop3A_515 : i32 to index
      %parallel_loop3A_517 = arith.index_cast %parallel_loop3A_514 : i32 to index
      %parallel_loop3A_518 = tpu.vector_load %arg10[%parallel_loop3A_516, %parallel_loop3A_517] {strides = array<i32>} : memref<2x1024xf32, #tpu.memory_space<vmem>>, vector<1x16xf32>,
      %parallel_loop3A_519 = vector.shape_cast %parallel_loop3A_518 : vector<1x16xf32> to vector<16xf32>
      %parallel_loop3A_520 = arith.index_cast %parallel_loop3A_514 : i32 to index
      %parallel_loop3A_521 = tpu.vector_load %arg11[%parallel_loop3A_520] {strides = array<i32>} : memref<1024xf32, #tpu.memory_space<vmem>>, vector<16xf32>,
      %parallel_loop3A_522 = vector.shape_cast %parallel_loop3A_521 : vector<16xf32> to vector<16xf32>
      %parallel_loop3A_523 = arith.constant 0 : i32
      %parallel_loop3A_524 = arith.constant 16 : i32
      %parallel_loop3A_525 = arith.constant 1 : i32
      scf.for %parallel_loop3A_526 = %parallel_loop3A_523 to %parallel_loop3A_524 step %parallel_loop3A_525  : i32 {
        %parallel_loop3A_527 = arith.constant 96 : i32
        %parallel_loop3A_528 = arith.addi %parallel_loop3A_527, %parallel_loop3A_526 : i32
        %parallel_loop3A_529 = arith.constant 16 : i32
        %parallel_loop3A_530 = arith.muli %parallel_loop3A_528, %parallel_loop3A_529 : i32
        %parallel_loop3A_531 = arith.index_cast %parallel_loop3A_530 : i32 to index
        %parallel_loop3A_532 = tpu.vector_load %arg9[%parallel_loop3A_531] {strides = array<i32>} : memref<4096xf32, #tpu.memory_space<vmem>>, vector<16xf32>,
        %parallel_loop3A_533 = vector.shape_cast %parallel_loop3A_532 : vector<16xf32> to vector<16xf32>
        %parallel_loop3A_534 = arith.index_cast %parallel_loop3A_526 : i32 to index
        %parallel_loop3A_535 = arith.index_cast %parallel_loop3A_514 : i32 to index
        %parallel_loop3A_536 = tpu.vector_load %arg17[%parallel_loop3A_534, %parallel_loop3A_535] {strides = array<i32>} : memref<16x1024xf32, #tpu.memory_space<vmem>>, vector<1x16xf32>,
        %parallel_loop3A_537 = vector.shape_cast %parallel_loop3A_536 : vector<1x16xf32> to vector<16xf32>
        %parallel_loop3A_538 = arith.addf %parallel_loop3A_537, %parallel_loop3A_519 : vector<16xf32>
        %parallel_loop3A_539 = arith.mulf %parallel_loop3A_533, %parallel_loop3A_522 : vector<16xf32>
        %parallel_loop3A_540 = arith.addf %parallel_loop3A_538, %parallel_loop3A_539 : vector<16xf32>
        %parallel_loop3A_541 = arith.index_cast %parallel_loop3A_526 : i32 to index
        %parallel_loop3A_542 = arith.index_cast %parallel_loop3A_514 : i32 to index
        %parallel_loop3A_543 = tpu.vector_load %arg14[%parallel_loop3A_541, %parallel_loop3A_542] {strides = array<i32>} : memref<16x1024xf32, #tpu.memory_space<vmem>>, vector<1x16xf32>,
        %parallel_loop3A_544 = vector.shape_cast %parallel_loop3A_543 : vector<1x16xf32> to vector<16xf32>
        %parallel_loop3A_545 = vector.shape_cast %parallel_loop3A_540 : vector<16xf32> to vector<1x16xf32>
        tpu.vector_store %arg14[%parallel_loop3A_541, %parallel_loop3A_542], %parallel_loop3A_545 {add = true, strides = array<i32>} : memref<16x1024xf32, #tpu.memory_space<vmem>>, vector<1x16xf32>,
      } {sc.loop_unroll_factor = 8 : i64, sc.parallel_access}
    } {sc.loop_unroll_factor = 1 : i64, sc.parallel_access}
    %add3A_235 = arith.constant 4096 : i32
    %add3A_236 = arith.addi %add3A_235, %mul3A_2 : i32
    %add3A_237 = arith.constant 16 : i32
    %add3A_238 = arith.addi %add3A_236, %add3A_237 : i32
    %dma_start3A_239 = arith.constant 0 : i32
    %dma_start3A_240 = tpu.memref_slice %arg7[%add3A_238, %dma_start3A_239] : memref<8192x1024xf32, #tpu.memory_space<hbm>> -> memref<16x1024xf32, #tpu.memory_space<hbm>>
    %dma_start3A_241 = arith.constant 0 : i32
    %dma_start3A_242 = tpu.memref_slice %arg7[%add3A_238, %dma_start3A_241] : memref<8192x1024xf32, #tpu.memory_space<hbm>> -> memref<16x1024xf32, #tpu.memory_space<hbm>>
    tpu.enqueue_dma source(%arg14 : memref<16x1024xf32, #tpu.memory_space<vmem>>) target(%dma_start3A_242 : memref<16x1024xf32, #tpu.memory_space<hbm>>) target_semaphore(%arg24 : memref<!tpu.dma_semaphore, #tpu.memory_space<semaphore_mem>>)
    %dma_wait3A_243 = arith.constant 0 : i32
    %dma_wait3A_244 = tpu.memref_slice %arg7[%add3A_209, %dma_wait3A_243] : memref<8192x1024xf32, #tpu.memory_space<hbm>> -> memref<16x1024xf32, #tpu.memory_space<hbm>>
    %dma_wait3A_245 = arith.constant 0 : i32
    %dma_wait3A_246 = tpu.memref_slice %arg7[%add3A_209, %dma_wait3A_245] : memref<8192x1024xf32, #tpu.memory_space<hbm>> -> memref<16x1024xf32, #tpu.memory_space<hbm>>
    tpu.wait_dma2 semaphore(%arg23 : memref<!tpu.dma_semaphore, #tpu.memory_space<semaphore_mem>>) src(%arg13 : memref<16x1024xf32, #tpu.memory_space<vmem>>) dst(%dma_wait3A_246 : memref<16x1024xf32, #tpu.memory_space<hbm>>)
    %dma_start3A_247 = arith.constant 9 : i32
    %dma_start3A_248 = arith.constant 0 : i32
    %dma_start3A_249 = tpu.memref_slice %arg8[%dma_start3A_247, %dma_start3A_248] : memref<16x16xi32, #tpu.memory_space<vmem>> -> memref<1x16xi32, #tpu.memory_space<vmem>>
    %dma_start3A_250 = tpu.memref_squeeze %dma_start3A_249 : memref<1x16xi32, #tpu.memory_space<vmem>> -> memref<16xi32, #tpu.memory_space<vmem>>
    %dma_start3A_251 = arith.constant 0 : i32
    %dma_start3A_252 = arith.constant 0 : i32
    %dma_start3A_253 = tpu.memref_slice %arg4[%dma_start3A_251, %dma_start3A_252] : memref<100000x1024xf32, #tpu.memory_space<hbm>> -> memref<100000x1024xf32, #tpu.memory_space<hbm>>
    tpu.enqueue_indirect_dma source(%dma_start3A_253 : memref<100000x1024xf32, #tpu.memory_space<hbm>>) target(%arg13 : memref<16x1024xf32, #tpu.memory_space<vmem>>) offsets(%dma_start3A_250 : memref<16xi32, #tpu.memory_space<vmem>>) semaphore(%arg19 : memref<!tpu.dma_semaphore, #tpu.memory_space<semaphore_mem>>)
    %dma_wait3A_254 = arith.constant 7 : i32
    %dma_wait3A_255 = arith.constant 0 : i32
    %dma_wait3A_256 = tpu.memref_slice %arg8[%dma_wait3A_254, %dma_wait3A_255] : memref<16x16xi32, #tpu.memory_space<vmem>> -> memref<1x16xi32, #tpu.memory_space<vmem>>
    %dma_wait3A_257 = tpu.memref_squeeze %dma_wait3A_256 : memref<1x16xi32, #tpu.memory_space<vmem>> -> memref<16xi32, #tpu.memory_space<vmem>>
    %dma_wait3A_258 = arith.constant 0 : i32
    %dma_wait3A_259 = arith.constant 0 : i32
    %dma_wait3A_260 = tpu.memref_slice %arg4[%dma_wait3A_258, %dma_wait3A_259] : memref<100000x1024xf32, #tpu.memory_space<hbm>> -> memref<100000x1024xf32, #tpu.memory_space<hbm>>
    tpu.wait_indirect_dma semaphore(%arg21 : memref<!tpu.dma_semaphore, #tpu.memory_space<semaphore_mem>>) src(%dma_wait3A_260 : memref<100000x1024xf32, #tpu.memory_space<hbm>>) dst(%arg15 : memref<16x1024xf32, #tpu.memory_space<vmem>>)
    %parallel_loop3A_261 = arith.constant 0 : i32
    %parallel_loop3A_262 = arith.constant 64 : i32
    %parallel_loop3A_263 = arith.constant 1 : i32
    scf.for %parallel_loop3A_512 = %parallel_loop3A_261 to %parallel_loop3A_262 step %parallel_loop3A_263  : i32 {
      %parallel_loop3A_513 = arith.constant 16 : i32
      %parallel_loop3A_514 = arith.muli %parallel_loop3A_512, %parallel_loop3A_513 : i32
      %parallel_loop3A_515 = arith.constant 0 : i32
      %parallel_loop3A_516 = arith.index_cast %parallel_loop3A_515 : i32 to index
      %parallel_loop3A_517 = arith.index_cast %parallel_loop3A_514 : i32 to index
      %parallel_loop3A_518 = tpu.vector_load %arg10[%parallel_loop3A_516, %parallel_loop3A_517] {strides = array<i32>} : memref<2x1024xf32, #tpu.memory_space<vmem>>, vector<1x16xf32>,
      %parallel_loop3A_519 = vector.shape_cast %parallel_loop3A_518 : vector<1x16xf32> to vector<16xf32>
      %parallel_loop3A_520 = arith.index_cast %parallel_loop3A_514 : i32 to index
      %parallel_loop3A_521 = tpu.vector_load %arg11[%parallel_loop3A_520] {strides = array<i32>} : memref<1024xf32, #tpu.memory_space<vmem>>, vector<16xf32>,
      %parallel_loop3A_522 = vector.shape_cast %parallel_loop3A_521 : vector<16xf32> to vector<16xf32>
      %parallel_loop3A_523 = arith.constant 0 : i32
      %parallel_loop3A_524 = arith.constant 16 : i32
      %parallel_loop3A_525 = arith.constant 1 : i32
      scf.for %parallel_loop3A_526 = %parallel_loop3A_523 to %parallel_loop3A_524 step %parallel_loop3A_525  : i32 {
        %parallel_loop3A_527 = arith.constant 112 : i32
        %parallel_loop3A_528 = arith.addi %parallel_loop3A_527, %parallel_loop3A_526 : i32
        %parallel_loop3A_529 = arith.constant 16 : i32
        %parallel_loop3A_530 = arith.muli %parallel_loop3A_528, %parallel_loop3A_529 : i32
        %parallel_loop3A_531 = arith.index_cast %parallel_loop3A_530 : i32 to index
        %parallel_loop3A_532 = tpu.vector_load %arg9[%parallel_loop3A_531] {strides = array<i32>} : memref<4096xf32, #tpu.memory_space<vmem>>, vector<16xf32>,
        %parallel_loop3A_533 = vector.shape_cast %parallel_loop3A_532 : vector<16xf32> to vector<16xf32>
        %parallel_loop3A_534 = arith.index_cast %parallel_loop3A_526 : i32 to index
        %parallel_loop3A_535 = arith.index_cast %parallel_loop3A_514 : i32 to index
        %parallel_loop3A_536 = tpu.vector_load %arg17[%parallel_loop3A_534, %parallel_loop3A_535] {strides = array<i32>} : memref<16x1024xf32, #tpu.memory_space<vmem>>, vector<1x16xf32>,
        %parallel_loop3A_537 = vector.shape_cast %parallel_loop3A_536 : vector<1x16xf32> to vector<16xf32>
        %parallel_loop3A_538 = arith.addf %parallel_loop3A_537, %parallel_loop3A_519 : vector<16xf32>
        %parallel_loop3A_539 = arith.mulf %parallel_loop3A_533, %parallel_loop3A_522 : vector<16xf32>
        %parallel_loop3A_540 = arith.addf %parallel_loop3A_538, %parallel_loop3A_539 : vector<16xf32>
        %parallel_loop3A_541 = arith.index_cast %parallel_loop3A_526 : i32 to index
        %parallel_loop3A_542 = arith.index_cast %parallel_loop3A_514 : i32 to index
        %parallel_loop3A_543 = tpu.vector_load %arg15[%parallel_loop3A_541, %parallel_loop3A_542] {strides = array<i32>} : memref<16x1024xf32, #tpu.memory_space<vmem>>, vector<1x16xf32>,
        %parallel_loop3A_544 = vector.shape_cast %parallel_loop3A_543 : vector<1x16xf32> to vector<16xf32>
        %parallel_loop3A_545 = vector.shape_cast %parallel_loop3A_540 : vector<16xf32> to vector<1x16xf32>
        tpu.vector_store %arg15[%parallel_loop3A_541, %parallel_loop3A_542], %parallel_loop3A_545 {add = true, strides = array<i32>} : memref<16x1024xf32, #tpu.memory_space<vmem>>, vector<1x16xf32>,
      } {sc.loop_unroll_factor = 8 : i64, sc.parallel_access}
    } {sc.loop_unroll_factor = 1 : i64, sc.parallel_access}
    %add3A_264 = arith.constant 6144 : i32
    %add3A_265 = arith.addi %add3A_264, %mul3A_2 : i32
    %add3A_266 = arith.constant 16 : i32
    %add3A_267 = arith.addi %add3A_265, %add3A_266 : i32
    %dma_start3A_268 = arith.constant 0 : i32
    %dma_start3A_269 = tpu.memref_slice %arg7[%add3A_267, %dma_start3A_268] : memref<8192x1024xf32, #tpu.memory_space<hbm>> -> memref<16x1024xf32, #tpu.memory_space<hbm>>
    %dma_start3A_270 = arith.constant 0 : i32
    %dma_start3A_271 = tpu.memref_slice %arg7[%add3A_267, %dma_start3A_270] : memref<8192x1024xf32, #tpu.memory_space<hbm>> -> memref<16x1024xf32, #tpu.memory_space<hbm>>
    tpu.enqueue_dma source(%arg15 : memref<16x1024xf32, #tpu.memory_space<vmem>>) target(%dma_start3A_271 : memref<16x1024xf32, #tpu.memory_space<hbm>>) target_semaphore(%arg25 : memref<!tpu.dma_semaphore, #tpu.memory_space<semaphore_mem>>)
    %add3A_272 = arith.constant 48 : i32
    %add3A_273 = arith.addi %mul3A_2, %add3A_272 : i32
    %dma_start3A_274 = arith.constant 0 : i32
    %dma_start3A_275 = tpu.memref_slice %arg6[%add3A_273, %dma_start3A_274] : memref<2048x1024xf32, #tpu.memory_space<hbm>> -> memref<16x1024xf32, #tpu.memory_space<hbm>>
    %dma_start3A_276 = arith.constant 0 : i32
    %dma_start3A_277 = tpu.memref_slice %arg6[%add3A_273, %dma_start3A_276] : memref<2048x1024xf32, #tpu.memory_space<hbm>> -> memref<16x1024xf32, #tpu.memory_space<hbm>>
    tpu.enqueue_dma source(%dma_start3A_277 : memref<16x1024xf32, #tpu.memory_space<hbm>>) target(%arg17 : memref<16x1024xf32, #tpu.memory_space<vmem>>) target_semaphore(%arg27 : memref<!tpu.dma_semaphore, #tpu.memory_space<semaphore_mem>>)
    %dma_wait3A_278 = arith.constant 0 : i32
    %dma_wait3A_279 = tpu.memref_slice %arg7[%add3A_238, %dma_wait3A_278] : memref<8192x1024xf32, #tpu.memory_space<hbm>> -> memref<16x1024xf32, #tpu.memory_space<hbm>>
    %dma_wait3A_280 = arith.constant 0 : i32
    %dma_wait3A_281 = tpu.memref_slice %arg7[%add3A_238, %dma_wait3A_280] : memref<8192x1024xf32, #tpu.memory_space<hbm>> -> memref<16x1024xf32, #tpu.memory_space<hbm>>
    tpu.wait_dma2 semaphore(%arg24 : memref<!tpu.dma_semaphore, #tpu.memory_space<semaphore_mem>>) src(%arg14 : memref<16x1024xf32, #tpu.memory_space<vmem>>) dst(%dma_wait3A_281 : memref<16x1024xf32, #tpu.memory_space<hbm>>)
    %dma_start3A_282 = arith.constant 10 : i32
    %dma_start3A_283 = arith.constant 0 : i32
    %dma_start3A_284 = tpu.memref_slice %arg8[%dma_start3A_282, %dma_start3A_283] : memref<16x16xi32, #tpu.memory_space<vmem>> -> memref<1x16xi32, #tpu.memory_space<vmem>>
    %dma_start3A_285 = tpu.memref_squeeze %dma_start3A_284 : memref<1x16xi32, #tpu.memory_space<vmem>> -> memref<16xi32, #tpu.memory_space<vmem>>
    %dma_start3A_286 = arith.constant 0 : i32
    %dma_start3A_287 = arith.constant 0 : i32
    %dma_start3A_288 = tpu.memref_slice %arg4[%dma_start3A_286, %dma_start3A_287] : memref<100000x1024xf32, #tpu.memory_space<hbm>> -> memref<100000x1024xf32, #tpu.memory_space<hbm>>
    tpu.enqueue_indirect_dma source(%dma_start3A_288 : memref<100000x1024xf32, #tpu.memory_space<hbm>>) target(%arg14 : memref<16x1024xf32, #tpu.memory_space<vmem>>) offsets(%dma_start3A_285 : memref<16xi32, #tpu.memory_space<vmem>>) semaphore(%arg20 : memref<!tpu.dma_semaphore, #tpu.memory_space<semaphore_mem>>)
    %dma_wait3A_289 = arith.constant 0 : i32
    %dma_wait3A_290 = tpu.memref_slice %arg6[%add3A_147, %dma_wait3A_289] : memref<2048x1024xf32, #tpu.memory_space<hbm>> -> memref<16x1024xf32, #tpu.memory_space<hbm>>
    %dma_wait3A_291 = arith.constant 0 : i32
    %dma_wait3A_292 = tpu.memref_slice %arg6[%add3A_147, %dma_wait3A_291] : memref<2048x1024xf32, #tpu.memory_space<hbm>> -> memref<16x1024xf32, #tpu.memory_space<hbm>>
    tpu.wait_dma2 semaphore(%arg26 : memref<!tpu.dma_semaphore, #tpu.memory_space<semaphore_mem>>) src(%dma_wait3A_292 : memref<16x1024xf32, #tpu.memory_space<hbm>>) dst(%arg16 : memref<16x1024xf32, #tpu.memory_space<vmem>>)
    %dma_wait3A_293 = arith.constant 8 : i32
    %dma_wait3A_294 = arith.constant 0 : i32
    %dma_wait3A_295 = tpu.memref_slice %arg8[%dma_wait3A_293, %dma_wait3A_294] : memref<16x16xi32, #tpu.memory_space<vmem>> -> memref<1x16xi32, #tpu.memory_space<vmem>>
    %dma_wait3A_296 = tpu.memref_squeeze %dma_wait3A_295 : memref<1x16xi32, #tpu.memory_space<vmem>> -> memref<16xi32, #tpu.memory_space<vmem>>
    %dma_wait3A_297 = arith.constant 0 : i32
    %dma_wait3A_298 = arith.constant 0 : i32
    %dma_wait3A_299 = tpu.memref_slice %arg4[%dma_wait3A_297, %dma_wait3A_298] : memref<100000x1024xf32, #tpu.memory_space<hbm>> -> memref<100000x1024xf32, #tpu.memory_space<hbm>>
    tpu.wait_indirect_dma semaphore(%arg18 : memref<!tpu.dma_semaphore, #tpu.memory_space<semaphore_mem>>) src(%dma_wait3A_299 : memref<100000x1024xf32, #tpu.memory_space<hbm>>) dst(%arg12 : memref<16x1024xf32, #tpu.memory_space<vmem>>)
    %parallel_loop3A_300 = arith.constant 0 : i32
    %parallel_loop3A_301 = arith.constant 64 : i32
    %parallel_loop3A_302 = arith.constant 1 : i32
    scf.for %parallel_loop3A_512 = %parallel_loop3A_300 to %parallel_loop3A_301 step %parallel_loop3A_302  : i32 {
      %parallel_loop3A_513 = arith.constant 16 : i32
      %parallel_loop3A_514 = arith.muli %parallel_loop3A_512, %parallel_loop3A_513 : i32
      %parallel_loop3A_515 = arith.constant 0 : i32
      %parallel_loop3A_516 = arith.index_cast %parallel_loop3A_515 : i32 to index
      %parallel_loop3A_517 = arith.index_cast %parallel_loop3A_514 : i32 to index
      %parallel_loop3A_518 = tpu.vector_load %arg10[%parallel_loop3A_516, %parallel_loop3A_517] {strides = array<i32>} : memref<2x1024xf32, #tpu.memory_space<vmem>>, vector<1x16xf32>,
      %parallel_loop3A_519 = vector.shape_cast %parallel_loop3A_518 : vector<1x16xf32> to vector<16xf32>
      %parallel_loop3A_520 = arith.index_cast %parallel_loop3A_514 : i32 to index
      %parallel_loop3A_521 = tpu.vector_load %arg11[%parallel_loop3A_520] {strides = array<i32>} : memref<1024xf32, #tpu.memory_space<vmem>>, vector<16xf32>,
      %parallel_loop3A_522 = vector.shape_cast %parallel_loop3A_521 : vector<16xf32> to vector<16xf32>
      %parallel_loop3A_523 = arith.constant 0 : i32
      %parallel_loop3A_524 = arith.constant 16 : i32
      %parallel_loop3A_525 = arith.constant 1 : i32
      scf.for %parallel_loop3A_526 = %parallel_loop3A_523 to %parallel_loop3A_524 step %parallel_loop3A_525  : i32 {
        %parallel_loop3A_527 = arith.constant 128 : i32
        %parallel_loop3A_528 = arith.addi %parallel_loop3A_527, %parallel_loop3A_526 : i32
        %parallel_loop3A_529 = arith.constant 16 : i32
        %parallel_loop3A_530 = arith.muli %parallel_loop3A_528, %parallel_loop3A_529 : i32
        %parallel_loop3A_531 = arith.index_cast %parallel_loop3A_530 : i32 to index
        %parallel_loop3A_532 = tpu.vector_load %arg9[%parallel_loop3A_531] {strides = array<i32>} : memref<4096xf32, #tpu.memory_space<vmem>>, vector<16xf32>,
        %parallel_loop3A_533 = vector.shape_cast %parallel_loop3A_532 : vector<16xf32> to vector<16xf32>
        %parallel_loop3A_534 = arith.index_cast %parallel_loop3A_526 : i32 to index
        %parallel_loop3A_535 = arith.index_cast %parallel_loop3A_514 : i32 to index
        %parallel_loop3A_536 = tpu.vector_load %arg16[%parallel_loop3A_534, %parallel_loop3A_535] {strides = array<i32>} : memref<16x1024xf32, #tpu.memory_space<vmem>>, vector<1x16xf32>,
        %parallel_loop3A_537 = vector.shape_cast %parallel_loop3A_536 : vector<1x16xf32> to vector<16xf32>
        %parallel_loop3A_538 = arith.addf %parallel_loop3A_537, %parallel_loop3A_519 : vector<16xf32>
        %parallel_loop3A_539 = arith.mulf %parallel_loop3A_533, %parallel_loop3A_522 : vector<16xf32>
        %parallel_loop3A_540 = arith.addf %parallel_loop3A_538, %parallel_loop3A_539 : vector<16xf32>
        %parallel_loop3A_541 = arith.index_cast %parallel_loop3A_526 : i32 to index
        %parallel_loop3A_542 = arith.index_cast %parallel_loop3A_514 : i32 to index
        %parallel_loop3A_543 = tpu.vector_load %arg12[%parallel_loop3A_541, %parallel_loop3A_542] {strides = array<i32>} : memref<16x1024xf32, #tpu.memory_space<vmem>>, vector<1x16xf32>,
        %parallel_loop3A_544 = vector.shape_cast %parallel_loop3A_543 : vector<1x16xf32> to vector<16xf32>
        %parallel_loop3A_545 = vector.shape_cast %parallel_loop3A_540 : vector<16xf32> to vector<1x16xf32>
        tpu.vector_store %arg12[%parallel_loop3A_541, %parallel_loop3A_542], %parallel_loop3A_545 {add = true, strides = array<i32>} : memref<16x1024xf32, #tpu.memory_space<vmem>>, vector<1x16xf32>,
      } {sc.loop_unroll_factor = 8 : i64, sc.parallel_access}
    } {sc.loop_unroll_factor = 1 : i64, sc.parallel_access}
    %add3A_303 = arith.constant 0 : i32
    %add3A_304 = arith.addi %add3A_303, %mul3A_2 : i32
    %add3A_305 = arith.constant 32 : i32
    %add3A_306 = arith.addi %add3A_304, %add3A_305 : i32
    %dma_start3A_307 = arith.constant 0 : i32
    %dma_start3A_308 = tpu.memref_slice %arg7[%add3A_306, %dma_start3A_307] : memref<8192x1024xf32, #tpu.memory_space<hbm>> -> memref<16x1024xf32, #tpu.memory_space<hbm>>
    %dma_start3A_309 = arith.constant 0 : i32
    %dma_start3A_310 = tpu.memref_slice %arg7[%add3A_306, %dma_start3A_309] : memref<8192x1024xf32, #tpu.memory_space<hbm>> -> memref<16x1024xf32, #tpu.memory_space<hbm>>
    tpu.enqueue_dma source(%arg12 : memref<16x1024xf32, #tpu.memory_space<vmem>>) target(%dma_start3A_310 : memref<16x1024xf32, #tpu.memory_space<hbm>>) target_semaphore(%arg22 : memref<!tpu.dma_semaphore, #tpu.memory_space<semaphore_mem>>)
    %dma_wait3A_311 = arith.constant 0 : i32
    %dma_wait3A_312 = tpu.memref_slice %arg7[%add3A_267, %dma_wait3A_311] : memref<8192x1024xf32, #tpu.memory_space<hbm>> -> memref<16x1024xf32, #tpu.memory_space<hbm>>
    %dma_wait3A_313 = arith.constant 0 : i32
    %dma_wait3A_314 = tpu.memref_slice %arg7[%add3A_267, %dma_wait3A_313] : memref<8192x1024xf32, #tpu.memory_space<hbm>> -> memref<16x1024xf32, #tpu.memory_space<hbm>>
    tpu.wait_dma2 semaphore(%arg25 : memref<!tpu.dma_semaphore, #tpu.memory_space<semaphore_mem>>) src(%arg15 : memref<16x1024xf32, #tpu.memory_space<vmem>>) dst(%dma_wait3A_314 : memref<16x1024xf32, #tpu.memory_space<hbm>>)
    %dma_start3A_315 = arith.constant 11 : i32
    %dma_start3A_316 = arith.constant 0 : i32
    %dma_start3A_317 = tpu.memref_slice %arg8[%dma_start3A_315, %dma_start3A_316] : memref<16x16xi32, #tpu.memory_space<vmem>> -> memref<1x16xi32, #tpu.memory_space<vmem>>
    %dma_start3A_318 = tpu.memref_squeeze %dma_start3A_317 : memref<1x16xi32, #tpu.memory_space<vmem>> -> memref<16xi32, #tpu.memory_space<vmem>>
    %dma_start3A_319 = arith.constant 0 : i32
    %dma_start3A_320 = arith.constant 0 : i32
    %dma_start3A_321 = tpu.memref_slice %arg4[%dma_start3A_319, %dma_start3A_320] : memref<100000x1024xf32, #tpu.memory_space<hbm>> -> memref<100000x1024xf32, #tpu.memory_space<hbm>>
    tpu.enqueue_indirect_dma source(%dma_start3A_321 : memref<100000x1024xf32, #tpu.memory_space<hbm>>) target(%arg15 : memref<16x1024xf32, #tpu.memory_space<vmem>>) offsets(%dma_start3A_318 : memref<16xi32, #tpu.memory_space<vmem>>) semaphore(%arg21 : memref<!tpu.dma_semaphore, #tpu.memory_space<semaphore_mem>>)
    %dma_wait3A_322 = arith.constant 9 : i32
    %dma_wait3A_323 = arith.constant 0 : i32
    %dma_wait3A_324 = tpu.memref_slice %arg8[%dma_wait3A_322, %dma_wait3A_323] : memref<16x16xi32, #tpu.memory_space<vmem>> -> memref<1x16xi32, #tpu.memory_space<vmem>>
    %dma_wait3A_325 = tpu.memref_squeeze %dma_wait3A_324 : memref<1x16xi32, #tpu.memory_space<vmem>> -> memref<16xi32, #tpu.memory_space<vmem>>
    %dma_wait3A_326 = arith.constant 0 : i32
    %dma_wait3A_327 = arith.constant 0 : i32
    %dma_wait3A_328 = tpu.memref_slice %arg4[%dma_wait3A_326, %dma_wait3A_327] : memref<100000x1024xf32, #tpu.memory_space<hbm>> -> memref<100000x1024xf32, #tpu.memory_space<hbm>>
    tpu.wait_indirect_dma semaphore(%arg19 : memref<!tpu.dma_semaphore, #tpu.memory_space<semaphore_mem>>) src(%dma_wait3A_328 : memref<100000x1024xf32, #tpu.memory_space<hbm>>) dst(%arg13 : memref<16x1024xf32, #tpu.memory_space<vmem>>)
    %parallel_loop3A_329 = arith.constant 0 : i32
    %parallel_loop3A_330 = arith.constant 64 : i32
    %parallel_loop3A_331 = arith.constant 1 : i32
    scf.for %parallel_loop3A_512 = %parallel_loop3A_329 to %parallel_loop3A_330 step %parallel_loop3A_331  : i32 {
      %parallel_loop3A_513 = arith.constant 16 : i32
      %parallel_loop3A_514 = arith.muli %parallel_loop3A_512, %parallel_loop3A_513 : i32
      %parallel_loop3A_515 = arith.constant 0 : i32
      %parallel_loop3A_516 = arith.index_cast %parallel_loop3A_515 : i32 to index
      %parallel_loop3A_517 = arith.index_cast %parallel_loop3A_514 : i32 to index
      %parallel_loop3A_518 = tpu.vector_load %arg10[%parallel_loop3A_516, %parallel_loop3A_517] {strides = array<i32>} : memref<2x1024xf32, #tpu.memory_space<vmem>>, vector<1x16xf32>,
      %parallel_loop3A_519 = vector.shape_cast %parallel_loop3A_518 : vector<1x16xf32> to vector<16xf32>
      %parallel_loop3A_520 = arith.index_cast %parallel_loop3A_514 : i32 to index
      %parallel_loop3A_521 = tpu.vector_load %arg11[%parallel_loop3A_520] {strides = array<i32>} : memref<1024xf32, #tpu.memory_space<vmem>>, vector<16xf32>,
      %parallel_loop3A_522 = vector.shape_cast %parallel_loop3A_521 : vector<16xf32> to vector<16xf32>
      %parallel_loop3A_523 = arith.constant 0 : i32
      %parallel_loop3A_524 = arith.constant 16 : i32
      %parallel_loop3A_525 = arith.constant 1 : i32
      scf.for %parallel_loop3A_526 = %parallel_loop3A_523 to %parallel_loop3A_524 step %parallel_loop3A_525  : i32 {
        %parallel_loop3A_527 = arith.constant 144 : i32
        %parallel_loop3A_528 = arith.addi %parallel_loop3A_527, %parallel_loop3A_526 : i32
        %parallel_loop3A_529 = arith.constant 16 : i32
        %parallel_loop3A_530 = arith.muli %parallel_loop3A_528, %parallel_loop3A_529 : i32
        %parallel_loop3A_531 = arith.index_cast %parallel_loop3A_530 : i32 to index
        %parallel_loop3A_532 = tpu.vector_load %arg9[%parallel_loop3A_531] {strides = array<i32>} : memref<4096xf32, #tpu.memory_space<vmem>>, vector<16xf32>,
        %parallel_loop3A_533 = vector.shape_cast %parallel_loop3A_532 : vector<16xf32> to vector<16xf32>
        %parallel_loop3A_534 = arith.index_cast %parallel_loop3A_526 : i32 to index
        %parallel_loop3A_535 = arith.index_cast %parallel_loop3A_514 : i32 to index
        %parallel_loop3A_536 = tpu.vector_load %arg16[%parallel_loop3A_534, %parallel_loop3A_535] {strides = array<i32>} : memref<16x1024xf32, #tpu.memory_space<vmem>>, vector<1x16xf32>,
        %parallel_loop3A_537 = vector.shape_cast %parallel_loop3A_536 : vector<1x16xf32> to vector<16xf32>
        %parallel_loop3A_538 = arith.addf %parallel_loop3A_537, %parallel_loop3A_519 : vector<16xf32>
        %parallel_loop3A_539 = arith.mulf %parallel_loop3A_533, %parallel_loop3A_522 : vector<16xf32>
        %parallel_loop3A_540 = arith.addf %parallel_loop3A_538, %parallel_loop3A_539 : vector<16xf32>
        %parallel_loop3A_541 = arith.index_cast %parallel_loop3A_526 : i32 to index
        %parallel_loop3A_542 = arith.index_cast %parallel_loop3A_514 : i32 to index
        %parallel_loop3A_543 = tpu.vector_load %arg13[%parallel_loop3A_541, %parallel_loop3A_542] {strides = array<i32>} : memref<16x1024xf32, #tpu.memory_space<vmem>>, vector<1x16xf32>,
        %parallel_loop3A_544 = vector.shape_cast %parallel_loop3A_543 : vector<1x16xf32> to vector<16xf32>
        %parallel_loop3A_545 = vector.shape_cast %parallel_loop3A_540 : vector<16xf32> to vector<1x16xf32>
        tpu.vector_store %arg13[%parallel_loop3A_541, %parallel_loop3A_542], %parallel_loop3A_545 {add = true, strides = array<i32>} : memref<16x1024xf32, #tpu.memory_space<vmem>>, vector<1x16xf32>,
      } {sc.loop_unroll_factor = 8 : i64, sc.parallel_access}
    } {sc.loop_unroll_factor = 1 : i64, sc.parallel_access}
    %add3A_332 = arith.constant 2048 : i32
    %add3A_333 = arith.addi %add3A_332, %mul3A_2 : i32
    %add3A_334 = arith.constant 32 : i32
    %add3A_335 = arith.addi %add3A_333, %add3A_334 : i32
    %dma_start3A_336 = arith.constant 0 : i32
    %dma_start3A_337 = tpu.memref_slice %arg7[%add3A_335, %dma_start3A_336] : memref<8192x1024xf32, #tpu.memory_space<hbm>> -> memref<16x1024xf32, #tpu.memory_space<hbm>>
    %dma_start3A_338 = arith.constant 0 : i32
    %dma_start3A_339 = tpu.memref_slice %arg7[%add3A_335, %dma_start3A_338] : memref<8192x1024xf32, #tpu.memory_space<hbm>> -> memref<16x1024xf32, #tpu.memory_space<hbm>>
    tpu.enqueue_dma source(%arg13 : memref<16x1024xf32, #tpu.memory_space<vmem>>) target(%dma_start3A_339 : memref<16x1024xf32, #tpu.memory_space<hbm>>) target_semaphore(%arg23 : memref<!tpu.dma_semaphore, #tpu.memory_space<semaphore_mem>>)
    %dma_wait3A_340 = arith.constant 0 : i32
    %dma_wait3A_341 = tpu.memref_slice %arg7[%add3A_306, %dma_wait3A_340] : memref<8192x1024xf32, #tpu.memory_space<hbm>> -> memref<16x1024xf32, #tpu.memory_space<hbm>>
    %dma_wait3A_342 = arith.constant 0 : i32
    %dma_wait3A_343 = tpu.memref_slice %arg7[%add3A_306, %dma_wait3A_342] : memref<8192x1024xf32, #tpu.memory_space<hbm>> -> memref<16x1024xf32, #tpu.memory_space<hbm>>
    tpu.wait_dma2 semaphore(%arg22 : memref<!tpu.dma_semaphore, #tpu.memory_space<semaphore_mem>>) src(%arg12 : memref<16x1024xf32, #tpu.memory_space<vmem>>) dst(%dma_wait3A_343 : memref<16x1024xf32, #tpu.memory_space<hbm>>)
    %dma_start3A_344 = arith.constant 12 : i32
    %dma_start3A_345 = arith.constant 0 : i32
    %dma_start3A_346 = tpu.memref_slice %arg8[%dma_start3A_344, %dma_start3A_345] : memref<16x16xi32, #tpu.memory_space<vmem>> -> memref<1x16xi32, #tpu.memory_space<vmem>>
    %dma_start3A_347 = tpu.memref_squeeze %dma_start3A_346 : memref<1x16xi32, #tpu.memory_space<vmem>> -> memref<16xi32, #tpu.memory_space<vmem>>
    %dma_start3A_348 = arith.constant 0 : i32
    %dma_start3A_349 = arith.constant 0 : i32
    %dma_start3A_350 = tpu.memref_slice %arg4[%dma_start3A_348, %dma_start3A_349] : memref<100000x1024xf32, #tpu.memory_space<hbm>> -> memref<100000x1024xf32, #tpu.memory_space<hbm>>
    tpu.enqueue_indirect_dma source(%dma_start3A_350 : memref<100000x1024xf32, #tpu.memory_space<hbm>>) target(%arg12 : memref<16x1024xf32, #tpu.memory_space<vmem>>) offsets(%dma_start3A_347 : memref<16xi32, #tpu.memory_space<vmem>>) semaphore(%arg18 : memref<!tpu.dma_semaphore, #tpu.memory_space<semaphore_mem>>)
    %dma_wait3A_351 = arith.constant 10 : i32
    %dma_wait3A_352 = arith.constant 0 : i32
    %dma_wait3A_353 = tpu.memref_slice %arg8[%dma_wait3A_351, %dma_wait3A_352] : memref<16x16xi32, #tpu.memory_space<vmem>> -> memref<1x16xi32, #tpu.memory_space<vmem>>
    %dma_wait3A_354 = tpu.memref_squeeze %dma_wait3A_353 : memref<1x16xi32, #tpu.memory_space<vmem>> -> memref<16xi32, #tpu.memory_space<vmem>>
    %dma_wait3A_355 = arith.constant 0 : i32
    %dma_wait3A_356 = arith.constant 0 : i32
    %dma_wait3A_357 = tpu.memref_slice %arg4[%dma_wait3A_355, %dma_wait3A_356] : memref<100000x1024xf32, #tpu.memory_space<hbm>> -> memref<100000x1024xf32, #tpu.memory_space<hbm>>
    tpu.wait_indirect_dma semaphore(%arg20 : memref<!tpu.dma_semaphore, #tpu.memory_space<semaphore_mem>>) src(%dma_wait3A_357 : memref<100000x1024xf32, #tpu.memory_space<hbm>>) dst(%arg14 : memref<16x1024xf32, #tpu.memory_space<vmem>>)
    %parallel_loop3A_358 = arith.constant 0 : i32
    %parallel_loop3A_359 = arith.constant 64 : i32
    %parallel_loop3A_360 = arith.constant 1 : i32
    scf.for %parallel_loop3A_512 = %parallel_loop3A_358 to %parallel_loop3A_359 step %parallel_loop3A_360  : i32 {
      %parallel_loop3A_513 = arith.constant 16 : i32
      %parallel_loop3A_514 = arith.muli %parallel_loop3A_512, %parallel_loop3A_513 : i32
      %parallel_loop3A_515 = arith.constant 0 : i32
      %parallel_loop3A_516 = arith.index_cast %parallel_loop3A_515 : i32 to index
      %parallel_loop3A_517 = arith.index_cast %parallel_loop3A_514 : i32 to index
      %parallel_loop3A_518 = tpu.vector_load %arg10[%parallel_loop3A_516, %parallel_loop3A_517] {strides = array<i32>} : memref<2x1024xf32, #tpu.memory_space<vmem>>, vector<1x16xf32>,
      %parallel_loop3A_519 = vector.shape_cast %parallel_loop3A_518 : vector<1x16xf32> to vector<16xf32>
      %parallel_loop3A_520 = arith.index_cast %parallel_loop3A_514 : i32 to index
      %parallel_loop3A_521 = tpu.vector_load %arg11[%parallel_loop3A_520] {strides = array<i32>} : memref<1024xf32, #tpu.memory_space<vmem>>, vector<16xf32>,
      %parallel_loop3A_522 = vector.shape_cast %parallel_loop3A_521 : vector<16xf32> to vector<16xf32>
      %parallel_loop3A_523 = arith.constant 0 : i32
      %parallel_loop3A_524 = arith.constant 16 : i32
      %parallel_loop3A_525 = arith.constant 1 : i32
      scf.for %parallel_loop3A_526 = %parallel_loop3A_523 to %parallel_loop3A_524 step %parallel_loop3A_525  : i32 {
        %parallel_loop3A_527 = arith.constant 160 : i32
        %parallel_loop3A_528 = arith.addi %parallel_loop3A_527, %parallel_loop3A_526 : i32
        %parallel_loop3A_529 = arith.constant 16 : i32
        %parallel_loop3A_530 = arith.muli %parallel_loop3A_528, %parallel_loop3A_529 : i32
        %parallel_loop3A_531 = arith.index_cast %parallel_loop3A_530 : i32 to index
        %parallel_loop3A_532 = tpu.vector_load %arg9[%parallel_loop3A_531] {strides = array<i32>} : memref<4096xf32, #tpu.memory_space<vmem>>, vector<16xf32>,
        %parallel_loop3A_533 = vector.shape_cast %parallel_loop3A_532 : vector<16xf32> to vector<16xf32>
        %parallel_loop3A_534 = arith.index_cast %parallel_loop3A_526 : i32 to index
        %parallel_loop3A_535 = arith.index_cast %parallel_loop3A_514 : i32 to index
        %parallel_loop3A_536 = tpu.vector_load %arg16[%parallel_loop3A_534, %parallel_loop3A_535] {strides = array<i32>} : memref<16x1024xf32, #tpu.memory_space<vmem>>, vector<1x16xf32>,
        %parallel_loop3A_537 = vector.shape_cast %parallel_loop3A_536 : vector<1x16xf32> to vector<16xf32>
        %parallel_loop3A_538 = arith.addf %parallel_loop3A_537, %parallel_loop3A_519 : vector<16xf32>
        %parallel_loop3A_539 = arith.mulf %parallel_loop3A_533, %parallel_loop3A_522 : vector<16xf32>
        %parallel_loop3A_540 = arith.addf %parallel_loop3A_538, %parallel_loop3A_539 : vector<16xf32>
        %parallel_loop3A_541 = arith.index_cast %parallel_loop3A_526 : i32 to index
        %parallel_loop3A_542 = arith.index_cast %parallel_loop3A_514 : i32 to index
        %parallel_loop3A_543 = tpu.vector_load %arg14[%parallel_loop3A_541, %parallel_loop3A_542] {strides = array<i32>} : memref<16x1024xf32, #tpu.memory_space<vmem>>, vector<1x16xf32>,
        %parallel_loop3A_544 = vector.shape_cast %parallel_loop3A_543 : vector<1x16xf32> to vector<16xf32>
        %parallel_loop3A_545 = vector.shape_cast %parallel_loop3A_540 : vector<16xf32> to vector<1x16xf32>
        tpu.vector_store %arg14[%parallel_loop3A_541, %parallel_loop3A_542], %parallel_loop3A_545 {add = true, strides = array<i32>} : memref<16x1024xf32, #tpu.memory_space<vmem>>, vector<1x16xf32>,
      } {sc.loop_unroll_factor = 8 : i64, sc.parallel_access}
    } {sc.loop_unroll_factor = 1 : i64, sc.parallel_access}
    %add3A_361 = arith.constant 4096 : i32
    %add3A_362 = arith.addi %add3A_361, %mul3A_2 : i32
    %add3A_363 = arith.constant 32 : i32
    %add3A_364 = arith.addi %add3A_362, %add3A_363 : i32
    %dma_start3A_365 = arith.constant 0 : i32
    %dma_start3A_366 = tpu.memref_slice %arg7[%add3A_364, %dma_start3A_365] : memref<8192x1024xf32, #tpu.memory_space<hbm>> -> memref<16x1024xf32, #tpu.memory_space<hbm>>
    %dma_start3A_367 = arith.constant 0 : i32
    %dma_start3A_368 = tpu.memref_slice %arg7[%add3A_364, %dma_start3A_367] : memref<8192x1024xf32, #tpu.memory_space<hbm>> -> memref<16x1024xf32, #tpu.memory_space<hbm>>
    tpu.enqueue_dma source(%arg14 : memref<16x1024xf32, #tpu.memory_space<vmem>>) target(%dma_start3A_368 : memref<16x1024xf32, #tpu.memory_space<hbm>>) target_semaphore(%arg24 : memref<!tpu.dma_semaphore, #tpu.memory_space<semaphore_mem>>)
    %dma_wait3A_369 = arith.constant 0 : i32
    %dma_wait3A_370 = tpu.memref_slice %arg7[%add3A_335, %dma_wait3A_369] : memref<8192x1024xf32, #tpu.memory_space<hbm>> -> memref<16x1024xf32, #tpu.memory_space<hbm>>
    %dma_wait3A_371 = arith.constant 0 : i32
    %dma_wait3A_372 = tpu.memref_slice %arg7[%add3A_335, %dma_wait3A_371] : memref<8192x1024xf32, #tpu.memory_space<hbm>> -> memref<16x1024xf32, #tpu.memory_space<hbm>>
    tpu.wait_dma2 semaphore(%arg23 : memref<!tpu.dma_semaphore, #tpu.memory_space<semaphore_mem>>) src(%arg13 : memref<16x1024xf32, #tpu.memory_space<vmem>>) dst(%dma_wait3A_372 : memref<16x1024xf32, #tpu.memory_space<hbm>>)
    %dma_start3A_373 = arith.constant 13 : i32
    %dma_start3A_374 = arith.constant 0 : i32
    %dma_start3A_375 = tpu.memref_slice %arg8[%dma_start3A_373, %dma_start3A_374] : memref<16x16xi32, #tpu.memory_space<vmem>> -> memref<1x16xi32, #tpu.memory_space<vmem>>
    %dma_start3A_376 = tpu.memref_squeeze %dma_start3A_375 : memref<1x16xi32, #tpu.memory_space<vmem>> -> memref<16xi32, #tpu.memory_space<vmem>>
    %dma_start3A_377 = arith.constant 0 : i32
    %dma_start3A_378 = arith.constant 0 : i32
    %dma_start3A_379 = tpu.memref_slice %arg4[%dma_start3A_377, %dma_start3A_378] : memref<100000x1024xf32, #tpu.memory_space<hbm>> -> memref<100000x1024xf32, #tpu.memory_space<hbm>>
    tpu.enqueue_indirect_dma source(%dma_start3A_379 : memref<100000x1024xf32, #tpu.memory_space<hbm>>) target(%arg13 : memref<16x1024xf32, #tpu.memory_space<vmem>>) offsets(%dma_start3A_376 : memref<16xi32, #tpu.memory_space<vmem>>) semaphore(%arg19 : memref<!tpu.dma_semaphore, #tpu.memory_space<semaphore_mem>>)
    %dma_wait3A_380 = arith.constant 11 : i32
    %dma_wait3A_381 = arith.constant 0 : i32
    %dma_wait3A_382 = tpu.memref_slice %arg8[%dma_wait3A_380, %dma_wait3A_381] : memref<16x16xi32, #tpu.memory_space<vmem>> -> memref<1x16xi32, #tpu.memory_space<vmem>>
    %dma_wait3A_383 = tpu.memref_squeeze %dma_wait3A_382 : memref<1x16xi32, #tpu.memory_space<vmem>> -> memref<16xi32, #tpu.memory_space<vmem>>
    %dma_wait3A_384 = arith.constant 0 : i32
    %dma_wait3A_385 = arith.constant 0 : i32
    %dma_wait3A_386 = tpu.memref_slice %arg4[%dma_wait3A_384, %dma_wait3A_385] : memref<100000x1024xf32, #tpu.memory_space<hbm>> -> memref<100000x1024xf32, #tpu.memory_space<hbm>>
    tpu.wait_indirect_dma semaphore(%arg21 : memref<!tpu.dma_semaphore, #tpu.memory_space<semaphore_mem>>) src(%dma_wait3A_386 : memref<100000x1024xf32, #tpu.memory_space<hbm>>) dst(%arg15 : memref<16x1024xf32, #tpu.memory_space<vmem>>)
    %parallel_loop3A_387 = arith.constant 0 : i32
    %parallel_loop3A_388 = arith.constant 64 : i32
    %parallel_loop3A_389 = arith.constant 1 : i32
    scf.for %parallel_loop3A_512 = %parallel_loop3A_387 to %parallel_loop3A_388 step %parallel_loop3A_389  : i32 {
      %parallel_loop3A_513 = arith.constant 16 : i32
      %parallel_loop3A_514 = arith.muli %parallel_loop3A_512, %parallel_loop3A_513 : i32
      %parallel_loop3A_515 = arith.constant 0 : i32
      %parallel_loop3A_516 = arith.index_cast %parallel_loop3A_515 : i32 to index
      %parallel_loop3A_517 = arith.index_cast %parallel_loop3A_514 : i32 to index
      %parallel_loop3A_518 = tpu.vector_load %arg10[%parallel_loop3A_516, %parallel_loop3A_517] {strides = array<i32>} : memref<2x1024xf32, #tpu.memory_space<vmem>>, vector<1x16xf32>,
      %parallel_loop3A_519 = vector.shape_cast %parallel_loop3A_518 : vector<1x16xf32> to vector<16xf32>
      %parallel_loop3A_520 = arith.index_cast %parallel_loop3A_514 : i32 to index
      %parallel_loop3A_521 = tpu.vector_load %arg11[%parallel_loop3A_520] {strides = array<i32>} : memref<1024xf32, #tpu.memory_space<vmem>>, vector<16xf32>,
      %parallel_loop3A_522 = vector.shape_cast %parallel_loop3A_521 : vector<16xf32> to vector<16xf32>
      %parallel_loop3A_523 = arith.constant 0 : i32
      %parallel_loop3A_524 = arith.constant 16 : i32
      %parallel_loop3A_525 = arith.constant 1 : i32
      scf.for %parallel_loop3A_526 = %parallel_loop3A_523 to %parallel_loop3A_524 step %parallel_loop3A_525  : i32 {
        %parallel_loop3A_527 = arith.constant 176 : i32
        %parallel_loop3A_528 = arith.addi %parallel_loop3A_527, %parallel_loop3A_526 : i32
        %parallel_loop3A_529 = arith.constant 16 : i32
        %parallel_loop3A_530 = arith.muli %parallel_loop3A_528, %parallel_loop3A_529 : i32
        %parallel_loop3A_531 = arith.index_cast %parallel_loop3A_530 : i32 to index
        %parallel_loop3A_532 = tpu.vector_load %arg9[%parallel_loop3A_531] {strides = array<i32>} : memref<4096xf32, #tpu.memory_space<vmem>>, vector<16xf32>,
        %parallel_loop3A_533 = vector.shape_cast %parallel_loop3A_532 : vector<16xf32> to vector<16xf32>
        %parallel_loop3A_534 = arith.index_cast %parallel_loop3A_526 : i32 to index
        %parallel_loop3A_535 = arith.index_cast %parallel_loop3A_514 : i32 to index
        %parallel_loop3A_536 = tpu.vector_load %arg16[%parallel_loop3A_534, %parallel_loop3A_535] {strides = array<i32>} : memref<16x1024xf32, #tpu.memory_space<vmem>>, vector<1x16xf32>,
        %parallel_loop3A_537 = vector.shape_cast %parallel_loop3A_536 : vector<1x16xf32> to vector<16xf32>
        %parallel_loop3A_538 = arith.addf %parallel_loop3A_537, %parallel_loop3A_519 : vector<16xf32>
        %parallel_loop3A_539 = arith.mulf %parallel_loop3A_533, %parallel_loop3A_522 : vector<16xf32>
        %parallel_loop3A_540 = arith.addf %parallel_loop3A_538, %parallel_loop3A_539 : vector<16xf32>
        %parallel_loop3A_541 = arith.index_cast %parallel_loop3A_526 : i32 to index
        %parallel_loop3A_542 = arith.index_cast %parallel_loop3A_514 : i32 to index
        %parallel_loop3A_543 = tpu.vector_load %arg15[%parallel_loop3A_541, %parallel_loop3A_542] {strides = array<i32>} : memref<16x1024xf32, #tpu.memory_space<vmem>>, vector<1x16xf32>,
        %parallel_loop3A_544 = vector.shape_cast %parallel_loop3A_543 : vector<1x16xf32> to vector<16xf32>
        %parallel_loop3A_545 = vector.shape_cast %parallel_loop3A_540 : vector<16xf32> to vector<1x16xf32>
        tpu.vector_store %arg15[%parallel_loop3A_541, %parallel_loop3A_542], %parallel_loop3A_545 {add = true, strides = array<i32>} : memref<16x1024xf32, #tpu.memory_space<vmem>>, vector<1x16xf32>,
      } {sc.loop_unroll_factor = 8 : i64, sc.parallel_access}
    } {sc.loop_unroll_factor = 1 : i64, sc.parallel_access}
    %add3A_390 = arith.constant 6144 : i32
    %add3A_391 = arith.addi %add3A_390, %mul3A_2 : i32
    %add3A_392 = arith.constant 32 : i32
    %add3A_393 = arith.addi %add3A_391, %add3A_392 : i32
    %dma_start3A_394 = arith.constant 0 : i32
    %dma_start3A_395 = tpu.memref_slice %arg7[%add3A_393, %dma_start3A_394] : memref<8192x1024xf32, #tpu.memory_space<hbm>> -> memref<16x1024xf32, #tpu.memory_space<hbm>>
    %dma_start3A_396 = arith.constant 0 : i32
    %dma_start3A_397 = tpu.memref_slice %arg7[%add3A_393, %dma_start3A_396] : memref<8192x1024xf32, #tpu.memory_space<hbm>> -> memref<16x1024xf32, #tpu.memory_space<hbm>>
    tpu.enqueue_dma source(%arg15 : memref<16x1024xf32, #tpu.memory_space<vmem>>) target(%dma_start3A_397 : memref<16x1024xf32, #tpu.memory_space<hbm>>) target_semaphore(%arg25 : memref<!tpu.dma_semaphore, #tpu.memory_space<semaphore_mem>>)
    %dma_wait3A_398 = arith.constant 0 : i32
    %dma_wait3A_399 = tpu.memref_slice %arg7[%add3A_364, %dma_wait3A_398] : memref<8192x1024xf32, #tpu.memory_space<hbm>> -> memref<16x1024xf32, #tpu.memory_space<hbm>>
    %dma_wait3A_400 = arith.constant 0 : i32
    %dma_wait3A_401 = tpu.memref_slice %arg7[%add3A_364, %dma_wait3A_400] : memref<8192x1024xf32, #tpu.memory_space<hbm>> -> memref<16x1024xf32, #tpu.memory_space<hbm>>
    tpu.wait_dma2 semaphore(%arg24 : memref<!tpu.dma_semaphore, #tpu.memory_space<semaphore_mem>>) src(%arg14 : memref<16x1024xf32, #tpu.memory_space<vmem>>) dst(%dma_wait3A_401 : memref<16x1024xf32, #tpu.memory_space<hbm>>)
    %dma_start3A_402 = arith.constant 14 : i32
    %dma_start3A_403 = arith.constant 0 : i32
    %dma_start3A_404 = tpu.memref_slice %arg8[%dma_start3A_402, %dma_start3A_403] : memref<16x16xi32, #tpu.memory_space<vmem>> -> memref<1x16xi32, #tpu.memory_space<vmem>>
    %dma_start3A_405 = tpu.memref_squeeze %dma_start3A_404 : memref<1x16xi32, #tpu.memory_space<vmem>> -> memref<16xi32, #tpu.memory_space<vmem>>
    %dma_start3A_406 = arith.constant 0 : i32
    %dma_start3A_407 = arith.constant 0 : i32
    %dma_start3A_408 = tpu.memref_slice %arg4[%dma_start3A_406, %dma_start3A_407] : memref<100000x1024xf32, #tpu.memory_space<hbm>> -> memref<100000x1024xf32, #tpu.memory_space<hbm>>
    tpu.enqueue_indirect_dma source(%dma_start3A_408 : memref<100000x1024xf32, #tpu.memory_space<hbm>>) target(%arg14 : memref<16x1024xf32, #tpu.memory_space<vmem>>) offsets(%dma_start3A_405 : memref<16xi32, #tpu.memory_space<vmem>>) semaphore(%arg20 : memref<!tpu.dma_semaphore, #tpu.memory_space<semaphore_mem>>)
    %dma_wait3A_409 = arith.constant 0 : i32
    %dma_wait3A_410 = tpu.memref_slice %arg6[%add3A_273, %dma_wait3A_409] : memref<2048x1024xf32, #tpu.memory_space<hbm>> -> memref<16x1024xf32, #tpu.memory_space<hbm>>
    %dma_wait3A_411 = arith.constant 0 : i32
    %dma_wait3A_412 = tpu.memref_slice %arg6[%add3A_273, %dma_wait3A_411] : memref<2048x1024xf32, #tpu.memory_space<hbm>> -> memref<16x1024xf32, #tpu.memory_space<hbm>>
    tpu.wait_dma2 semaphore(%arg27 : memref<!tpu.dma_semaphore, #tpu.memory_space<semaphore_mem>>) src(%dma_wait3A_412 : memref<16x1024xf32, #tpu.memory_space<hbm>>) dst(%arg17 : memref<16x1024xf32, #tpu.memory_space<vmem>>)
    %dma_wait3A_413 = arith.constant 12 : i32
    %dma_wait3A_414 = arith.constant 0 : i32
    %dma_wait3A_415 = tpu.memref_slice %arg8[%dma_wait3A_413, %dma_wait3A_414] : memref<16x16xi32, #tpu.memory_space<vmem>> -> memref<1x16xi32, #tpu.memory_space<vmem>>
    %dma_wait3A_416 = tpu.memref_squeeze %dma_wait3A_415 : memref<1x16xi32, #tpu.memory_space<vmem>> -> memref<16xi32, #tpu.memory_space<vmem>>
    %dma_wait3A_417 = arith.constant 0 : i32
    %dma_wait3A_418 = arith.constant 0 : i32
    %dma_wait3A_419 = tpu.memref_slice %arg4[%dma_wait3A_417, %dma_wait3A_418] : memref<100000x1024xf32, #tpu.memory_space<hbm>> -> memref<100000x1024xf32, #tpu.memory_space<hbm>>
    tpu.wait_indirect_dma semaphore(%arg18 : memref<!tpu.dma_semaphore, #tpu.memory_space<semaphore_mem>>) src(%dma_wait3A_419 : memref<100000x1024xf32, #tpu.memory_space<hbm>>) dst(%arg12 : memref<16x1024xf32, #tpu.memory_space<vmem>>)
    %parallel_loop3A_420 = arith.constant 0 : i32
    %parallel_loop3A_421 = arith.constant 64 : i32
    %parallel_loop3A_422 = arith.constant 1 : i32
    scf.for %parallel_loop3A_512 = %parallel_loop3A_420 to %parallel_loop3A_421 step %parallel_loop3A_422  : i32 {
      %parallel_loop3A_513 = arith.constant 16 : i32
      %parallel_loop3A_514 = arith.muli %parallel_loop3A_512, %parallel_loop3A_513 : i32
      %parallel_loop3A_515 = arith.constant 0 : i32
      %parallel_loop3A_516 = arith.index_cast %parallel_loop3A_515 : i32 to index
      %parallel_loop3A_517 = arith.index_cast %parallel_loop3A_514 : i32 to index
      %parallel_loop3A_518 = tpu.vector_load %arg10[%parallel_loop3A_516, %parallel_loop3A_517] {strides = array<i32>} : memref<2x1024xf32, #tpu.memory_space<vmem>>, vector<1x16xf32>,
      %parallel_loop3A_519 = vector.shape_cast %parallel_loop3A_518 : vector<1x16xf32> to vector<16xf32>
      %parallel_loop3A_520 = arith.index_cast %parallel_loop3A_514 : i32 to index
      %parallel_loop3A_521 = tpu.vector_load %arg11[%parallel_loop3A_520] {strides = array<i32>} : memref<1024xf32, #tpu.memory_space<vmem>>, vector<16xf32>,
      %parallel_loop3A_522 = vector.shape_cast %parallel_loop3A_521 : vector<16xf32> to vector<16xf32>
      %parallel_loop3A_523 = arith.constant 0 : i32
      %parallel_loop3A_524 = arith.constant 16 : i32
      %parallel_loop3A_525 = arith.constant 1 : i32
      scf.for %parallel_loop3A_526 = %parallel_loop3A_523 to %parallel_loop3A_524 step %parallel_loop3A_525  : i32 {
        %parallel_loop3A_527 = arith.constant 192 : i32
        %parallel_loop3A_528 = arith.addi %parallel_loop3A_527, %parallel_loop3A_526 : i32
        %parallel_loop3A_529 = arith.constant 16 : i32
        %parallel_loop3A_530 = arith.muli %parallel_loop3A_528, %parallel_loop3A_529 : i32
        %parallel_loop3A_531 = arith.index_cast %parallel_loop3A_530 : i32 to index
        %parallel_loop3A_532 = tpu.vector_load %arg9[%parallel_loop3A_531] {strides = array<i32>} : memref<4096xf32, #tpu.memory_space<vmem>>, vector<16xf32>,
        %parallel_loop3A_533 = vector.shape_cast %parallel_loop3A_532 : vector<16xf32> to vector<16xf32>
        %parallel_loop3A_534 = arith.index_cast %parallel_loop3A_526 : i32 to index
        %parallel_loop3A_535 = arith.index_cast %parallel_loop3A_514 : i32 to index
        %parallel_loop3A_536 = tpu.vector_load %arg17[%parallel_loop3A_534, %parallel_loop3A_535] {strides = array<i32>} : memref<16x1024xf32, #tpu.memory_space<vmem>>, vector<1x16xf32>,
        %parallel_loop3A_537 = vector.shape_cast %parallel_loop3A_536 : vector<1x16xf32> to vector<16xf32>
        %parallel_loop3A_538 = arith.addf %parallel_loop3A_537, %parallel_loop3A_519 : vector<16xf32>
        %parallel_loop3A_539 = arith.mulf %parallel_loop3A_533, %parallel_loop3A_522 : vector<16xf32>
        %parallel_loop3A_540 = arith.addf %parallel_loop3A_538, %parallel_loop3A_539 : vector<16xf32>
        %parallel_loop3A_541 = arith.index_cast %parallel_loop3A_526 : i32 to index
        %parallel_loop3A_542 = arith.index_cast %parallel_loop3A_514 : i32 to index
        %parallel_loop3A_543 = tpu.vector_load %arg12[%parallel_loop3A_541, %parallel_loop3A_542] {strides = array<i32>} : memref<16x1024xf32, #tpu.memory_space<vmem>>, vector<1x16xf32>,
        %parallel_loop3A_544 = vector.shape_cast %parallel_loop3A_543 : vector<1x16xf32> to vector<16xf32>
        %parallel_loop3A_545 = vector.shape_cast %parallel_loop3A_540 : vector<16xf32> to vector<1x16xf32>
        tpu.vector_store %arg12[%parallel_loop3A_541, %parallel_loop3A_542], %parallel_loop3A_545 {add = true, strides = array<i32>} : memref<16x1024xf32, #tpu.memory_space<vmem>>, vector<1x16xf32>,
      } {sc.loop_unroll_factor = 8 : i64, sc.parallel_access}
    } {sc.loop_unroll_factor = 1 : i64, sc.parallel_access}
    %add3A_423 = arith.constant 0 : i32
    %add3A_424 = arith.addi %add3A_423, %mul3A_2 : i32
    %add3A_425 = arith.constant 48 : i32
    %add3A_426 = arith.addi %add3A_424, %add3A_425 : i32
    %dma_start3A_427 = arith.constant 0 : i32
    %dma_start3A_428 = tpu.memref_slice %arg7[%add3A_426, %dma_start3A_427] : memref<8192x1024xf32, #tpu.memory_space<hbm>> -> memref<16x1024xf32, #tpu.memory_space<hbm>>
    %dma_start3A_429 = arith.constant 0 : i32
    %dma_start3A_430 = tpu.memref_slice %arg7[%add3A_426, %dma_start3A_429] : memref<8192x1024xf32, #tpu.memory_space<hbm>> -> memref<16x1024xf32, #tpu.memory_space<hbm>>
    tpu.enqueue_dma source(%arg12 : memref<16x1024xf32, #tpu.memory_space<vmem>>) target(%dma_start3A_430 : memref<16x1024xf32, #tpu.memory_space<hbm>>) target_semaphore(%arg22 : memref<!tpu.dma_semaphore, #tpu.memory_space<semaphore_mem>>)
    %dma_wait3A_431 = arith.constant 0 : i32
    %dma_wait3A_432 = tpu.memref_slice %arg7[%add3A_393, %dma_wait3A_431] : memref<8192x1024xf32, #tpu.memory_space<hbm>> -> memref<16x1024xf32, #tpu.memory_space<hbm>>
    %dma_wait3A_433 = arith.constant 0 : i32
    %dma_wait3A_434 = tpu.memref_slice %arg7[%add3A_393, %dma_wait3A_433] : memref<8192x1024xf32, #tpu.memory_space<hbm>> -> memref<16x1024xf32, #tpu.memory_space<hbm>>
    tpu.wait_dma2 semaphore(%arg25 : memref<!tpu.dma_semaphore, #tpu.memory_space<semaphore_mem>>) src(%arg15 : memref<16x1024xf32, #tpu.memory_space<vmem>>) dst(%dma_wait3A_434 : memref<16x1024xf32, #tpu.memory_space<hbm>>)
    %dma_start3A_435 = arith.constant 15 : i32
    %dma_start3A_436 = arith.constant 0 : i32
    %dma_start3A_437 = tpu.memref_slice %arg8[%dma_start3A_435, %dma_start3A_436] : memref<16x16xi32, #tpu.memory_space<vmem>> -> memref<1x16xi32, #tpu.memory_space<vmem>>
    %dma_start3A_438 = tpu.memref_squeeze %dma_start3A_437 : memref<1x16xi32, #tpu.memory_space<vmem>> -> memref<16xi32, #tpu.memory_space<vmem>>
    %dma_start3A_439 = arith.constant 0 : i32
    %dma_start3A_440 = arith.constant 0 : i32
    %dma_start3A_441 = tpu.memref_slice %arg4[%dma_start3A_439, %dma_start3A_440] : memref<100000x1024xf32, #tpu.memory_space<hbm>> -> memref<100000x1024xf32, #tpu.memory_space<hbm>>
    tpu.enqueue_indirect_dma source(%dma_start3A_441 : memref<100000x1024xf32, #tpu.memory_space<hbm>>) target(%arg15 : memref<16x1024xf32, #tpu.memory_space<vmem>>) offsets(%dma_start3A_438 : memref<16xi32, #tpu.memory_space<vmem>>) semaphore(%arg21 : memref<!tpu.dma_semaphore, #tpu.memory_space<semaphore_mem>>)
    %dma_wait3A_442 = arith.constant 13 : i32
    %dma_wait3A_443 = arith.constant 0 : i32
    %dma_wait3A_444 = tpu.memref_slice %arg8[%dma_wait3A_442, %dma_wait3A_443] : memref<16x16xi32, #tpu.memory_space<vmem>> -> memref<1x16xi32, #tpu.memory_space<vmem>>
    %dma_wait3A_445 = tpu.memref_squeeze %dma_wait3A_444 : memref<1x16xi32, #tpu.memory_space<vmem>> -> memref<16xi32, #tpu.memory_space<vmem>>
    %dma_wait3A_446 = arith.constant 0 : i32
    %dma_wait3A_447 = arith.constant 0 : i32
    %dma_wait3A_448 = tpu.memref_slice %arg4[%dma_wait3A_446, %dma_wait3A_447] : memref<100000x1024xf32, #tpu.memory_space<hbm>> -> memref<100000x1024xf32, #tpu.memory_space<hbm>>
    tpu.wait_indirect_dma semaphore(%arg19 : memref<!tpu.dma_semaphore, #tpu.memory_space<semaphore_mem>>) src(%dma_wait3A_448 : memref<100000x1024xf32, #tpu.memory_space<hbm>>) dst(%arg13 : memref<16x1024xf32, #tpu.memory_space<vmem>>)
    %parallel_loop3A_449 = arith.constant 0 : i32
    %parallel_loop3A_450 = arith.constant 64 : i32
    %parallel_loop3A_451 = arith.constant 1 : i32
    scf.for %parallel_loop3A_512 = %parallel_loop3A_449 to %parallel_loop3A_450 step %parallel_loop3A_451  : i32 {
      %parallel_loop3A_513 = arith.constant 16 : i32
      %parallel_loop3A_514 = arith.muli %parallel_loop3A_512, %parallel_loop3A_513 : i32
      %parallel_loop3A_515 = arith.constant 0 : i32
      %parallel_loop3A_516 = arith.index_cast %parallel_loop3A_515 : i32 to index
      %parallel_loop3A_517 = arith.index_cast %parallel_loop3A_514 : i32 to index
      %parallel_loop3A_518 = tpu.vector_load %arg10[%parallel_loop3A_516, %parallel_loop3A_517] {strides = array<i32>} : memref<2x1024xf32, #tpu.memory_space<vmem>>, vector<1x16xf32>,
      %parallel_loop3A_519 = vector.shape_cast %parallel_loop3A_518 : vector<1x16xf32> to vector<16xf32>
      %parallel_loop3A_520 = arith.index_cast %parallel_loop3A_514 : i32 to index
      %parallel_loop3A_521 = tpu.vector_load %arg11[%parallel_loop3A_520] {strides = array<i32>} : memref<1024xf32, #tpu.memory_space<vmem>>, vector<16xf32>,
      %parallel_loop3A_522 = vector.shape_cast %parallel_loop3A_521 : vector<16xf32> to vector<16xf32>
      %parallel_loop3A_523 = arith.constant 0 : i32
      %parallel_loop3A_524 = arith.constant 16 : i32
      %parallel_loop3A_525 = arith.constant 1 : i32
      scf.for %parallel_loop3A_526 = %parallel_loop3A_523 to %parallel_loop3A_524 step %parallel_loop3A_525  : i32 {
        %parallel_loop3A_527 = arith.constant 208 : i32
        %parallel_loop3A_528 = arith.addi %parallel_loop3A_527, %parallel_loop3A_526 : i32
        %parallel_loop3A_529 = arith.constant 16 : i32
        %parallel_loop3A_530 = arith.muli %parallel_loop3A_528, %parallel_loop3A_529 : i32
        %parallel_loop3A_531 = arith.index_cast %parallel_loop3A_530 : i32 to index
        %parallel_loop3A_532 = tpu.vector_load %arg9[%parallel_loop3A_531] {strides = array<i32>} : memref<4096xf32, #tpu.memory_space<vmem>>, vector<16xf32>,
        %parallel_loop3A_533 = vector.shape_cast %parallel_loop3A_532 : vector<16xf32> to vector<16xf32>
        %parallel_loop3A_534 = arith.index_cast %parallel_loop3A_526 : i32 to index
        %parallel_loop3A_535 = arith.index_cast %parallel_loop3A_514 : i32 to index
        %parallel_loop3A_536 = tpu.vector_load %arg17[%parallel_loop3A_534, %parallel_loop3A_535] {strides = array<i32>} : memref<16x1024xf32, #tpu.memory_space<vmem>>, vector<1x16xf32>,
        %parallel_loop3A_537 = vector.shape_cast %parallel_loop3A_536 : vector<1x16xf32> to vector<16xf32>
        %parallel_loop3A_538 = arith.addf %parallel_loop3A_537, %parallel_loop3A_519 : vector<16xf32>
        %parallel_loop3A_539 = arith.mulf %parallel_loop3A_533, %parallel_loop3A_522 : vector<16xf32>
        %parallel_loop3A_540 = arith.addf %parallel_loop3A_538, %parallel_loop3A_539 : vector<16xf32>
        %parallel_loop3A_541 = arith.index_cast %parallel_loop3A_526 : i32 to index
        %parallel_loop3A_542 = arith.index_cast %parallel_loop3A_514 : i32 to index
        %parallel_loop3A_543 = tpu.vector_load %arg13[%parallel_loop3A_541, %parallel_loop3A_542] {strides = array<i32>} : memref<16x1024xf32, #tpu.memory_space<vmem>>, vector<1x16xf32>,
        %parallel_loop3A_544 = vector.shape_cast %parallel_loop3A_543 : vector<1x16xf32> to vector<16xf32>
        %parallel_loop3A_545 = vector.shape_cast %parallel_loop3A_540 : vector<16xf32> to vector<1x16xf32>
        tpu.vector_store %arg13[%parallel_loop3A_541, %parallel_loop3A_542], %parallel_loop3A_545 {add = true, strides = array<i32>} : memref<16x1024xf32, #tpu.memory_space<vmem>>, vector<1x16xf32>,
      } {sc.loop_unroll_factor = 8 : i64, sc.parallel_access}
    } {sc.loop_unroll_factor = 1 : i64, sc.parallel_access}
    %add3A_452 = arith.constant 2048 : i32
    %add3A_453 = arith.addi %add3A_452, %mul3A_2 : i32
    %add3A_454 = arith.constant 48 : i32
    %add3A_455 = arith.addi %add3A_453, %add3A_454 : i32
    %dma_start3A_456 = arith.constant 0 : i32
    %dma_start3A_457 = tpu.memref_slice %arg7[%add3A_455, %dma_start3A_456] : memref<8192x1024xf32, #tpu.memory_space<hbm>> -> memref<16x1024xf32, #tpu.memory_space<hbm>>
    %dma_start3A_458 = arith.constant 0 : i32
    %dma_start3A_459 = tpu.memref_slice %arg7[%add3A_455, %dma_start3A_458] : memref<8192x1024xf32, #tpu.memory_space<hbm>> -> memref<16x1024xf32, #tpu.memory_space<hbm>>
    tpu.enqueue_dma source(%arg13 : memref<16x1024xf32, #tpu.memory_space<vmem>>) target(%dma_start3A_459 : memref<16x1024xf32, #tpu.memory_space<hbm>>) target_semaphore(%arg23 : memref<!tpu.dma_semaphore, #tpu.memory_space<semaphore_mem>>)
    %dma_wait3A_460 = arith.constant 14 : i32
    %dma_wait3A_461 = arith.constant 0 : i32
    %dma_wait3A_462 = tpu.memref_slice %arg8[%dma_wait3A_460, %dma_wait3A_461] : memref<16x16xi32, #tpu.memory_space<vmem>> -> memref<1x16xi32, #tpu.memory_space<vmem>>
    %dma_wait3A_463 = tpu.memref_squeeze %dma_wait3A_462 : memref<1x16xi32, #tpu.memory_space<vmem>> -> memref<16xi32, #tpu.memory_space<vmem>>
    %dma_wait3A_464 = arith.constant 0 : i32
    %dma_wait3A_465 = arith.constant 0 : i32
    %dma_wait3A_466 = tpu.memref_slice %arg4[%dma_wait3A_464, %dma_wait3A_465] : memref<100000x1024xf32, #tpu.memory_space<hbm>> -> memref<100000x1024xf32, #tpu.memory_space<hbm>>
    tpu.wait_indirect_dma semaphore(%arg20 : memref<!tpu.dma_semaphore, #tpu.memory_space<semaphore_mem>>) src(%dma_wait3A_466 : memref<100000x1024xf32, #tpu.memory_space<hbm>>) dst(%arg14 : memref<16x1024xf32, #tpu.memory_space<vmem>>)
    %parallel_loop3A_467 = arith.constant 0 : i32
    %parallel_loop3A_468 = arith.constant 64 : i32
    %parallel_loop3A_469 = arith.constant 1 : i32
    scf.for %parallel_loop3A_512 = %parallel_loop3A_467 to %parallel_loop3A_468 step %parallel_loop3A_469  : i32 {
      %parallel_loop3A_513 = arith.constant 16 : i32
      %parallel_loop3A_514 = arith.muli %parallel_loop3A_512, %parallel_loop3A_513 : i32
      %parallel_loop3A_515 = arith.constant 0 : i32
      %parallel_loop3A_516 = arith.index_cast %parallel_loop3A_515 : i32 to index
      %parallel_loop3A_517 = arith.index_cast %parallel_loop3A_514 : i32 to index
      %parallel_loop3A_518 = tpu.vector_load %arg10[%parallel_loop3A_516, %parallel_loop3A_517] {strides = array<i32>} : memref<2x1024xf32, #tpu.memory_space<vmem>>, vector<1x16xf32>,
      %parallel_loop3A_519 = vector.shape_cast %parallel_loop3A_518 : vector<1x16xf32> to vector<16xf32>
      %parallel_loop3A_520 = arith.index_cast %parallel_loop3A_514 : i32 to index
      %parallel_loop3A_521 = tpu.vector_load %arg11[%parallel_loop3A_520] {strides = array<i32>} : memref<1024xf32, #tpu.memory_space<vmem>>, vector<16xf32>,
      %parallel_loop3A_522 = vector.shape_cast %parallel_loop3A_521 : vector<16xf32> to vector<16xf32>
      %parallel_loop3A_523 = arith.constant 0 : i32
      %parallel_loop3A_524 = arith.constant 16 : i32
      %parallel_loop3A_525 = arith.constant 1 : i32
      scf.for %parallel_loop3A_526 = %parallel_loop3A_523 to %parallel_loop3A_524 step %parallel_loop3A_525  : i32 {
        %parallel_loop3A_527 = arith.constant 224 : i32
        %parallel_loop3A_528 = arith.addi %parallel_loop3A_527, %parallel_loop3A_526 : i32
        %parallel_loop3A_529 = arith.constant 16 : i32
        %parallel_loop3A_530 = arith.muli %parallel_loop3A_528, %parallel_loop3A_529 : i32
        %parallel_loop3A_531 = arith.index_cast %parallel_loop3A_530 : i32 to index
        %parallel_loop3A_532 = tpu.vector_load %arg9[%parallel_loop3A_531] {strides = array<i32>} : memref<4096xf32, #tpu.memory_space<vmem>>, vector<16xf32>,
        %parallel_loop3A_533 = vector.shape_cast %parallel_loop3A_532 : vector<16xf32> to vector<16xf32>
        %parallel_loop3A_534 = arith.index_cast %parallel_loop3A_526 : i32 to index
        %parallel_loop3A_535 = arith.index_cast %parallel_loop3A_514 : i32 to index
        %parallel_loop3A_536 = tpu.vector_load %arg17[%parallel_loop3A_534, %parallel_loop3A_535] {strides = array<i32>} : memref<16x1024xf32, #tpu.memory_space<vmem>>, vector<1x16xf32>,
        %parallel_loop3A_537 = vector.shape_cast %parallel_loop3A_536 : vector<1x16xf32> to vector<16xf32>
        %parallel_loop3A_538 = arith.addf %parallel_loop3A_537, %parallel_loop3A_519 : vector<16xf32>
        %parallel_loop3A_539 = arith.mulf %parallel_loop3A_533, %parallel_loop3A_522 : vector<16xf32>
        %parallel_loop3A_540 = arith.addf %parallel_loop3A_538, %parallel_loop3A_539 : vector<16xf32>
        %parallel_loop3A_541 = arith.index_cast %parallel_loop3A_526 : i32 to index
        %parallel_loop3A_542 = arith.index_cast %parallel_loop3A_514 : i32 to index
        %parallel_loop3A_543 = tpu.vector_load %arg14[%parallel_loop3A_541, %parallel_loop3A_542] {strides = array<i32>} : memref<16x1024xf32, #tpu.memory_space<vmem>>, vector<1x16xf32>,
        %parallel_loop3A_544 = vector.shape_cast %parallel_loop3A_543 : vector<1x16xf32> to vector<16xf32>
        %parallel_loop3A_545 = vector.shape_cast %parallel_loop3A_540 : vector<16xf32> to vector<1x16xf32>
        tpu.vector_store %arg14[%parallel_loop3A_541, %parallel_loop3A_542], %parallel_loop3A_545 {add = true, strides = array<i32>} : memref<16x1024xf32, #tpu.memory_space<vmem>>, vector<1x16xf32>,
      } {sc.loop_unroll_factor = 8 : i64, sc.parallel_access}
    } {sc.loop_unroll_factor = 1 : i64, sc.parallel_access}
    %add3A_470 = arith.constant 4096 : i32
    %add3A_471 = arith.addi %add3A_470, %mul3A_2 : i32
    %add3A_472 = arith.constant 48 : i32
    %add3A_473 = arith.addi %add3A_471, %add3A_472 : i32
    %dma_start3A_474 = arith.constant 0 : i32
    %dma_start3A_475 = tpu.memref_slice %arg7[%add3A_473, %dma_start3A_474] : memref<8192x1024xf32, #tpu.memory_space<hbm>> -> memref<16x1024xf32, #tpu.memory_space<hbm>>
    %dma_start3A_476 = arith.constant 0 : i32
    %dma_start3A_477 = tpu.memref_slice %arg7[%add3A_473, %dma_start3A_476] : memref<8192x1024xf32, #tpu.memory_space<hbm>> -> memref<16x1024xf32, #tpu.memory_space<hbm>>
    tpu.enqueue_dma source(%arg14 : memref<16x1024xf32, #tpu.memory_space<vmem>>) target(%dma_start3A_477 : memref<16x1024xf32, #tpu.memory_space<hbm>>) target_semaphore(%arg24 : memref<!tpu.dma_semaphore, #tpu.memory_space<semaphore_mem>>)
    %dma_wait3A_478 = arith.constant 15 : i32
    %dma_wait3A_479 = arith.constant 0 : i32
    %dma_wait3A_480 = tpu.memref_slice %arg8[%dma_wait3A_478, %dma_wait3A_479] : memref<16x16xi32, #tpu.memory_space<vmem>> -> memref<1x16xi32, #tpu.memory_space<vmem>>
    %dma_wait3A_481 = tpu.memref_squeeze %dma_wait3A_480 : memref<1x16xi32, #tpu.memory_space<vmem>> -> memref<16xi32, #tpu.memory_space<vmem>>
    %dma_wait3A_482 = arith.constant 0 : i32
    %dma_wait3A_483 = arith.constant 0 : i32
    %dma_wait3A_484 = tpu.memref_slice %arg4[%dma_wait3A_482, %dma_wait3A_483] : memref<100000x1024xf32, #tpu.memory_space<hbm>> -> memref<100000x1024xf32, #tpu.memory_space<hbm>>
    tpu.wait_indirect_dma semaphore(%arg21 : memref<!tpu.dma_semaphore, #tpu.memory_space<semaphore_mem>>) src(%dma_wait3A_484 : memref<100000x1024xf32, #tpu.memory_space<hbm>>) dst(%arg15 : memref<16x1024xf32, #tpu.memory_space<vmem>>)
    %parallel_loop3A_485 = arith.constant 0 : i32
    %parallel_loop3A_486 = arith.constant 64 : i32
    %parallel_loop3A_487 = arith.constant 1 : i32
    scf.for %parallel_loop3A_512 = %parallel_loop3A_485 to %parallel_loop3A_486 step %parallel_loop3A_487  : i32 {
      %parallel_loop3A_513 = arith.constant 16 : i32
      %parallel_loop3A_514 = arith.muli %parallel_loop3A_512, %parallel_loop3A_513 : i32
      %parallel_loop3A_515 = arith.constant 0 : i32
      %parallel_loop3A_516 = arith.index_cast %parallel_loop3A_515 : i32 to index
      %parallel_loop3A_517 = arith.index_cast %parallel_loop3A_514 : i32 to index
      %parallel_loop3A_518 = tpu.vector_load %arg10[%parallel_loop3A_516, %parallel_loop3A_517] {strides = array<i32>} : memref<2x1024xf32, #tpu.memory_space<vmem>>, vector<1x16xf32>,
      %parallel_loop3A_519 = vector.shape_cast %parallel_loop3A_518 : vector<1x16xf32> to vector<16xf32>
      %parallel_loop3A_520 = arith.index_cast %parallel_loop3A_514 : i32 to index
      %parallel_loop3A_521 = tpu.vector_load %arg11[%parallel_loop3A_520] {strides = array<i32>} : memref<1024xf32, #tpu.memory_space<vmem>>, vector<16xf32>,
      %parallel_loop3A_522 = vector.shape_cast %parallel_loop3A_521 : vector<16xf32> to vector<16xf32>
      %parallel_loop3A_523 = arith.constant 0 : i32
      %parallel_loop3A_524 = arith.constant 16 : i32
      %parallel_loop3A_525 = arith.constant 1 : i32
      scf.for %parallel_loop3A_526 = %parallel_loop3A_523 to %parallel_loop3A_524 step %parallel_loop3A_525  : i32 {
        %parallel_loop3A_527 = arith.constant 240 : i32
        %parallel_loop3A_528 = arith.addi %parallel_loop3A_527, %parallel_loop3A_526 : i32
        %parallel_loop3A_529 = arith.constant 16 : i32
        %parallel_loop3A_530 = arith.muli %parallel_loop3A_528, %parallel_loop3A_529 : i32
        %parallel_loop3A_531 = arith.index_cast %parallel_loop3A_530 : i32 to index
        %parallel_loop3A_532 = tpu.vector_load %arg9[%parallel_loop3A_531] {strides = array<i32>} : memref<4096xf32, #tpu.memory_space<vmem>>, vector<16xf32>,
        %parallel_loop3A_533 = vector.shape_cast %parallel_loop3A_532 : vector<16xf32> to vector<16xf32>
        %parallel_loop3A_534 = arith.index_cast %parallel_loop3A_526 : i32 to index
        %parallel_loop3A_535 = arith.index_cast %parallel_loop3A_514 : i32 to index
        %parallel_loop3A_536 = tpu.vector_load %arg17[%parallel_loop3A_534, %parallel_loop3A_535] {strides = array<i32>} : memref<16x1024xf32, #tpu.memory_space<vmem>>, vector<1x16xf32>,
        %parallel_loop3A_537 = vector.shape_cast %parallel_loop3A_536 : vector<1x16xf32> to vector<16xf32>
        %parallel_loop3A_538 = arith.addf %parallel_loop3A_537, %parallel_loop3A_519 : vector<16xf32>
        %parallel_loop3A_539 = arith.mulf %parallel_loop3A_533, %parallel_loop3A_522 : vector<16xf32>
        %parallel_loop3A_540 = arith.addf %parallel_loop3A_538, %parallel_loop3A_539 : vector<16xf32>
        %parallel_loop3A_541 = arith.index_cast %parallel_loop3A_526 : i32 to index
        %parallel_loop3A_542 = arith.index_cast %parallel_loop3A_514 : i32 to index
        %parallel_loop3A_543 = tpu.vector_load %arg15[%parallel_loop3A_541, %parallel_loop3A_542] {strides = array<i32>} : memref<16x1024xf32, #tpu.memory_space<vmem>>, vector<1x16xf32>,
        %parallel_loop3A_544 = vector.shape_cast %parallel_loop3A_543 : vector<1x16xf32> to vector<16xf32>
        %parallel_loop3A_545 = vector.shape_cast %parallel_loop3A_540 : vector<16xf32> to vector<1x16xf32>
        tpu.vector_store %arg15[%parallel_loop3A_541, %parallel_loop3A_542], %parallel_loop3A_545 {add = true, strides = array<i32>} : memref<16x1024xf32, #tpu.memory_space<vmem>>, vector<1x16xf32>,
      } {sc.loop_unroll_factor = 8 : i64, sc.parallel_access}
    } {sc.loop_unroll_factor = 1 : i64, sc.parallel_access}
    %add3A_488 = arith.constant 6144 : i32
    %add3A_489 = arith.addi %add3A_488, %mul3A_2 : i32
    %add3A_490 = arith.constant 48 : i32
    %add3A_491 = arith.addi %add3A_489, %add3A_490 : i32
    %dma_start3A_492 = arith.constant 0 : i32
    %dma_start3A_493 = tpu.memref_slice %arg7[%add3A_491, %dma_start3A_492] : memref<8192x1024xf32, #tpu.memory_space<hbm>> -> memref<16x1024xf32, #tpu.memory_space<hbm>>
    %dma_start3A_494 = arith.constant 0 : i32
    %dma_start3A_495 = tpu.memref_slice %arg7[%add3A_491, %dma_start3A_494] : memref<8192x1024xf32, #tpu.memory_space<hbm>> -> memref<16x1024xf32, #tpu.memory_space<hbm>>
    tpu.enqueue_dma source(%arg15 : memref<16x1024xf32, #tpu.memory_space<vmem>>) target(%dma_start3A_495 : memref<16x1024xf32, #tpu.memory_space<hbm>>) target_semaphore(%arg25 : memref<!tpu.dma_semaphore, #tpu.memory_space<semaphore_mem>>)
    %dma_wait3A_496 = arith.constant 0 : i32
    %dma_wait3A_497 = tpu.memref_slice %arg7[%add3A_426, %dma_wait3A_496] : memref<8192x1024xf32, #tpu.memory_space<hbm>> -> memref<16x1024xf32, #tpu.memory_space<hbm>>
    %dma_wait3A_498 = arith.constant 0 : i32
    %dma_wait3A_499 = tpu.memref_slice %arg7[%add3A_426, %dma_wait3A_498] : memref<8192x1024xf32, #tpu.memory_space<hbm>> -> memref<16x1024xf32, #tpu.memory_space<hbm>>
    tpu.wait_dma2 semaphore(%arg22 : memref<!tpu.dma_semaphore, #tpu.memory_space<semaphore_mem>>) src(%arg12 : memref<16x1024xf32, #tpu.memory_space<vmem>>) dst(%dma_wait3A_499 : memref<16x1024xf32, #tpu.memory_space<hbm>>)
    %dma_wait3A_500 = arith.constant 0 : i32
    %dma_wait3A_501 = tpu.memref_slice %arg7[%add3A_455, %dma_wait3A_500] : memref<8192x1024xf32, #tpu.memory_space<hbm>> -> memref<16x1024xf32, #tpu.memory_space<hbm>>
    %dma_wait3A_502 = arith.constant 0 : i32
    %dma_wait3A_503 = tpu.memref_slice %arg7[%add3A_455, %dma_wait3A_502] : memref<8192x1024xf32, #tpu.memory_space<hbm>> -> memref<16x1024xf32, #tpu.memory_space<hbm>>
    tpu.wait_dma2 semaphore(%arg23 : memref<!tpu.dma_semaphore, #tpu.memory_space<semaphore_mem>>) src(%arg13 : memref<16x1024xf32, #tpu.memory_space<vmem>>) dst(%dma_wait3A_503 : memref<16x1024xf32, #tpu.memory_space<hbm>>)
    %dma_wait3A_504 = arith.constant 0 : i32
    %dma_wait3A_505 = tpu.memref_slice %arg7[%add3A_473, %dma_wait3A_504] : memref<8192x1024xf32, #tpu.memory_space<hbm>> -> memref<16x1024xf32, #tpu.memory_space<hbm>>
    %dma_wait3A_506 = arith.constant 0 : i32
    %dma_wait3A_507 = tpu.memref_slice %arg7[%add3A_473, %dma_wait3A_506] : memref<8192x1024xf32, #tpu.memory_space<hbm>> -> memref<16x1024xf32, #tpu.memory_space<hbm>>
    tpu.wait_dma2 semaphore(%arg24 : memref<!tpu.dma_semaphore, #tpu.memory_space<semaphore_mem>>) src(%arg14 : memref<16x1024xf32, #tpu.memory_space<vmem>>) dst(%dma_wait3A_507 : memref<16x1024xf32, #tpu.memory_space<hbm>>)
    %dma_wait3A_508 = arith.constant 0 : i32
    %dma_wait3A_509 = tpu.memref_slice %arg7[%add3A_491, %dma_wait3A_508] : memref<8192x1024xf32, #tpu.memory_space<hbm>> -> memref<16x1024xf32, #tpu.memory_space<hbm>>
    %dma_wait3A_510 = arith.constant 0 : i32
    %dma_wait3A_511 = tpu.memref_slice %arg7[%add3A_491, %dma_wait3A_510] : memref<8192x1024xf32, #tpu.memory_space<hbm>> -> memref<16x1024xf32, #tpu.memory_space<hbm>>
    tpu.wait_dma2 semaphore(%arg25 : memref<!tpu.dma_semaphore, #tpu.memory_space<semaphore_mem>>) src(%arg15 : memref<16x1024xf32, #tpu.memory_space<vmem>>) dst(%dma_wait3A_511 : memref<16x1024xf32, #tpu.memory_space<hbm>>)
    return
  }
}

</mosaic_0001>

<sc_bundles>
// kernel: kernel.3.cloned.1.call-start
scs
__scs_entry_jumppad:
0x0: {  	(pc) =	sbr.rel $0x88, $3  }
0x1: {  	(tag) =	ssettag $0x0;
	lr =	simm.s32 $0x1  }
0x2: {  	[smem:$0x3F9C] =	sst lr;
	_ =	strace $0xD0000000  }
0x3: {  	_ = 	snop  }
0x4: {  	_ = 	snop  }
0x5: {  	_ = 	snop  }
0x6: {  	_ = 	snop  }
0x7: {  	_ = 	snop  }
__scs_overlays_trampoline_lowered:
0x8: {  	[smem:$0x3FAB] =	sst s0  }
0x9: {  	[smem:$0x3FAC] =	sst s1  }
0xa: {  	[smem:$0x3FAD] =	sst s2  }
0xb: {  	[smem:$0x3FAE] =	sst s3  }
0xc: {  	[smem:$0x3FAF] =	sst s4  }
0xd: {  	[smem:$0x3FB0] =	sst s5  }
0xe: {  	[smem:$0x3FB1] =	sst s6  }
0xf: {  	[smem:$0x3FB2] =	sst s7  }
0x10: {  	[smem:$0x3FB3] =	sst s8  }
0x11: {  	[smem:$0x3FB4] =	sst s9;
	s0 =	simm.s32 @!p0 $0x0  }
0x12: {  	s1 =	sld [smem:$0x3F9A];
	s0 =	simm.s32 @p0 $0x1  }
0x13: {  	[smem:$0x3FB5] =	sst s0;
	s0 =	simm.s32 @!p1 $0x0  }
0x14: {  	s2 =	sld [smem:$0x3F99];
	s0 =	simm.s32 @p1 $0x1  }
0x15: {  	[smem:$0x3FB6] =	sst s0;
	s0 =	simm.s32 @!p2 $0x0  }
0x16: {  	s3 =	sld [smem:$0x3FDB];
	s0 =	simm.s32 @p2 $0x1  }
0x17: {  	s4 =	simm.s32 $0x1BF5;
	[smem:$0x3FB8] =	sst s0  }
0x18: {  	s0 =	sld [smem:$0x3F9B];
	_ =	swait.ge [sflag:s4], $0x0  }
0x19: {  	s7 =	sld [smem:$0x3F9C]  }
0x1a: {  	s8 =	sadd.s32 $0xFFFFE003, lr  }
0x1b: {  	s9 =	sadd.s32 $0xFFFFFEF7, lr;
	s5 =	simm.s32 $0xFFFFFFFF;
	p2 =	slt.u32 s8, $0xFFFFF086  }
0x1c: {  	p1 =	slt.u32 s9, $0xF7A;
	s5 =	simm.s32 @!p2 $0x0  }
0x1d: {  	s5 =	simm.s32 @p1 $0x1;
	p0 =	seq.s32 s7, s2  }
0x1e: {  	s7 =	smul.u32 @!p0 $0xF7A, s2;
	p2 =	seq.s32 @!p0 s5, $0x0  }
0x1f: {  	s9 =	smul.u32 $0xF7A, s1;
	s8 =	simm.s32 @!p0 $0x1BF5;
	p2 =	por !p2, p0  }
0x20: {  	[sflag:s8] =	ssyncset.s32 @!p0 $0xFFFFF086;
	s6 =	sadd.s32 @!p0 s3, s7;
	s7 =	simm.s32 @!p0 $0x108  }
0x21: {  	s3 =	sadd.s32 s3, s9;
	s6 =	sadd.s32 @!p0 $0x88, s6;
	s7 =	simm.s32 @p2 $0x1082  }
0x22: {  	[simem:s7], [sflag:s8] =	dma.local @!p0 [hbm:s6], $0xF7A  }
0x23: {  	s9 =	sor.u32 $0xD0000000, s2;
	s6 =	simm.s32 $0x108;
	_ =	swait.ge @!p0 [sflag:s8], $0x0  }
0x24: {  	s3 =	sadd.s32 $0x88, s3;
	s6 =	simm.s32 @!p1 $0x1082;
	[sflag:s4] =	ssyncset.s32 $0xFFFFF086  }
0x25: {  	[simem:s6], [sflag:s4] =	dma.local [hbm:s3], $0xF7A  }
0x26: {  	[smem:$0x3F9C] =	sst s1;
	(tag) =	ssettag s2;
	_ =	strace s9  }
0x27: {  	s1 =	sld [smem:$0x3FAC]  }
0x28: {  	s2 =	sld [smem:$0x3FAD]  }
0x29: {  	s4 =	sld [smem:$0x3FAF]  }
0x2a: {  	p0 =	seq.s32 s5, $0x0;
	s5 =	sld [smem:$0x3FB0]  }
0x2b: {  	s6 =	sld [smem:$0x3FB1]  }
0x2c: {  	s7 =	sld [smem:$0x3FB2]  }
0x2d: {  	s3 =	simm.s32 $0x108;
	s8 =	sld [smem:$0x3FB3]  }
0x2e: {  	s3 =	simm.s32 @!p0 $0x1082;
	s9 =	sld [smem:$0x3FB4]  }
0x2f: {  	lr =	sadd.s32 s0, s3;
	s0 =	sld [smem:$0x3FAB]  }
0x30: {  	s3 =	sld [smem:$0x3FAE]  }
0x31: {  	[smem:$0x3FB7] =	sst s10  }
0x32: {  	s10 =	sld [smem:$0x3FB5];
	_ =	sdelay $0x3  }
0x33: {  	p0 =	seq.s32 s10, $0x1;
	s10 =	sld [smem:$0x3FB7];
	_ =	sdelay $0x3  }
0x34: {  	[smem:$0x3FB7] =	sst s10  }
0x35: {  	s10 =	sld [smem:$0x3FB6];
	_ =	sdelay $0x3  }
0x36: {  	p1 =	seq.s32 s10, $0x1;
	s10 =	sld [smem:$0x3FB7];
	_ =	sdelay $0x3  }
0x37: {  	[smem:$0x3FB7] =	sst s10  }
0x38: {  	s10 =	sld [smem:$0x3FB8]  }
0x39: {  	_ = 	snop;
	(pc) =	sbr.ind lr, $3  }
0x3a: {  	_ = 	snop  }
0x3b: {  	_ = 	snop  }
0x3c: {  	p2 =	seq.s32 s10, $0x1;
	s10 =	sld [smem:$0x3FB7]  }
0x3d: {  	_ =	shalt  }
0x3e: {  	_ =	shalt  }
0x3f: {  	_ =	shalt  }
0x40: {  	_ =	shalt  }
0x41: {  	_ =	shalt  }
0x42: {  	_ =	shalt  }
0x43: {  	_ =	shalt  }
0x44: {  	_ =	shalt  }
0x45: {  	_ =	shalt  }
0x46: {  	_ =	shalt  }
0x47: {  	_ =	shalt  }
0x48: {  	_ =	shalt  }
0x49: {  	_ =	shalt  }
0x4a: {  	_ =	shalt  }
0x4b: {  	_ =	shalt  }
0x4c: {  	_ =	shalt  }
0x4d: {  	_ =	shalt  }
0x4e: {  	_ =	shalt  }
0x4f: {  	_ =	shalt  }
0x50: {  	_ =	shalt  }
0x51: {  	_ =	shalt  }
0x52: {  	_ =	shalt  }
0x53: {  	_ =	shalt  }
0x54: {  	_ =	shalt  }
0x55: {  	_ =	shalt  }
0x56: {  	_ =	shalt  }
0x57: {  	_ =	shalt  }
0x58: {  	_ =	shalt  }
0x59: {  	_ =	shalt  }
0x5a: {  	_ =	shalt  }
0x5b: {  	_ =	shalt  }
0x5c: {  	_ =	shalt  }
0x5d: {  	_ =	shalt  }
0x5e: {  	_ =	shalt  }
0x5f: {  	_ =	shalt  }
0x60: {  	_ =	shalt  }
0x61: {  	_ =	shalt  }
0x62: {  	_ =	shalt  }
0x63: {  	_ =	shalt  }
0x64: {  	_ =	shalt  }
0x65: {  	_ =	shalt  }
0x66: {  	_ =	shalt  }
0x67: {  	_ =	shalt  }
0x68: {  	_ =	shalt  }
0x69: {  	_ =	shalt  }
0x6a: {  	_ =	shalt  }
0x6b: {  	_ =	shalt  }
0x6c: {  	_ =	shalt  }
0x6d: {  	_ =	shalt  }
0x6e: {  	_ =	shalt  }
0x6f: {  	_ =	shalt  }
0x70: {  	_ =	shalt  }
0x71: {  	_ =	shalt  }
0x72: {  	_ =	shalt  }
0x73: {  	_ =	shalt  }
0x74: {  	_ =	shalt  }
0x75: {  	_ =	shalt  }
0x76: {  	_ =	shalt  }
0x77: {  	_ =	shalt  }
0x78: {  	_ =	shalt  }
0x79: {  	_ =	shalt  }
0x7a: {  	_ =	shalt  }
0x7b: {  	_ =	shalt  }
0x7c: {  	_ =	shalt  }
0x7d: {  	_ =	shalt  }
0x7e: {  	_ =	shalt  }
0x7f: {  	_ =	shalt  }
0x80: {  	_ =	shalt  }
0x81: {  	_ =	shalt  }
0x82: {  	_ =	shalt  }
0x83: {  	_ =	shalt  }
0x84: {  	_ =	shalt  }
0x85: {  	_ =	shalt  }
0x86: {  	_ =	shalt  }
0x87: {  	_ =	shalt  }
.Lfunc_end0:
.L_simem_size_0:
called_computation_lowered:
.L_overlay_start_0:
0x88: {  	s2 =	sld [smem:$0x3FD9]  }
0x89: {  	s3 =	sld [smem:$0x3FFE];
	_ =	sdelay $0x1  }
0x8a: {  	s1 =	srdreg.scid  }
0x8b: {  	s0 =	sand.u32 $0x1, s1  }
0x8c: {  	s17 =	sshll.u32 s0, $0xA;
	s2 =	sadd.s32 s3, s2  }
0x8d: {  	s2 =	sadd.s32 s2, s17  }
0x8e: {  	[smem:$0x3FC3] =	sst s2  }
0x8f: {  	_ = 	snop  }
0x90: {  	s2 =	sld [smem:$0x3FC7]  }
0x91: {  	s18 =	sld [smem:$0x3FC6]  }
0x92: {  	s4 =	sld [smem:$0x3FC5]  }
0x93: {  	s5 =	sld [smem:$0x3FD0];
	(tm) =	ssettm $0x1  }
0x94: {  	s6 =	sld [smem:$0x3FFB];
	_ =	sdelay $0x3  }
0x95: {  	_ =	strace s6  }
0x96: {  	s6 =	sld [smem:$0x3FFC];
	_ =	sdelay $0x3  }
0x97: {  	_ =	strace s6  }
0x98: {  	s6 =	sld [smem:$0x3FFD];
	_ =	sdelay $0x3  }
0x99: {  	_ =	strace s6  }
0x9a: {  	_ =	strace $0x8FFFFFFF  }
0x9b: {  	s19 =	sld [smem:$0x3FDB];
	_ =	sdelay $0x1  }
0x9c: {  	s7 =	simm.s32 $_scs_section_size  }
0x9d: {  	s8 =	simm.s32 $_size__tile_overlayer_lowered;
	s9 =	simm.s32 $_tile_overlayer_lowered  }
0x9e: {  	s22 =	simm.s32 $0x1BFF;
	s21 =	sshll.u32 s9, $0x1;
	s6 =	sadd.s32 s7, s19  }
0x9f: {  	s10 =	simm.s32 $0x0;
	s20 =	sshll.u32 s8, $0x1;
	s8 =	sadd.s32 s21, s6  }
0xa0: {  	[timem:s10], [sflag:s22] =	dma.local [hbm:s8], s20  }
0xa1: {  	_ =	swait.ge [sflag:s22], s20  }
0xa2: {  	s7 =	ssub.s32 $0x0, s20;
	[sflag:s22] =	ssyncset.done $0x0  }
0xa3: {  	[sflag:s22] =	ssyncadd.s32 s7;
	_ =	sdelay $0x1  }
0xa4: {  	s23 =	simm.s32 $0x1B8B  }
0xa5: {  	_ =	swait.ge [sflag:s23], $0x1  }
0xa6: {  	[sflag:s23] =	ssyncset.done $0x0  }
0xa7: {  	s25 =	simm.s32 $0x1B8E;
	s24 =	sld [smem:$0x3FFE];
	[sflag:s23] =	ssyncadd.s32 $0xFFFFFFFF  }
0xa8: {  	s26 =	simm.s32 $execute0_lowered;
	[smem:$0x3FD2] =	sst s25  }
0xa9: {  	s8 =	sshll.u32 s26, $0x1;
	_ =	strace $0x80000046;
	[dreg:$0x1] =	wrdreg $0xFFFFFFFF  }
0xaa: {  	s28 =	simm.s32 $_size_execute0_lowered;
	s6 =	sadd.s32 s6, s8;
	[dreg:$0x0] =	wrdreg $0x0  }
0xab: {  	s8 =	sshll.u32 s28, $0x1;
	[dreg:$0x2] =	wrdreg s6  }
0xac: {  	[dreg:$0x3] =	wrdreg s8  }
0xad: {  	[dreg:$0x4] =	wrdreg $0xC0  }
0xae: {  	_ =	task [dreg:s10], $0x5FFFF  }
0xaf: {  	[dreg:$0x1] =	wrdreg $0xFFFFFFFF  }
0xb0: {  	[dreg:$0x0] =	wrdreg $0x60  }
0xb1: {  	[dreg:$0x2] =	wrdreg s24  }
0xb2: {  	[dreg:$0x3] =	wrdreg s2  }
0xb3: {  	[dreg:$0x4] =	wrdreg s18  }
0xb4: {  	[dreg:$0x5] =	wrdreg s4  }
0xb5: {  	[dreg:$0x6] =	wrdreg s5  }
0xb6: {  	[dreg:$0x7] =	wrdreg $0x9  }
0xb7: {  	_ =	task.clear_ibuf [dreg:s10], $0x8FFFF;
	_ =	strace $0x90000046  }
0xb8: {  	s29 =	simm.s32 $0x9;
	_ =	strace $0x80000048  }
0xb9: {  	_ =	swait.ge [sflag:s29], $0x1  }
0xba: {  	[sflag:s29] =	ssyncadd.s32 $0xFFFFFFFF  }
0xbb: {  	_ =	strace $0x90000048  }
0xbc: {  	_ =	sfence  }
0xbd: {  	s30 =	sld [smem:$0x0];
	_ =	sdelay $0x2  }
0xbe: {  	s31 =	sshll.u32 s1, $0xD;
	s1 =	sshrl.u32 s1, $0x2  }
0xbf: {  	s3 =	sand.u32 $0x4000, s31;
	s1 =	sadd.s32 s1, s30  }
0xc0: {  	s0 =	sor.u32 s3, s0;
	s1 =	sshll.u32 s1, $0x11  }
0xc1: {  	s0 =	sor.u32 s1, s0  }
0xc2: {  	s0 =	sadd.s32 $0x8F2B, s0  }
0xc3: {  	[sflag:s0] =	ssyncadd.remote.s32 $0x1  }
0xc4: {  	_ =	sfence.sel $0xFFFF  }
0xc5: {  	[dreg:$0x0] =	wrdreg $0xFFFFFFFF;
	(pc) =	sbr.abs _section_cstart, $3  }
0xc6: {  	[dreg:$0x1] =	wrdreg $0xFFFFFFFF  }
0xc7: {  	_ =	task.clear_ibuf [dreg:s10], $0x2FFFF;
	_ =	strace $0x9FFFFFFF  }
0xc8: {  	(tm) =	ssettm $0x7FFFFFFF  }
0xc9: {  	_ =	shalt  }
tec
execute0_lowered:
.L_overlay_start_1:
0x0: {  	(tag) =	ssettag $0x1  }
0x1: {  	s0 =	rddreg [dreg:$0x0]  }
0x2: {  	s1 =	rddreg [dreg:$0x1]  }
0x3: {  	s2 =	rddreg [dreg:$0x3]  }
0x4: {  	s5 =	srdreg.scid;
	s6 =	stileid.u32  }
0x5: {  	s4 =	simm.s32 $0x0;
	s5 =	sand.u32 $0x1, s5;
	s6 =	sshll.u32 s6, $0x1  }
0x6: {  	[smem:$0x7FF] =	sst s4;
	s6 =	sor.u32 s5, s6  }
0x7: {  	s7 =	sshll.u32 s6, $0x8;
	s8 =	sshll.u32 s6, $0x9;
	s6 =	sshll.u32 s6, $0xD  }
0x8: {  	s3 =	rddreg [dreg:$0x4];
	_ =	strace $0x80000047;
	s12 =	sadd.s32 s2, s6  }
0x9: {  	s7 =	sadd.s32 s7, s0;
	s14 =	sadd.s32 s3, s6;
	[dreg:$0x8] =	wrdreg s12  }
0xa: {  	s0 =	sadd.s32 s8, s0;
	s7 =	sadd.s32 $0x400, s7;
	[dreg:$0xa] =	wrdreg s14  }
0xb: {  	s8 =	sor.u32 $0x800, s6;
	s0 =	sadd.s32 $0x2400, s0;
	[dreg:$0x6] =	wrdreg s7  }
0xc: {  	s13 =	sadd.s32 s2, s8;
	[dreg:$0x7] =	wrdreg s0  }
0xd: {  	s15 =	sadd.s32 $0x40000, s14;
	[dreg:$0x9] =	wrdreg s13  }
0xe: {  	s11 =	sadd.s32 $0x80000, s14;
	[dreg:$0xb] =	wrdreg s15  }
0xf: {  	s16 =	sor.u32 $0x1000, s6;
	s17 =	sadd.s32 $0xC0000, s14;
	[dreg:$0xc] =	wrdreg s11  }
0x10: {  	s18 =	sadd.s32 s2, s16;
	[dreg:$0xd] =	wrdreg s17  }
0x11: {  	s28 =	simm.s32 $0x0;
	s19 =	sadd.s32 $0x40800, s14;
	[dreg:$0xe] =	wrdreg s18  }
0x12: {  	s9 =	sadd.s32 $0x100, s1;
	s20 =	sadd.s32 $0x80800, s14;
	[dreg:$0x10] =	wrdreg s19  }
0x13: {  	s6 =	sor.u32 $0x1800, s6;
	s21 =	sadd.s32 $0xC0800, s14;
	[dreg:$0x11] =	wrdreg s20  }
0x14: {  	s5 =	ssub.s32 $0x2, s5;
	s2 =	sadd.s32 s2, s6;
	[dreg:$0x12] =	wrdreg s21  }
0x15: {  	s31 =	sshrl.u32 s5, $0x1;
	s22 =	sadd.s32 s3, s6;
	[dreg:$0x13] =	wrdreg s2  }
0x16: {  	s5 =	ssub.s32 s5, s31;
	s23 =	sadd.s32 $0x41000, s14;
	[dreg:$0x15] =	wrdreg s22  }
0x17: {  	s10 =	sadd.s32 $0x200, s1;
	s24 =	smax.u32 s5, $0x1;
	[dreg:$0x16] =	wrdreg s23  }
0x18: {  	s12 =	sadd.s32 $0x300, s1;
	s25 =	sadd.s32 $0x81000, s14;
	[dreg:$0x17] =	wrdreg s24  }
0x19: {  	s26 =	sadd.s32 $0xC1000, s14;
	s29 =	sadd.s32 $0x41800, s14;
	[dreg:$0x18] =	wrdreg s25  }
0x1a: {  	s30 =	sadd.s32 $0x81800, s14;
	s31 =	sadd.s32 $0xC1800, s14;
	[dreg:$0x19] =	wrdreg s26  }
0x1b: {  	s5 =	simm.s32 $0x2400;
	s6 =	simm.s32 $0x1;
	[dreg:$0x1a] =	wrdreg s29  }
0x1c: {  	s7 =	sadd.s32 s3, s8;
	s0 =	sadd.s32 s3, s16;
	[dreg:$0x1b] =	wrdreg s30  }
0x1d: {  	[dreg:$0x1c] =	wrdreg s31;
	s15 =	simm.s32 $0x6400;
	s23 =	simm.s32 $0xA400  }
0x1e: {  	s18 =	simm.s32 $0x2;
	s19 =	simm.s32 $0x5;
	s20 =	simm.s32 $0x3  }
0x1f: {  	v2 =	vlaneseq.u32;
	s21 =	simm.s32 $0x6;
	s22 =	simm.s32 $0x4;
	s24 =	simm.s32 $0x7  }
0x20: {  	vm0 =	vmmov $0xffff;
	v1 =	vshrl.u32 v2, $0x3;
	s25 =	simm.s32 $0xA;
	s26 =	simm.s32 $0x8;
	[dreg:$0xf] =	wrdreg s7  }
0x21: {  	v0 =	vand.u32 $0x7, v2;
	v2 =	vor.u32 $0x8, v2;
	v1 =	vmul.u32 $0x8, v1;
	[dreg:$0x14] =	wrdreg s0;
	s0 =	simm.s32 $0xB;
	s7 =	simm.s32 $0xE400  }
.LBB2_1:
0x22: {  	s2 =	rddreg [dreg:$0x6]  }
0x23: {  	[tilespmem:s4], [sflag:$0xB] =	stream.linear.gather [hbm4b:s2+s4], $0x800, $0x38;
	[tilespmem:$0x1A400] =	vst v63  }
0x24: {  	_ =	swait.ge [sflag:s0], $0x800  }
0x25: {  	[sflag:s0] =	ssyncset.done $0x0  }
0x26: {  	s3 =	simm.s32 $0x800;
	s17 =	rddreg [dreg:$0x7];
	[sflag:s0] =	ssyncadd.s32 $0xFFFFF800  }
0x27: {  	[tilespmem:s3], [sflag:$0xB] =	stream.linear.gather [hbm4b:s17+s4], $0x1000, $0x38;
	[tilespmem:$0x1A400] =	vst v63  }
0x28: {  	_ =	swait.ge [sflag:s0], $0x1000  }
0x29: {  	[sflag:s0] =	ssyncset.done $0x0  }
0x2a: {  	[sflag:s0] =	ssyncadd.s32 $0xFFFFF000  }
0x2b: {  	s13 =	simm.s32 $0x1800;
	s8 =	rddreg [dreg:$0x2]  }
0x2c: {  	[tilespmem:s13], [sflag:$0xB] =	stream.linear.gather [hbm4b:s8+s4], $0x800, $0x38;
	[tilespmem:$0x1A400] =	vst v63  }
0x2d: {  	s14 =	sand.u32 $0x700, s4;
	_ =	swait.ge [sflag:s0], $0x800  }
0x2e: {  	s3 =	sor.u32 $0x1800, s14;
	s8 =	sand.u32 $0x40, s4;
	[sflag:s0] =	ssyncset.done $0x0  }
0x2f: {  	s29 =	sor.u32 s8, s3;
	[sflag:s0] =	ssyncadd.s32 $0xFFFFF800  }
0x30: {  	v3 =	vld [tilespmem:s29+$0x80]  }
0x31: {  	v4 =	vld [tilespmem:s29+$0x0];
	_ =	sdelay $0x4  }
0x32: {  	v3 =	vsub.f32 v3, v4  }
0x33: {  	s30 =	sor.u32 $0x10, s8;
	s29 =	simm.s32 $0x2000  }
0x34: {  	s31 =	sor.u32 s30, s3;
	[tilespmem:s29+$0x0] =	vst v3  }
0x35: {  	v3 =	vld [tilespmem:s31+$0x80]  }
0x36: {  	v4 =	vld [tilespmem:s31+$0x0];
	_ =	sdelay $0x3  }
0x37: {  	s31 =	sand.u32 $0x380, s4  }
0x38: {  	s31 =	sor.u32 $0x2000, s31;
	v3 =	vsub.f32 v3, v4  }
0x39: {  	s16 =	sor.u32 $0x20, s8;
	s30 =	sor.u32 s30, s31  }
0x3a: {  	[tilespmem:s30+$0x0] =	vst v3;
	s30 =	sor.u32 s16, s3  }
0x3b: {  	v3 =	vld [tilespmem:s30+$0x80]  }
0x3c: {  	v4 =	vld [tilespmem:s30+$0x0];
	_ =	sdelay $0x4  }
0x3d: {  	v3 =	vsub.f32 v3, v4  }
0x3e: {  	s8 =	sor.u32 $0x30, s8;
	s2 =	sor.u32 s16, s31  }
0x3f: {  	s17 =	sor.u32 s8, s3;
	[tilespmem:s2+$0x0] =	vst v3  }
0x40: {  	v3 =	vld [tilespmem:s17+$0x80]  }
0x41: {  	v4 =	vld [tilespmem:s17+$0x0]  }
0x42: {  	s11 =	simm.s32 $0xAC00  }
0x43: {  	s3 =	sor.u32 s8, s31;
	s31 =	simm.s32 $0x0;
	s30 =	simm.s32 $0x40  }
.LBB2_2:
0x44: {  	p0 =	sne.s32 s30, $0x3C0;
	s31 =	sadd.s32 $0x80, s31;
	s29 =	sadd.s32 $0x40, s29  }
0x45: {  	s2 =	smov.u32 s30;
	s30 =	sadd.s32 $0x40, s30  }
0x46: {  	s8 =	sand.u32 $0x700, s31;
	v3 =	vsub.f32 v3, v4  }
0x47: {  	s13 =	sand.u32 $0x40, s2;
	s8 =	sor.u32 $0x1800, s8  }
0x48: {  	s16 =	sor.u32 $0x10, s13;
	s17 =	sor.u32 $0x20, s13;
	s14 =	sor.u32 s13, s8;
	[tilespmem:s3+$0x0] =	vst v3  }
0x49: {  	v3 =	vld [tilespmem:s14+$0x80]  }
0x4a: {  	v4 =	vld [tilespmem:s14+$0x0];
	_ =	sdelay $0x4  }
0x4b: {  	v3 =	vsub.f32 v3, v4;
	_ =	sdelay $0x1  }
0x4c: {  	s3 =	sor.u32 s16, s8;
	[tilespmem:s29+$0x0] =	vst v3  }
0x4d: {  	v3 =	vld [tilespmem:s3+$0x80]  }
0x4e: {  	v4 =	vld [tilespmem:s3+$0x0];
	_ =	sdelay $0x1  }
0x4f: {  	s2 =	sand.u32 $0x380, s2  }
0x50: {  	s2 =	sor.u32 $0x2000, s2  }
0x51: {  	s14 =	sor.u32 s17, s2;
	s3 =	sor.u32 s16, s2  }
0x52: {  	v3 =	vsub.f32 v3, v4;
	_ =	sdelay $0x1  }
0x53: {  	[tilespmem:s3+$0x0] =	vst v3;
	s3 =	sor.u32 s17, s8  }
0x54: {  	v3 =	vld [tilespmem:s3+$0x80]  }
0x55: {  	v4 =	vld [tilespmem:s3+$0x0];
	_ =	sdelay $0x4  }
0x56: {  	v3 =	vsub.f32 v3, v4  }
0x57: {  	s3 =	sor.u32 $0x30, s13  }
.Ltmp0:
0x58: {  	s8 =	sor.u32 s3, s8;
	[tilespmem:s14+$0x0] =	vst v3;
	(pc) =	sbr.rel @p0 .LBB2_2-.Ltmp0, $3  }
0x59: {  	v3 =	vld [tilespmem:s8+$0x80]  }
0x5a: {  	v4 =	vld [tilespmem:s8+$0x0];
	_ =	sdelay $0x1  }
0x5b: {  	s3 =	sor.u32 s3, s2  }
0x5c: {  	_ =	sdelay $0x1  }
0x5d: {  	v3 =	vsub.f32 v3, v4;
	_ =	sdelay $0x1  }
0x5e: {  	s29 =	simm.s32 $0x0;
	s2 =	rddreg [dreg:$0x8];
	s14 =	simm.s32 $0x12400;
	[tilespmem:s3+$0x0] =	vst v3  }
0x5f: {  	[tilespmem:s14], [sflag:$0x9] =	stream.linear.gather [hbm4b:s2+s29], $0x4000, $0x38;
	[tilespmem:$0x1A400] =	vst v63  }
0x60: {  	s16 =	simm.s32 $0x16400;
	s3 =	rddreg [dreg:$0x9]  }
0x61: {  	[tilespmem:s16], [sflag:$0xA] =	stream.linear.gather [hbm4b:s3+s29], $0x4000, $0x38;
	[tilespmem:$0x1A400] =	vst v63  }
0x62: {  	v3 =	vld [tilespmem:$0x0];
	_ =	sdelay $0x4  }
0x63: {  	v61 =	vshll.u32 v3, $0x3  }
0x64: {  	v3 =	vand.u32 $0x7, v3;
	v4 =	vand.u32 $0xFFFFFFC0, v61  }
0x65: {  	v3 =	vor.u32 v3, v4  }
0x66: {  	v4 =	vperm.xlane v3, v0;
	_ =	sdelay $0x1  }
0x67: {  	v4 =	vadd.s32 v1, v4;
	_ =	sdelay $0x4  }
0x68: {  	[tilespmem:s5], [sflag:$0x1] =	stream.indirect_vreg.gather [hbm4b:s1+s29], $0x80, v4, vm0, $0xb8;
	[tilespmem:$0x1A400] =	vst v63  }
0x69: {  	s17 =	simm.s32 $0x2C00;
	v3 =	vperm.xlane v3, v2  }
0x6a: {  	[tilespmem:s17], [sflag:$0x1] =	stream.indirect_vreg.gather [hbm4b:s9+s29], $0x80, v4, vm0, $0xb8;
	[tilespmem:$0x1A400] =	vst v63  }
0x6b: {  	s8 =	simm.s32 $0x3400;
	v3 =	vadd.s32 v1, v3  }
0x6c: {  	[tilespmem:s8], [sflag:$0x1] =	stream.indirect_vreg.gather [hbm4b:s10+s29], $0x80, v4, vm0, $0xb8;
	[tilespmem:$0x1A400] =	vst v63  }
0x6d: {  	s13 =	simm.s32 $0x3C00  }
0x6e: {  	[tilespmem:s13], [sflag:$0x1] =	stream.indirect_vreg.gather [hbm4b:s12+s29], $0x80, v4, vm0, $0xb8;
	[tilespmem:$0x1A400] =	vst v63  }
0x6f: {  	s30 =	simm.s32 $0x4400  }
0x70: {  	[tilespmem:s30], [sflag:$0x1] =	stream.indirect_vreg.gather [hbm4b:s1+s29], $0x80, v3, vm0, $0xb8;
	[tilespmem:$0x1A400] =	vst v63  }
0x71: {  	s31 =	simm.s32 $0x4C00  }
0x72: {  	[tilespmem:s31], [sflag:$0x1] =	stream.indirect_vreg.gather [hbm4b:s9+s29], $0x80, v3, vm0, $0xb8;
	[tilespmem:$0x1A400] =	vst v63  }
0x73: {  	s3 =	simm.s32 $0x5400  }
0x74: {  	[tilespmem:s3], [sflag:$0x1] =	stream.indirect_vreg.gather [hbm4b:s10+s29], $0x80, v3, vm0, $0xb8;
	[tilespmem:$0x1A400] =	vst v63  }
0x75: {  	s8 =	simm.s32 $0x5C00  }
0x76: {  	[tilespmem:s8], [sflag:$0x1] =	stream.indirect_vreg.gather [hbm4b:s12+s29], $0x80, v3, vm0, $0xb8;
	[tilespmem:$0x1A400] =	vst v63  }
0x77: {  	v3 =	vld [tilespmem:$0x80];
	_ =	sdelay $0x4  }
0x78: {  	v62 =	vshll.u32 v3, $0x3  }
0x79: {  	v3 =	vand.u32 $0x7, v3;
	v4 =	vand.u32 $0xFFFFFFC0, v62  }
0x7a: {  	v3 =	vor.u32 v3, v4  }
0x7b: {  	v4 =	vperm.xlane v3, v0;
	_ =	sdelay $0x1  }
0x7c: {  	v4 =	vadd.s32 v1, v4;
	_ =	sdelay $0x4  }
0x7d: {  	[tilespmem:s15], [sflag:$0x2] =	stream.indirect_vreg.gather [hbm4b:s1+s29], $0x80, v4, vm0, $0xb8;
	[tilespmem:$0x1A400] =	vst v63  }
0x7e: {  	s13 =	simm.s32 $0x6C00;
	v3 =	vperm.xlane v3, v2  }
0x7f: {  	[tilespmem:s13], [sflag:$0x2] =	stream.indirect_vreg.gather [hbm4b:s9+s29], $0x80, v4, vm0, $0xb8;
	[tilespmem:$0x1A400] =	vst v63  }
0x80: {  	s30 =	simm.s32 $0x7400;
	v3 =	vadd.s32 v1, v3  }
0x81: {  	[tilespmem:s30], [sflag:$0x2] =	stream.indirect_vreg.gather [hbm4b:s10+s29], $0x80, v4, vm0, $0xb8;
	[tilespmem:$0x1A400] =	vst v63  }
0x82: {  	s31 =	simm.s32 $0x7C00  }
0x83: {  	[tilespmem:s31], [sflag:$0x2] =	stream.indirect_vreg.gather [hbm4b:s12+s29], $0x80, v4, vm0, $0xb8;
	[tilespmem:$0x1A400] =	vst v63  }
0x84: {  	s3 =	simm.s32 $0x8400  }
0x85: {  	[tilespmem:s3], [sflag:$0x2] =	stream.indirect_vreg.gather [hbm4b:s1+s29], $0x80, v3, vm0, $0xb8;
	[tilespmem:$0x1A400] =	vst v63  }
0x86: {  	s8 =	simm.s32 $0x8C00  }
0x87: {  	[tilespmem:s8], [sflag:$0x2] =	stream.indirect_vreg.gather [hbm4b:s9+s29], $0x80, v3, vm0, $0xb8;
	[tilespmem:$0x1A400] =	vst v63  }
0x88: {  	s13 =	simm.s32 $0x9400  }
0x89: {  	[tilespmem:s13], [sflag:$0x2] =	stream.indirect_vreg.gather [hbm4b:s10+s29], $0x80, v3, vm0, $0xb8;
	[tilespmem:$0x1A400] =	vst v63  }
0x8a: {  	s30 =	simm.s32 $0x9C00  }
0x8b: {  	[tilespmem:s30], [sflag:$0x2] =	stream.indirect_vreg.gather [hbm4b:s12+s29], $0x80, v3, vm0, $0xb8;
	[tilespmem:$0x1A400] =	vst v63  }
0x8c: {  	v3 =	vld [tilespmem:$0x100];
	_ =	sdelay $0x4  }
0x8d: {  	v63 =	vshll.u32 v3, $0x3  }
0x8e: {  	v3 =	vand.u32 $0x7, v3;
	v4 =	vand.u32 $0xFFFFFFC0, v63  }
0x8f: {  	v3 =	vor.u32 v3, v4  }
0x90: {  	v4 =	vperm.xlane v3, v0;
	_ =	sdelay $0x1  }
0x91: {  	v4 =	vadd.s32 v1, v4;
	_ =	sdelay $0x4  }
0x92: {  	[tilespmem:s23], [sflag:$0x3] =	stream.indirect_vreg.gather [hbm4b:s1+s29], $0x80, v4, vm0, $0xb8;
	[tilespmem:$0x1A400] =	vst v63  }
0x93: {  	v3 =	vperm.xlane v3, v2  }
0x94: {  	[tilespmem:s11], [sflag:$0x3] =	stream.indirect_vreg.gather [hbm4b:s9+s29], $0x80, v4, vm0, $0xb8;
	[tilespmem:$0x1A400] =	vst v63  }
0x95: {  	v3 =	vadd.s32 v1, v3;
	s11 =	simm.s32 $0xB400  }
0x96: {  	[tilespmem:s11], [sflag:$0x3] =	stream.indirect_vreg.gather [hbm4b:s10+s29], $0x80, v4, vm0, $0xb8;
	[tilespmem:$0x1A400] =	vst v63  }
0x97: {  	s31 =	simm.s32 $0xBC00  }
0x98: {  	[tilespmem:s31], [sflag:$0x3] =	stream.indirect_vreg.gather [hbm4b:s12+s29], $0x80, v4, vm0, $0xb8;
	[tilespmem:$0x1A400] =	vst v63  }
0x99: {  	s3 =	simm.s32 $0xC400  }
0x9a: {  	[tilespmem:s3], [sflag:$0x3] =	stream.indirect_vreg.gather [hbm4b:s1+s29], $0x80, v3, vm0, $0xb8;
	[tilespmem:$0x1A400] =	vst v63  }
0x9b: {  	s8 =	simm.s32 $0xCC00  }
0x9c: {  	[tilespmem:s8], [sflag:$0x3] =	stream.indirect_vreg.gather [hbm4b:s9+s29], $0x80, v3, vm0, $0xb8;
	[tilespmem:$0x1A400] =	vst v63  }
0x9d: {  	s13 =	simm.s32 $0xD400  }
0x9e: {  	[tilespmem:s13], [sflag:$0x3] =	stream.indirect_vreg.gather [hbm4b:s10+s29], $0x80, v3, vm0, $0xb8;
	[tilespmem:$0x1A400] =	vst v63  }
0x9f: {  	s30 =	simm.s32 $0xDC00;
	s31 =	simm.s32 $0x9  }
0xa0: {  	[tilespmem:s30], [sflag:$0x3] =	stream.indirect_vreg.gather [hbm4b:s12+s29], $0x80, v3, vm0, $0xb8;
	[tilespmem:$0x1A400] =	vst v63  }
0xa1: {  	_ =	swait.ge [sflag:s31], $0x4000  }
0xa2: {  	[sflag:s31] =	ssyncset.done $0x0  }
0xa3: {  	[sflag:s31] =	ssyncadd.s32 $0xFFFFC000  }
0xa4: {  	_ =	swait.ge [sflag:s6], $0x4000  }
0xa5: {  	[sflag:s6] =	ssyncset.done $0x0  }
0xa6: {  	[sflag:s6] =	ssyncadd.s32 $0xFFFFC000  }
.LBB2_4:
0xa7: {  	s2 =	sshll.u32 s29, $0x4;
	s3 =	sshll.u32 s29, $0x5  }
0xa8: {  	s30 =	sand.u32 $0x70, s2;
	s3 =	sand.u32 $0x3FFFFF00, s3  }
0xa9: {  	s31 =	sshrl.u32 s29, $0x3;
	v4 =	vld [tilespmem:s2+$0x2000];
	s3 =	sor.u32 s30, s3  }
0xaa: {  	p0 =	por $0x1, $0x1;
	s8 =	simm.s32 $0x0;
	v3 =	vld [tilespmem:s3+$0x1800];
	s3 =	sor.u32 $0x380, s2  }
.LBB2_5:
0xab: {  	s2 =	sshll.u32 s8, $0x4  }
0xac: {  	s2 =	sand.u32 $0x3FFFFFF0, s2  }
0xad: {  	v5 =	vld [tilespmem:s2+$0x800]  }
0xae: {  	v7 =	vld [tilespmem:s2+$0x810]  }
0xaf: {  	v9 =	vld [tilespmem:s2+$0x820]  }
0xb0: {  	v11 =	vld [tilespmem:s2+$0x830]  }
0xb1: {  	v13 =	vld [tilespmem:s2+$0x840]  }
0xb2: {  	s13 =	sor.u32 s31, s8;
	v15 =	vld [tilespmem:s2+$0x850]  }
0xb3: {  	s8 =	sshll.u32 s13, $0xA;
	v17 =	vld [tilespmem:s2+$0x860]  }
0xb4: {  	s13 =	sor.u32 s30, s8;
	v19 =	vld [tilespmem:s2+$0x870]  }
0xb5: {  	v6 =	vld [tilespmem:s13+$0x12400]  }
0xb6: {  	v8 =	vld [tilespmem:s13+$0x12480]  }
0xb7: {  	v10 =	vld [tilespmem:s13+$0x12500]  }
0xb8: {  	v12 =	vld [tilespmem:s13+$0x12580]  }
0xb9: {  	v14 =	vld [tilespmem:s13+$0x12600]  }
0xba: {  	v16 =	vld [tilespmem:s13+$0x12680];
	v5 =	vmul.f32 v5, v4;
	v6 =	vadd.f32 v6, v3  }
0xbb: {  	s8 =	sor.u32 s3, s8;
	v18 =	vld [tilespmem:s13+$0x12700];
	v7 =	vmul.f32 v7, v4;
	v8 =	vadd.f32 v8, v3  }
0xbc: {  	v56 =	vld [tilespmem:s8+$0x12400];
	v9 =	vmul.f32 v9, v4;
	v5 =	vadd.f32 v6, v5;
	v6 =	vadd.f32 v10, v3  }
0xbd: {  	v11 =	vmul.f32 v11, v4;
	v57 =	vadd.f32 v12, v3;
	v7 =	vadd.f32 v8, v7  }
0xbe: {  	v58 =	vmul.f32 v13, v4;
	[tilespmem:s13+$0x2400] =	vst.add.f32.msk $0xffff, v5;
	v5 =	vadd.f32 v6, v9;
	v6 =	vadd.f32 v14, v3  }
0xbf: {  	v60 =	vmul.f32 v15, v4;
	v59 =	vadd.f32 v16, v3;
	[tilespmem:s13+$0x2480] =	vst.add.f32.msk $0xffff, v7;
	v7 =	vadd.f32 v57, v11  }
0xc0: {  	p1 =	por p0, p0;
	v61 =	vmul.f32 v17, v4;
	[tilespmem:s13+$0x2500] =	vst.add.f32.msk $0xffff, v5;
	v5 =	vadd.f32 v6, v58;
	v6 =	vadd.f32 v18, v3  }
.Ltmp1:
0xc1: {  	v63 =	vmul.f32 v19, v4;
	v62 =	vadd.f32 v56, v3;
	[tilespmem:s13+$0x2580] =	vst.add.f32.msk $0xffff, v7;
	v7 =	vadd.f32 v59, v60;
	(pc) =	sbr.rel @p1 .LBB2_5-.Ltmp1, $4  }
0xc2: {  	[tilespmem:s13+$0x2600] =	vst.add.f32.msk $0xffff, v5;
	v5 =	vadd.f32 v6, v61  }
0xc3: {  	[tilespmem:s13+$0x2680] =	vst.add.f32.msk $0xffff, v7;
	v6 =	vadd.f32 v62, v63  }
0xc4: {  	[tilespmem:s13+$0x2700] =	vst.add.f32.msk $0xffff, v5  }
0xc5: {  	p0 =	por $0x0, $0x0;
	[tilespmem:s8+$0x2400] =	vst.add.f32.msk $0xffff, v6;
	s8 =	simm.s32 $0x8  }
0xc6: {  	s29 =	sadd.s32 $0x1, s29  }
0xc7: {  	p0 =	sne.s32 s29, $0x40  }
.Ltmp2:
0xc8: {  	_ = 	snop;
	(pc) =	sbr.rel @p0 .LBB2_4-.Ltmp2, $1  }
0xc9: {  	_ =	sdelay $0x3  }
0xca: {  	s29 =	simm.s32 $0x0;
	s2 =	rddreg [dreg:$0xa]  }
0xcb: {  	[hbm4b:s2+s29] =	stream.linear.scatter [tilespmem:s5], [sflag:$0x5], $0x4000, $0x38;
	[tilespmem:$0x1A400] =	vst v63  }
0xcc: {  	v3 =	vld [tilespmem:$0x180];
	_ =	sdelay $0x4  }
0xcd: {  	v4 =	vshll.u32 v3, $0x3  }
0xce: {  	v3 =	vand.u32 $0x7, v3;
	v4 =	vand.u32 $0xFFFFFFC0, v4  }
0xcf: {  	v3 =	vor.u32 v3, v4  }
0xd0: {  	v4 =	vperm.xlane v3, v0;
	_ =	sdelay $0x1  }
0xd1: {  	v4 =	vadd.s32 v1, v4;
	_ =	sdelay $0x4  }
0xd2: {  	[tilespmem:s7], [sflag:$0x4] =	stream.indirect_vreg.gather [hbm4b:s1+s29], $0x80, v4, vm0, $0xb8;
	[tilespmem:$0x1A400] =	vst v63  }
0xd3: {  	s30 =	simm.s32 $0xEC00;
	v3 =	vperm.xlane v3, v2  }
0xd4: {  	[tilespmem:s30], [sflag:$0x4] =	stream.indirect_vreg.gather [hbm4b:s9+s29], $0x80, v4, vm0, $0xb8;
	[tilespmem:$0x1A400] =	vst v63  }
0xd5: {  	s31 =	simm.s32 $0xF400;
	v3 =	vadd.s32 v1, v3  }
0xd6: {  	[tilespmem:s31], [sflag:$0x4] =	stream.indirect_vreg.gather [hbm4b:s10+s29], $0x80, v4, vm0, $0xb8;
	[tilespmem:$0x1A400] =	vst v63  }
0xd7: {  	s3 =	simm.s32 $0xFC00  }
0xd8: {  	[tilespmem:s3], [sflag:$0x4] =	stream.indirect_vreg.gather [hbm4b:s12+s29], $0x80, v4, vm0, $0xb8;
	[tilespmem:$0x1A400] =	vst v63  }
0xd9: {  	s8 =	simm.s32 $0x10400  }
0xda: {  	[tilespmem:s8], [sflag:$0x4] =	stream.indirect_vreg.gather [hbm4b:s1+s29], $0x80, v3, vm0, $0xb8;
	[tilespmem:$0x1A400] =	vst v63  }
0xdb: {  	s13 =	simm.s32 $0x10C00  }
0xdc: {  	[tilespmem:s13], [sflag:$0x4] =	stream.indirect_vreg.gather [hbm4b:s9+s29], $0x80, v3, vm0, $0xb8;
	[tilespmem:$0x1A400] =	vst v63  }
0xdd: {  	s30 =	simm.s32 $0x11400  }
0xde: {  	[tilespmem:s30], [sflag:$0x4] =	stream.indirect_vreg.gather [hbm4b:s10+s29], $0x80, v3, vm0, $0xb8;
	[tilespmem:$0x1A400] =	vst v63  }
0xdf: {  	s31 =	simm.s32 $0x11C00  }
0xe0: {  	[tilespmem:s31], [sflag:$0x4] =	stream.indirect_vreg.gather [hbm4b:s12+s29], $0x80, v3, vm0, $0xb8;
	[tilespmem:$0x1A400] =	vst v63  }
0xe1: {  	_ =	swait.ge [sflag:s18], $0x4000  }
0xe2: {  	[sflag:s18] =	ssyncset.done $0x0  }
0xe3: {  	[sflag:s18] =	ssyncadd.s32 $0xFFFFC000  }
.LBB2_8:
0xe4: {  	s2 =	sshll.u32 s29, $0x4;
	s3 =	sshll.u32 s29, $0x5  }
0xe5: {  	s30 =	sand.u32 $0x70, s2;
	s3 =	sand.u32 $0x3FFFFF00, s3  }
0xe6: {  	s31 =	sshrl.u32 s29, $0x3;
	v4 =	vld [tilespmem:s2+$0x2000];
	s3 =	sor.u32 s30, s3  }
0xe7: {  	p0 =	por $0x1, $0x1;
	s8 =	simm.s32 $0x0;
	v3 =	vld [tilespmem:s3+$0x1800];
	s3 =	sor.u32 $0x380, s2  }
.LBB2_9:
0xe8: {  	s2 =	sshll.u32 s8, $0x4  }
0xe9: {  	s2 =	sand.u32 $0x3FFFFFF0, s2  }
0xea: {  	v5 =	vld [tilespmem:s2+$0x900]  }
0xeb: {  	v7 =	vld [tilespmem:s2+$0x910]  }
0xec: {  	v9 =	vld [tilespmem:s2+$0x920]  }
0xed: {  	v11 =	vld [tilespmem:s2+$0x930]  }
0xee: {  	v13 =	vld [tilespmem:s2+$0x940]  }
0xef: {  	s13 =	sor.u32 s31, s8;
	v15 =	vld [tilespmem:s2+$0x950]  }
0xf0: {  	s8 =	sshll.u32 s13, $0xA;
	v17 =	vld [tilespmem:s2+$0x960]  }
0xf1: {  	s13 =	sor.u32 s30, s8;
	v19 =	vld [tilespmem:s2+$0x970]  }
0xf2: {  	v6 =	vld [tilespmem:s13+$0x12400]  }
0xf3: {  	v8 =	vld [tilespmem:s13+$0x12480]  }
0xf4: {  	v10 =	vld [tilespmem:s13+$0x12500]  }
0xf5: {  	v12 =	vld [tilespmem:s13+$0x12580]  }
0xf6: {  	v14 =	vld [tilespmem:s13+$0x12600]  }
0xf7: {  	v16 =	vld [tilespmem:s13+$0x12680];
	v5 =	vmul.f32 v5, v4;
	v6 =	vadd.f32 v6, v3  }
0xf8: {  	s8 =	sor.u32 s3, s8;
	v18 =	vld [tilespmem:s13+$0x12700];
	v7 =	vmul.f32 v7, v4;
	v8 =	vadd.f32 v8, v3  }
0xf9: {  	v56 =	vld [tilespmem:s8+$0x12400];
	v9 =	vmul.f32 v9, v4;
	v5 =	vadd.f32 v6, v5;
	v6 =	vadd.f32 v10, v3  }
0xfa: {  	v11 =	vmul.f32 v11, v4;
	v57 =	vadd.f32 v12, v3;
	v7 =	vadd.f32 v8, v7  }
0xfb: {  	v58 =	vmul.f32 v13, v4;
	[tilespmem:s13+$0x6400] =	vst.add.f32.msk $0xffff, v5;
	v5 =	vadd.f32 v6, v9;
	v6 =	vadd.f32 v14, v3  }
0xfc: {  	v60 =	vmul.f32 v15, v4;
	v59 =	vadd.f32 v16, v3;
	[tilespmem:s13+$0x6480] =	vst.add.f32.msk $0xffff, v7;
	v7 =	vadd.f32 v57, v11  }
0xfd: {  	p1 =	por p0, p0;
	v61 =	vmul.f32 v17, v4;
	[tilespmem:s13+$0x6500] =	vst.add.f32.msk $0xffff, v5;
	v5 =	vadd.f32 v6, v58;
	v6 =	vadd.f32 v18, v3  }
.Ltmp3:
0xfe: {  	v63 =	vmul.f32 v19, v4;
	v62 =	vadd.f32 v56, v3;
	[tilespmem:s13+$0x6580] =	vst.add.f32.msk $0xffff, v7;
	v7 =	vadd.f32 v59, v60;
	(pc) =	sbr.rel @p1 .LBB2_9-.Ltmp3, $4  }
0xff: {  	[tilespmem:s13+$0x6600] =	vst.add.f32.msk $0xffff, v5;
	v5 =	vadd.f32 v6, v61  }
0x100: {  	[tilespmem:s13+$0x6680] =	vst.add.f32.msk $0xffff, v7;
	v6 =	vadd.f32 v62, v63  }
0x101: {  	[tilespmem:s13+$0x6700] =	vst.add.f32.msk $0xffff, v5  }
0x102: {  	p0 =	por $0x0, $0x0;
	[tilespmem:s8+$0x6400] =	vst.add.f32.msk $0xffff, v6;
	s8 =	simm.s32 $0x8  }
0x103: {  	s29 =	sadd.s32 $0x1, s29  }
0x104: {  	p0 =	sne.s32 s29, $0x40  }
.Ltmp4:
0x105: {  	_ = 	snop;
	(pc) =	sbr.rel @p0 .LBB2_8-.Ltmp4, $1  }
0x106: {  	_ =	sdelay $0x3  }
0x107: {  	s29 =	simm.s32 $0x0;
	s2 =	rddreg [dreg:$0xb]  }
0x108: {  	[hbm4b:s2+s29] =	stream.linear.scatter [tilespmem:s15], [sflag:$0x6], $0x4000, $0x38;
	[tilespmem:$0x1A400] =	vst v63  }
0x109: {  	_ =	swait.ge [sflag:s19], $0x4000  }
0x10a: {  	[sflag:s19] =	ssyncset.done $0x0  }
0x10b: {  	[sflag:s19] =	ssyncadd.s32 $0xFFFFC000  }
0x10c: {  	v3 =	vld [tilespmem:$0x200];
	_ =	sdelay $0x4  }
0x10d: {  	v4 =	vshll.u32 v3, $0x3  }
0x10e: {  	v3 =	vand.u32 $0x7, v3;
	v4 =	vand.u32 $0xFFFFFFC0, v4  }
0x10f: {  	v3 =	vor.u32 v3, v4  }
0x110: {  	v4 =	vperm.xlane v3, v0;
	_ =	sdelay $0x1  }
0x111: {  	v4 =	vadd.s32 v1, v4;
	_ =	sdelay $0x4  }
0x112: {  	[tilespmem:s5], [sflag:$0x1] =	stream.indirect_vreg.gather [hbm4b:s1+s29], $0x80, v4, vm0, $0xb8;
	[tilespmem:$0x1A400] =	vst v63  }
0x113: {  	v3 =	vperm.xlane v3, v2  }
0x114: {  	[tilespmem:s17], [sflag:$0x1] =	stream.indirect_vreg.gather [hbm4b:s9+s29], $0x80, v4, vm0, $0xb8;
	[tilespmem:$0x1A400] =	vst v63  }
0x115: {  	s31 =	simm.s32 $0x3400;
	v3 =	vadd.s32 v1, v3  }
0x116: {  	[tilespmem:s31], [sflag:$0x1] =	stream.indirect_vreg.gather [hbm4b:s10+s29], $0x80, v4, vm0, $0xb8;
	[tilespmem:$0x1A400] =	vst v63  }
0x117: {  	s3 =	simm.s32 $0x3C00  }
0x118: {  	[tilespmem:s3], [sflag:$0x1] =	stream.indirect_vreg.gather [hbm4b:s12+s29], $0x80, v4, vm0, $0xb8;
	[tilespmem:$0x1A400] =	vst v63  }
0x119: {  	s8 =	simm.s32 $0x4400  }
0x11a: {  	[tilespmem:s8], [sflag:$0x1] =	stream.indirect_vreg.gather [hbm4b:s1+s29], $0x80, v3, vm0, $0xb8;
	[tilespmem:$0x1A400] =	vst v63  }
0x11b: {  	s13 =	simm.s32 $0x4C00  }
0x11c: {  	[tilespmem:s13], [sflag:$0x1] =	stream.indirect_vreg.gather [hbm4b:s9+s29], $0x80, v3, vm0, $0xb8;
	[tilespmem:$0x1A400] =	vst v63  }
0x11d: {  	s30 =	simm.s32 $0x5400  }
0x11e: {  	[tilespmem:s30], [sflag:$0x1] =	stream.indirect_vreg.gather [hbm4b:s10+s29], $0x80, v3, vm0, $0xb8;
	[tilespmem:$0x1A400] =	vst v63  }
0x11f: {  	s31 =	simm.s32 $0x5C00  }
0x120: {  	[tilespmem:s31], [sflag:$0x1] =	stream.indirect_vreg.gather [hbm4b:s12+s29], $0x80, v3, vm0, $0xb8;
	[tilespmem:$0x1A400] =	vst v63  }
0x121: {  	_ =	swait.ge [sflag:s20], $0x4000  }
0x122: {  	[sflag:s20] =	ssyncset.done $0x0  }
0x123: {  	[sflag:s20] =	ssyncadd.s32 $0xFFFFC000  }
.LBB2_12:
0x124: {  	s2 =	sshll.u32 s29, $0x4;
	s3 =	sshll.u32 s29, $0x5  }
0x125: {  	s30 =	sand.u32 $0x70, s2;
	s3 =	sand.u32 $0x3FFFFF00, s3  }
0x126: {  	s31 =	sshrl.u32 s29, $0x3;
	v4 =	vld [tilespmem:s2+$0x2000];
	s3 =	sor.u32 s30, s3  }
0x127: {  	p0 =	por $0x1, $0x1;
	s8 =	simm.s32 $0x0;
	v3 =	vld [tilespmem:s3+$0x1800];
	s3 =	sor.u32 $0x380, s2  }
.LBB2_13:
0x128: {  	s2 =	sshll.u32 s8, $0x4  }
0x129: {  	s2 =	sand.u32 $0x3FFFFFF0, s2  }
0x12a: {  	v5 =	vld [tilespmem:s2+$0xA00]  }
0x12b: {  	v7 =	vld [tilespmem:s2+$0xA10]  }
0x12c: {  	v9 =	vld [tilespmem:s2+$0xA20]  }
0x12d: {  	v11 =	vld [tilespmem:s2+$0xA30]  }
0x12e: {  	v13 =	vld [tilespmem:s2+$0xA40]  }
0x12f: {  	s13 =	sor.u32 s31, s8;
	v15 =	vld [tilespmem:s2+$0xA50]  }
0x130: {  	s8 =	sshll.u32 s13, $0xA;
	v17 =	vld [tilespmem:s2+$0xA60]  }
0x131: {  	s13 =	sor.u32 s30, s8;
	v19 =	vld [tilespmem:s2+$0xA70]  }
0x132: {  	v6 =	vld [tilespmem:s13+$0x12400]  }
0x133: {  	v8 =	vld [tilespmem:s13+$0x12480]  }
0x134: {  	v10 =	vld [tilespmem:s13+$0x12500]  }
0x135: {  	v12 =	vld [tilespmem:s13+$0x12580]  }
0x136: {  	v14 =	vld [tilespmem:s13+$0x12600]  }
0x137: {  	v16 =	vld [tilespmem:s13+$0x12680];
	v5 =	vmul.f32 v5, v4;
	v6 =	vadd.f32 v6, v3  }
0x138: {  	s8 =	sor.u32 s3, s8;
	v18 =	vld [tilespmem:s13+$0x12700];
	v7 =	vmul.f32 v7, v4;
	v8 =	vadd.f32 v8, v3  }
0x139: {  	v56 =	vld [tilespmem:s8+$0x12400];
	v9 =	vmul.f32 v9, v4;
	v5 =	vadd.f32 v6, v5;
	v6 =	vadd.f32 v10, v3  }
0x13a: {  	v11 =	vmul.f32 v11, v4;
	v57 =	vadd.f32 v12, v3;
	v7 =	vadd.f32 v8, v7  }
0x13b: {  	v58 =	vmul.f32 v13, v4;
	[tilespmem:s13+$0xA400] =	vst.add.f32.msk $0xffff, v5;
	v5 =	vadd.f32 v6, v9;
	v6 =	vadd.f32 v14, v3  }
0x13c: {  	v60 =	vmul.f32 v15, v4;
	v59 =	vadd.f32 v16, v3;
	[tilespmem:s13+$0xA480] =	vst.add.f32.msk $0xffff, v7;
	v7 =	vadd.f32 v57, v11  }
0x13d: {  	p1 =	por p0, p0;
	v61 =	vmul.f32 v17, v4;
	[tilespmem:s13+$0xA500] =	vst.add.f32.msk $0xffff, v5;
	v5 =	vadd.f32 v6, v58;
	v6 =	vadd.f32 v18, v3  }
.Ltmp5:
0x13e: {  	v63 =	vmul.f32 v19, v4;
	v62 =	vadd.f32 v56, v3;
	[tilespmem:s13+$0xA580] =	vst.add.f32.msk $0xffff, v7;
	v7 =	vadd.f32 v59, v60;
	(pc) =	sbr.rel @p1 .LBB2_13-.Ltmp5, $4  }
0x13f: {  	[tilespmem:s13+$0xA600] =	vst.add.f32.msk $0xffff, v5;
	v5 =	vadd.f32 v6, v61  }
0x140: {  	[tilespmem:s13+$0xA680] =	vst.add.f32.msk $0xffff, v7;
	v6 =	vadd.f32 v62, v63  }
0x141: {  	[tilespmem:s13+$0xA700] =	vst.add.f32.msk $0xffff, v5  }
0x142: {  	p0 =	por $0x0, $0x0;
	[tilespmem:s8+$0xA400] =	vst.add.f32.msk $0xffff, v6;
	s8 =	simm.s32 $0x8  }
0x143: {  	s29 =	sadd.s32 $0x1, s29  }
0x144: {  	p0 =	sne.s32 s29, $0x40  }
.Ltmp6:
0x145: {  	_ = 	snop;
	(pc) =	sbr.rel @p0 .LBB2_12-.Ltmp6, $1  }
0x146: {  	_ =	sdelay $0x3  }
0x147: {  	s29 =	simm.s32 $0x0;
	s2 =	rddreg [dreg:$0xc]  }
0x148: {  	[hbm4b:s2+s29] =	stream.linear.scatter [tilespmem:s23], [sflag:$0x7], $0x4000, $0x38;
	[tilespmem:$0x1A400] =	vst v63  }
0x149: {  	_ =	swait.ge [sflag:s21], $0x4000  }
0x14a: {  	[sflag:s21] =	ssyncset.done $0x0  }
0x14b: {  	[sflag:s21] =	ssyncadd.s32 $0xFFFFC000  }
0x14c: {  	v3 =	vld [tilespmem:$0x280];
	_ =	sdelay $0x4  }
0x14d: {  	v4 =	vshll.u32 v3, $0x3  }
0x14e: {  	v3 =	vand.u32 $0x7, v3;
	v4 =	vand.u32 $0xFFFFFFC0, v4  }
0x14f: {  	v3 =	vor.u32 v3, v4  }
0x150: {  	v4 =	vperm.xlane v3, v0;
	_ =	sdelay $0x1  }
0x151: {  	v4 =	vadd.s32 v1, v4;
	_ =	sdelay $0x4  }
0x152: {  	[tilespmem:s15], [sflag:$0x2] =	stream.indirect_vreg.gather [hbm4b:s1+s29], $0x80, v4, vm0, $0xb8;
	[tilespmem:$0x1A400] =	vst v63  }
0x153: {  	s30 =	simm.s32 $0x6C00;
	v3 =	vperm.xlane v3, v2  }
0x154: {  	[tilespmem:s30], [sflag:$0x2] =	stream.indirect_vreg.gather [hbm4b:s9+s29], $0x80, v4, vm0, $0xb8;
	[tilespmem:$0x1A400] =	vst v63  }
0x155: {  	s31 =	simm.s32 $0x7400;
	v3 =	vadd.s32 v1, v3  }
0x156: {  	[tilespmem:s31], [sflag:$0x2] =	stream.indirect_vreg.gather [hbm4b:s10+s29], $0x80, v4, vm0, $0xb8;
	[tilespmem:$0x1A400] =	vst v63  }
0x157: {  	s3 =	simm.s32 $0x7C00  }
0x158: {  	[tilespmem:s3], [sflag:$0x2] =	stream.indirect_vreg.gather [hbm4b:s12+s29], $0x80, v4, vm0, $0xb8;
	[tilespmem:$0x1A400] =	vst v63  }
0x159: {  	s8 =	simm.s32 $0x8400  }
0x15a: {  	[tilespmem:s8], [sflag:$0x2] =	stream.indirect_vreg.gather [hbm4b:s1+s29], $0x80, v3, vm0, $0xb8;
	[tilespmem:$0x1A400] =	vst v63  }
0x15b: {  	s13 =	simm.s32 $0x8C00  }
0x15c: {  	[tilespmem:s13], [sflag:$0x2] =	stream.indirect_vreg.gather [hbm4b:s9+s29], $0x80, v3, vm0, $0xb8;
	[tilespmem:$0x1A400] =	vst v63  }
0x15d: {  	s30 =	simm.s32 $0x9400  }
0x15e: {  	[tilespmem:s30], [sflag:$0x2] =	stream.indirect_vreg.gather [hbm4b:s10+s29], $0x80, v3, vm0, $0xb8;
	[tilespmem:$0x1A400] =	vst v63  }
0x15f: {  	s31 =	simm.s32 $0x9C00  }
0x160: {  	[tilespmem:s31], [sflag:$0x2] =	stream.indirect_vreg.gather [hbm4b:s12+s29], $0x80, v3, vm0, $0xb8;
	[tilespmem:$0x1A400] =	vst v63  }
0x161: {  	_ =	swait.ge [sflag:s22], $0x4000  }
0x162: {  	[sflag:s22] =	ssyncset.done $0x0  }
0x163: {  	[sflag:s22] =	ssyncadd.s32 $0xFFFFC000  }
.LBB2_16:
0x164: {  	s2 =	sshll.u32 s29, $0x4;
	s3 =	sshll.u32 s29, $0x5  }
0x165: {  	s30 =	sand.u32 $0x70, s2;
	s3 =	sand.u32 $0x3FFFFF00, s3  }
0x166: {  	s31 =	sshrl.u32 s29, $0x3;
	v4 =	vld [tilespmem:s2+$0x2000];
	s3 =	sor.u32 s30, s3  }
0x167: {  	p0 =	por $0x1, $0x1;
	s8 =	simm.s32 $0x0;
	v3 =	vld [tilespmem:s3+$0x1800];
	s3 =	sor.u32 $0x380, s2  }
.LBB2_17:
0x168: {  	s2 =	sshll.u32 s8, $0x4  }
0x169: {  	s2 =	sand.u32 $0x3FFFFFF0, s2  }
0x16a: {  	v5 =	vld [tilespmem:s2+$0xB00]  }
0x16b: {  	v7 =	vld [tilespmem:s2+$0xB10]  }
0x16c: {  	v9 =	vld [tilespmem:s2+$0xB20]  }
0x16d: {  	v11 =	vld [tilespmem:s2+$0xB30]  }
0x16e: {  	v13 =	vld [tilespmem:s2+$0xB40]  }
0x16f: {  	s13 =	sor.u32 s31, s8;
	v15 =	vld [tilespmem:s2+$0xB50]  }
0x170: {  	s8 =	sshll.u32 s13, $0xA;
	v17 =	vld [tilespmem:s2+$0xB60]  }
0x171: {  	s13 =	sor.u32 s30, s8;
	v19 =	vld [tilespmem:s2+$0xB70]  }
0x172: {  	v6 =	vld [tilespmem:s13+$0x12400]  }
0x173: {  	v8 =	vld [tilespmem:s13+$0x12480]  }
0x174: {  	v10 =	vld [tilespmem:s13+$0x12500]  }
0x175: {  	v12 =	vld [tilespmem:s13+$0x12580]  }
0x176: {  	v14 =	vld [tilespmem:s13+$0x12600]  }
0x177: {  	v16 =	vld [tilespmem:s13+$0x12680];
	v5 =	vmul.f32 v5, v4;
	v6 =	vadd.f32 v6, v3  }
0x178: {  	s8 =	sor.u32 s3, s8;
	v18 =	vld [tilespmem:s13+$0x12700];
	v7 =	vmul.f32 v7, v4;
	v8 =	vadd.f32 v8, v3  }
0x179: {  	v56 =	vld [tilespmem:s8+$0x12400];
	v9 =	vmul.f32 v9, v4;
	v5 =	vadd.f32 v6, v5;
	v6 =	vadd.f32 v10, v3  }
0x17a: {  	v11 =	vmul.f32 v11, v4;
	v57 =	vadd.f32 v12, v3;
	v7 =	vadd.f32 v8, v7  }
0x17b: {  	v58 =	vmul.f32 v13, v4;
	[tilespmem:s13+$0xE400] =	vst.add.f32.msk $0xffff, v5;
	v5 =	vadd.f32 v6, v9;
	v6 =	vadd.f32 v14, v3  }
0x17c: {  	v60 =	vmul.f32 v15, v4;
	v59 =	vadd.f32 v16, v3;
	[tilespmem:s13+$0xE480] =	vst.add.f32.msk $0xffff, v7;
	v7 =	vadd.f32 v57, v11  }
0x17d: {  	p1 =	por p0, p0;
	v61 =	vmul.f32 v17, v4;
	[tilespmem:s13+$0xE500] =	vst.add.f32.msk $0xffff, v5;
	v5 =	vadd.f32 v6, v58;
	v6 =	vadd.f32 v18, v3  }
.Ltmp7:
0x17e: {  	v63 =	vmul.f32 v19, v4;
	v62 =	vadd.f32 v56, v3;
	[tilespmem:s13+$0xE580] =	vst.add.f32.msk $0xffff, v7;
	v7 =	vadd.f32 v59, v60;
	(pc) =	sbr.rel @p1 .LBB2_17-.Ltmp7, $4  }
0x17f: {  	[tilespmem:s13+$0xE600] =	vst.add.f32.msk $0xffff, v5;
	v5 =	vadd.f32 v6, v61  }
0x180: {  	[tilespmem:s13+$0xE680] =	vst.add.f32.msk $0xffff, v7;
	v6 =	vadd.f32 v62, v63  }
0x181: {  	[tilespmem:s13+$0xE700] =	vst.add.f32.msk $0xffff, v5  }
0x182: {  	p0 =	por $0x0, $0x0;
	[tilespmem:s8+$0xE400] =	vst.add.f32.msk $0xffff, v6;
	s8 =	simm.s32 $0x8  }
0x183: {  	s29 =	sadd.s32 $0x1, s29  }
0x184: {  	p0 =	sne.s32 s29, $0x40  }
.Ltmp8:
0x185: {  	_ = 	snop;
	(pc) =	sbr.rel @p0 .LBB2_16-.Ltmp8, $1  }
0x186: {  	_ =	sdelay $0x3  }
0x187: {  	s29 =	simm.s32 $0x0;
	s2 =	rddreg [dreg:$0xd]  }
0x188: {  	[hbm4b:s2+s29] =	stream.linear.scatter [tilespmem:s7], [sflag:$0x8], $0x4000, $0x38;
	[tilespmem:$0x1A400] =	vst v63  }
0x189: {  	s31 =	rddreg [dreg:$0xe]  }
0x18a: {  	[tilespmem:s14], [sflag:$0x9] =	stream.linear.gather [hbm4b:s31+s29], $0x4000, $0x38;
	[tilespmem:$0x1A400] =	vst v63  }
0x18b: {  	_ =	swait.ge [sflag:s24], $0x4000  }
0x18c: {  	[sflag:s24] =	ssyncset.done $0x0  }
0x18d: {  	[sflag:s24] =	ssyncadd.s32 $0xFFFFC000  }
0x18e: {  	v3 =	vld [tilespmem:$0x300];
	_ =	sdelay $0x4  }
0x18f: {  	v4 =	vshll.u32 v3, $0x3  }
0x190: {  	v3 =	vand.u32 $0x7, v3;
	v4 =	vand.u32 $0xFFFFFFC0, v4  }
0x191: {  	v3 =	vor.u32 v3, v4  }
0x192: {  	v4 =	vperm.xlane v3, v0;
	_ =	sdelay $0x1  }
0x193: {  	v4 =	vadd.s32 v1, v4;
	_ =	sdelay $0x4  }
0x194: {  	[tilespmem:s23], [sflag:$0x3] =	stream.indirect_vreg.gather [hbm4b:s1+s29], $0x80, v4, vm0, $0xb8;
	[tilespmem:$0x1A400] =	vst v63  }
0x195: {  	s14 =	simm.s32 $0xAC00;
	v3 =	vperm.xlane v3, v2  }
0x196: {  	[tilespmem:s14], [sflag:$0x3] =	stream.indirect_vreg.gather [hbm4b:s9+s29], $0x80, v4, vm0, $0xb8;
	[tilespmem:$0x1A400] =	vst v63  }
0x197: {  	v3 =	vadd.s32 v1, v3  }
0x198: {  	[tilespmem:s11], [sflag:$0x3] =	stream.indirect_vreg.gather [hbm4b:s10+s29], $0x80, v4, vm0, $0xb8;
	[tilespmem:$0x1A400] =	vst v63  }
0x199: {  	s3 =	simm.s32 $0xBC00  }
0x19a: {  	[tilespmem:s3], [sflag:$0x3] =	stream.indirect_vreg.gather [hbm4b:s12+s29], $0x80, v4, vm0, $0xb8;
	[tilespmem:$0x1A400] =	vst v63  }
0x19b: {  	s8 =	simm.s32 $0xC400  }
0x19c: {  	[tilespmem:s8], [sflag:$0x3] =	stream.indirect_vreg.gather [hbm4b:s1+s29], $0x80, v3, vm0, $0xb8;
	[tilespmem:$0x1A400] =	vst v63  }
0x19d: {  	s13 =	simm.s32 $0xCC00  }
0x19e: {  	[tilespmem:s13], [sflag:$0x3] =	stream.indirect_vreg.gather [hbm4b:s9+s29], $0x80, v3, vm0, $0xb8;
	[tilespmem:$0x1A400] =	vst v63  }
0x19f: {  	s30 =	simm.s32 $0xD400  }
0x1a0: {  	[tilespmem:s30], [sflag:$0x3] =	stream.indirect_vreg.gather [hbm4b:s10+s29], $0x80, v3, vm0, $0xb8;
	[tilespmem:$0x1A400] =	vst v63  }
0x1a1: {  	s31 =	simm.s32 $0xDC00  }
0x1a2: {  	[tilespmem:s31], [sflag:$0x3] =	stream.indirect_vreg.gather [hbm4b:s12+s29], $0x80, v3, vm0, $0xb8;
	[tilespmem:$0x1A400] =	vst v63  }
0x1a3: {  	_ =	swait.ge [sflag:s25], $0x4000  }
0x1a4: {  	[sflag:s25] =	ssyncset.done $0x0  }
0x1a5: {  	[sflag:s25] =	ssyncadd.s32 $0xFFFFC000  }
0x1a6: {  	_ =	swait.ge [sflag:s6], $0x4000  }
0x1a7: {  	[sflag:s6] =	ssyncset.done $0x0  }
0x1a8: {  	[sflag:s6] =	ssyncadd.s32 $0xFFFFC000  }
.LBB2_20:
0x1a9: {  	s2 =	sshll.u32 s29, $0x4;
	s3 =	sshll.u32 s29, $0x5  }
0x1aa: {  	s30 =	sand.u32 $0x70, s2;
	s3 =	sand.u32 $0x3FFFFF00, s3  }
0x1ab: {  	s31 =	sshrl.u32 s29, $0x3;
	v4 =	vld [tilespmem:s2+$0x2000];
	s3 =	sor.u32 s30, s3  }
0x1ac: {  	p0 =	por $0x1, $0x1;
	s8 =	simm.s32 $0x0;
	v3 =	vld [tilespmem:s3+$0x1800];
	s3 =	sor.u32 $0x380, s2  }
.LBB2_21:
0x1ad: {  	s2 =	sshll.u32 s8, $0x4  }
0x1ae: {  	s2 =	sand.u32 $0x3FFFFFF0, s2  }
0x1af: {  	v5 =	vld [tilespmem:s2+$0xC00]  }
0x1b0: {  	v7 =	vld [tilespmem:s2+$0xC10]  }
0x1b1: {  	v9 =	vld [tilespmem:s2+$0xC20]  }
0x1b2: {  	v11 =	vld [tilespmem:s2+$0xC30]  }
0x1b3: {  	v13 =	vld [tilespmem:s2+$0xC40]  }
0x1b4: {  	s13 =	sor.u32 s31, s8;
	v15 =	vld [tilespmem:s2+$0xC50]  }
0x1b5: {  	s8 =	sshll.u32 s13, $0xA;
	v17 =	vld [tilespmem:s2+$0xC60]  }
0x1b6: {  	s13 =	sor.u32 s30, s8;
	v19 =	vld [tilespmem:s2+$0xC70]  }
0x1b7: {  	v6 =	vld [tilespmem:s13+$0x16400]  }
0x1b8: {  	v8 =	vld [tilespmem:s13+$0x16480]  }
0x1b9: {  	v10 =	vld [tilespmem:s13+$0x16500]  }
0x1ba: {  	v12 =	vld [tilespmem:s13+$0x16580]  }
0x1bb: {  	v14 =	vld [tilespmem:s13+$0x16600]  }
0x1bc: {  	v16 =	vld [tilespmem:s13+$0x16680];
	v5 =	vmul.f32 v5, v4;
	v6 =	vadd.f32 v6, v3  }
0x1bd: {  	s8 =	sor.u32 s3, s8;
	v18 =	vld [tilespmem:s13+$0x16700];
	v7 =	vmul.f32 v7, v4;
	v8 =	vadd.f32 v8, v3  }
0x1be: {  	v56 =	vld [tilespmem:s8+$0x16400];
	v9 =	vmul.f32 v9, v4;
	v5 =	vadd.f32 v6, v5;
	v6 =	vadd.f32 v10, v3  }
0x1bf: {  	v11 =	vmul.f32 v11, v4;
	v57 =	vadd.f32 v12, v3;
	v7 =	vadd.f32 v8, v7  }
0x1c0: {  	v58 =	vmul.f32 v13, v4;
	[tilespmem:s13+$0x2400] =	vst.add.f32.msk $0xffff, v5;
	v5 =	vadd.f32 v6, v9;
	v6 =	vadd.f32 v14, v3  }
0x1c1: {  	v60 =	vmul.f32 v15, v4;
	v59 =	vadd.f32 v16, v3;
	[tilespmem:s13+$0x2480] =	vst.add.f32.msk $0xffff, v7;
	v7 =	vadd.f32 v57, v11  }
0x1c2: {  	p1 =	por p0, p0;
	v61 =	vmul.f32 v17, v4;
	[tilespmem:s13+$0x2500] =	vst.add.f32.msk $0xffff, v5;
	v5 =	vadd.f32 v6, v58;
	v6 =	vadd.f32 v18, v3  }
.Ltmp9:
0x1c3: {  	v63 =	vmul.f32 v19, v4;
	v62 =	vadd.f32 v56, v3;
	[tilespmem:s13+$0x2580] =	vst.add.f32.msk $0xffff, v7;
	v7 =	vadd.f32 v59, v60;
	(pc) =	sbr.rel @p1 .LBB2_21-.Ltmp9, $4  }
0x1c4: {  	[tilespmem:s13+$0x2600] =	vst.add.f32.msk $0xffff, v5;
	v5 =	vadd.f32 v6, v61  }
0x1c5: {  	[tilespmem:s13+$0x2680] =	vst.add.f32.msk $0xffff, v7;
	v6 =	vadd.f32 v62, v63  }
0x1c6: {  	[tilespmem:s13+$0x2700] =	vst.add.f32.msk $0xffff, v5  }
0x1c7: {  	p0 =	por $0x0, $0x0;
	[tilespmem:s8+$0x2400] =	vst.add.f32.msk $0xffff, v6;
	s8 =	simm.s32 $0x8  }
0x1c8: {  	s29 =	sadd.s32 $0x1, s29  }
0x1c9: {  	p0 =	sne.s32 s29, $0x40  }
.Ltmp10:
0x1ca: {  	_ = 	snop;
	(pc) =	sbr.rel @p0 .LBB2_20-.Ltmp10, $1  }
0x1cb: {  	_ =	sdelay $0x3  }
0x1cc: {  	s29 =	simm.s32 $0x0;
	s2 =	rddreg [dreg:$0xf]  }
0x1cd: {  	[hbm4b:s2+s29] =	stream.linear.scatter [tilespmem:s5], [sflag:$0x5], $0x4000, $0x38;
	[tilespmem:$0x1A400] =	vst v63  }
0x1ce: {  	_ =	swait.ge [sflag:s26], $0x4000  }
0x1cf: {  	[sflag:s26] =	ssyncset.done $0x0  }
0x1d0: {  	[sflag:s26] =	ssyncadd.s32 $0xFFFFC000  }
0x1d1: {  	v3 =	vld [tilespmem:$0x380];
	_ =	sdelay $0x4  }
0x1d2: {  	v4 =	vshll.u32 v3, $0x3  }
0x1d3: {  	v3 =	vand.u32 $0x7, v3;
	v4 =	vand.u32 $0xFFFFFFC0, v4  }
0x1d4: {  	v3 =	vor.u32 v3, v4  }
0x1d5: {  	v4 =	vperm.xlane v3, v0;
	_ =	sdelay $0x1  }
0x1d6: {  	v4 =	vadd.s32 v1, v4;
	_ =	sdelay $0x4  }
0x1d7: {  	[tilespmem:s7], [sflag:$0x4] =	stream.indirect_vreg.gather [hbm4b:s1+s29], $0x80, v4, vm0, $0xb8;
	[tilespmem:$0x1A400] =	vst v63  }
0x1d8: {  	s30 =	simm.s32 $0xEC00;
	v3 =	vperm.xlane v3, v2  }
0x1d9: {  	[tilespmem:s30], [sflag:$0x4] =	stream.indirect_vreg.gather [hbm4b:s9+s29], $0x80, v4, vm0, $0xb8;
	[tilespmem:$0x1A400] =	vst v63  }
0x1da: {  	s31 =	simm.s32 $0xF400;
	v3 =	vadd.s32 v1, v3  }
0x1db: {  	[tilespmem:s31], [sflag:$0x4] =	stream.indirect_vreg.gather [hbm4b:s10+s29], $0x80, v4, vm0, $0xb8;
	[tilespmem:$0x1A400] =	vst v63  }
0x1dc: {  	s3 =	simm.s32 $0xFC00  }
0x1dd: {  	[tilespmem:s3], [sflag:$0x4] =	stream.indirect_vreg.gather [hbm4b:s12+s29], $0x80, v4, vm0, $0xb8;
	[tilespmem:$0x1A400] =	vst v63  }
0x1de: {  	s8 =	simm.s32 $0x10400  }
0x1df: {  	[tilespmem:s8], [sflag:$0x4] =	stream.indirect_vreg.gather [hbm4b:s1+s29], $0x80, v3, vm0, $0xb8;
	[tilespmem:$0x1A400] =	vst v63  }
0x1e0: {  	s13 =	simm.s32 $0x10C00  }
0x1e1: {  	[tilespmem:s13], [sflag:$0x4] =	stream.indirect_vreg.gather [hbm4b:s9+s29], $0x80, v3, vm0, $0xb8;
	[tilespmem:$0x1A400] =	vst v63  }
0x1e2: {  	s30 =	simm.s32 $0x11400  }
0x1e3: {  	[tilespmem:s30], [sflag:$0x4] =	stream.indirect_vreg.gather [hbm4b:s10+s29], $0x80, v3, vm0, $0xb8;
	[tilespmem:$0x1A400] =	vst v63  }
0x1e4: {  	s31 =	simm.s32 $0x11C00  }
0x1e5: {  	[tilespmem:s31], [sflag:$0x4] =	stream.indirect_vreg.gather [hbm4b:s12+s29], $0x80, v3, vm0, $0xb8;
	[tilespmem:$0x1A400] =	vst v63  }
0x1e6: {  	_ =	swait.ge [sflag:s18], $0x4000  }
0x1e7: {  	[sflag:s18] =	ssyncset.done $0x0  }
0x1e8: {  	[sflag:s18] =	ssyncadd.s32 $0xFFFFC000  }
.LBB2_24:
0x1e9: {  	s2 =	sshll.u32 s29, $0x4;
	s3 =	sshll.u32 s29, $0x5  }
0x1ea: {  	s30 =	sand.u32 $0x70, s2;
	s3 =	sand.u32 $0x3FFFFF00, s3  }
0x1eb: {  	s31 =	sshrl.u32 s29, $0x3;
	v4 =	vld [tilespmem:s2+$0x2000];
	s3 =	sor.u32 s30, s3  }
0x1ec: {  	p0 =	por $0x1, $0x1;
	s8 =	simm.s32 $0x0;
	v3 =	vld [tilespmem:s3+$0x1800];
	s3 =	sor.u32 $0x380, s2  }
.LBB2_25:
0x1ed: {  	s2 =	sshll.u32 s8, $0x4  }
0x1ee: {  	s2 =	sand.u32 $0x3FFFFFF0, s2  }
0x1ef: {  	v5 =	vld [tilespmem:s2+$0xD00]  }
0x1f0: {  	v7 =	vld [tilespmem:s2+$0xD10]  }
0x1f1: {  	v9 =	vld [tilespmem:s2+$0xD20]  }
0x1f2: {  	v11 =	vld [tilespmem:s2+$0xD30]  }
0x1f3: {  	v13 =	vld [tilespmem:s2+$0xD40]  }
0x1f4: {  	s13 =	sor.u32 s31, s8;
	v15 =	vld [tilespmem:s2+$0xD50]  }
0x1f5: {  	s8 =	sshll.u32 s13, $0xA;
	v17 =	vld [tilespmem:s2+$0xD60]  }
0x1f6: {  	s13 =	sor.u32 s30, s8;
	v19 =	vld [tilespmem:s2+$0xD70]  }
0x1f7: {  	v6 =	vld [tilespmem:s13+$0x16400]  }
0x1f8: {  	v8 =	vld [tilespmem:s13+$0x16480]  }
0x1f9: {  	v10 =	vld [tilespmem:s13+$0x16500]  }
0x1fa: {  	v12 =	vld [tilespmem:s13+$0x16580]  }
0x1fb: {  	v14 =	vld [tilespmem:s13+$0x16600]  }
0x1fc: {  	v16 =	vld [tilespmem:s13+$0x16680];
	v5 =	vmul.f32 v5, v4;
	v6 =	vadd.f32 v6, v3  }
0x1fd: {  	s8 =	sor.u32 s3, s8;
	v18 =	vld [tilespmem:s13+$0x16700];
	v7 =	vmul.f32 v7, v4;
	v8 =	vadd.f32 v8, v3  }
0x1fe: {  	v56 =	vld [tilespmem:s8+$0x16400];
	v9 =	vmul.f32 v9, v4;
	v5 =	vadd.f32 v6, v5;
	v6 =	vadd.f32 v10, v3  }
0x1ff: {  	v11 =	vmul.f32 v11, v4;
	v57 =	vadd.f32 v12, v3;
	v7 =	vadd.f32 v8, v7  }
0x200: {  	v58 =	vmul.f32 v13, v4;
	[tilespmem:s13+$0x6400] =	vst.add.f32.msk $0xffff, v5;
	v5 =	vadd.f32 v6, v9;
	v6 =	vadd.f32 v14, v3  }
0x201: {  	v60 =	vmul.f32 v15, v4;
	v59 =	vadd.f32 v16, v3;
	[tilespmem:s13+$0x6480] =	vst.add.f32.msk $0xffff, v7;
	v7 =	vadd.f32 v57, v11  }
0x202: {  	p1 =	por p0, p0;
	v61 =	vmul.f32 v17, v4;
	[tilespmem:s13+$0x6500] =	vst.add.f32.msk $0xffff, v5;
	v5 =	vadd.f32 v6, v58;
	v6 =	vadd.f32 v18, v3  }
.Ltmp11:
0x203: {  	v63 =	vmul.f32 v19, v4;
	v62 =	vadd.f32 v56, v3;
	[tilespmem:s13+$0x6580] =	vst.add.f32.msk $0xffff, v7;
	v7 =	vadd.f32 v59, v60;
	(pc) =	sbr.rel @p1 .LBB2_25-.Ltmp11, $4  }
0x204: {  	[tilespmem:s13+$0x6600] =	vst.add.f32.msk $0xffff, v5;
	v5 =	vadd.f32 v6, v61  }
0x205: {  	[tilespmem:s13+$0x6680] =	vst.add.f32.msk $0xffff, v7;
	v6 =	vadd.f32 v62, v63  }
0x206: {  	[tilespmem:s13+$0x6700] =	vst.add.f32.msk $0xffff, v5  }
0x207: {  	p0 =	por $0x0, $0x0;
	[tilespmem:s8+$0x6400] =	vst.add.f32.msk $0xffff, v6;
	s8 =	simm.s32 $0x8  }
0x208: {  	s29 =	sadd.s32 $0x1, s29  }
0x209: {  	p0 =	sne.s32 s29, $0x40  }
.Ltmp12:
0x20a: {  	_ = 	snop;
	(pc) =	sbr.rel @p0 .LBB2_24-.Ltmp12, $1  }
0x20b: {  	_ =	sdelay $0x3  }
0x20c: {  	s29 =	simm.s32 $0x0;
	s2 =	rddreg [dreg:$0x10]  }
0x20d: {  	[hbm4b:s2+s29] =	stream.linear.scatter [tilespmem:s15], [sflag:$0x6], $0x4000, $0x38;
	[tilespmem:$0x1A400] =	vst v63  }
0x20e: {  	_ =	swait.ge [sflag:s19], $0x4000  }
0x20f: {  	[sflag:s19] =	ssyncset.done $0x0  }
0x210: {  	[sflag:s19] =	ssyncadd.s32 $0xFFFFC000  }
0x211: {  	v3 =	vld [tilespmem:$0x400];
	_ =	sdelay $0x4  }
0x212: {  	v4 =	vshll.u32 v3, $0x3  }
0x213: {  	v3 =	vand.u32 $0x7, v3;
	v4 =	vand.u32 $0xFFFFFFC0, v4  }
0x214: {  	v3 =	vor.u32 v3, v4  }
0x215: {  	v4 =	vperm.xlane v3, v0;
	_ =	sdelay $0x1  }
0x216: {  	v4 =	vadd.s32 v1, v4;
	_ =	sdelay $0x4  }
0x217: {  	[tilespmem:s5], [sflag:$0x1] =	stream.indirect_vreg.gather [hbm4b:s1+s29], $0x80, v4, vm0, $0xb8;
	[tilespmem:$0x1A400] =	vst v63  }
0x218: {  	v3 =	vperm.xlane v3, v2  }
0x219: {  	[tilespmem:s17], [sflag:$0x1] =	stream.indirect_vreg.gather [hbm4b:s9+s29], $0x80, v4, vm0, $0xb8;
	[tilespmem:$0x1A400] =	vst v63  }
0x21a: {  	s31 =	simm.s32 $0x3400;
	v3 =	vadd.s32 v1, v3  }
0x21b: {  	[tilespmem:s31], [sflag:$0x1] =	stream.indirect_vreg.gather [hbm4b:s10+s29], $0x80, v4, vm0, $0xb8;
	[tilespmem:$0x1A400] =	vst v63  }
0x21c: {  	s3 =	simm.s32 $0x3C00  }
0x21d: {  	[tilespmem:s3], [sflag:$0x1] =	stream.indirect_vreg.gather [hbm4b:s12+s29], $0x80, v4, vm0, $0xb8;
	[tilespmem:$0x1A400] =	vst v63  }
0x21e: {  	s8 =	simm.s32 $0x4400  }
0x21f: {  	[tilespmem:s8], [sflag:$0x1] =	stream.indirect_vreg.gather [hbm4b:s1+s29], $0x80, v3, vm0, $0xb8;
	[tilespmem:$0x1A400] =	vst v63  }
0x220: {  	s13 =	simm.s32 $0x4C00  }
0x221: {  	[tilespmem:s13], [sflag:$0x1] =	stream.indirect_vreg.gather [hbm4b:s9+s29], $0x80, v3, vm0, $0xb8;
	[tilespmem:$0x1A400] =	vst v63  }
0x222: {  	s30 =	simm.s32 $0x5400  }
0x223: {  	[tilespmem:s30], [sflag:$0x1] =	stream.indirect_vreg.gather [hbm4b:s10+s29], $0x80, v3, vm0, $0xb8;
	[tilespmem:$0x1A400] =	vst v63  }
0x224: {  	s31 =	simm.s32 $0x5C00  }
0x225: {  	[tilespmem:s31], [sflag:$0x1] =	stream.indirect_vreg.gather [hbm4b:s12+s29], $0x80, v3, vm0, $0xb8;
	[tilespmem:$0x1A400] =	vst v63  }
0x226: {  	_ =	swait.ge [sflag:s20], $0x4000  }
0x227: {  	[sflag:s20] =	ssyncset.done $0x0  }
0x228: {  	[sflag:s20] =	ssyncadd.s32 $0xFFFFC000  }
.LBB2_28:
0x229: {  	s2 =	sshll.u32 s29, $0x4;
	s3 =	sshll.u32 s29, $0x5  }
0x22a: {  	s30 =	sand.u32 $0x70, s2;
	s3 =	sand.u32 $0x3FFFFF00, s3  }
0x22b: {  	s31 =	sshrl.u32 s29, $0x3;
	v4 =	vld [tilespmem:s2+$0x2000];
	s3 =	sor.u32 s30, s3  }
0x22c: {  	p0 =	por $0x1, $0x1;
	s8 =	simm.s32 $0x0;
	v3 =	vld [tilespmem:s3+$0x1800];
	s3 =	sor.u32 $0x380, s2  }
.LBB2_29:
0x22d: {  	s2 =	sshll.u32 s8, $0x4  }
0x22e: {  	s2 =	sand.u32 $0x3FFFFFF0, s2  }
0x22f: {  	v5 =	vld [tilespmem:s2+$0xE00]  }
0x230: {  	v7 =	vld [tilespmem:s2+$0xE10]  }
0x231: {  	v9 =	vld [tilespmem:s2+$0xE20]  }
0x232: {  	v11 =	vld [tilespmem:s2+$0xE30]  }
0x233: {  	v13 =	vld [tilespmem:s2+$0xE40]  }
0x234: {  	s13 =	sor.u32 s31, s8;
	v15 =	vld [tilespmem:s2+$0xE50]  }
0x235: {  	s8 =	sshll.u32 s13, $0xA;
	v17 =	vld [tilespmem:s2+$0xE60]  }
0x236: {  	s13 =	sor.u32 s30, s8;
	v19 =	vld [tilespmem:s2+$0xE70]  }
0x237: {  	v6 =	vld [tilespmem:s13+$0x16400]  }
0x238: {  	v8 =	vld [tilespmem:s13+$0x16480]  }
0x239: {  	v10 =	vld [tilespmem:s13+$0x16500]  }
0x23a: {  	v12 =	vld [tilespmem:s13+$0x16580]  }
0x23b: {  	v14 =	vld [tilespmem:s13+$0x16600]  }
0x23c: {  	v16 =	vld [tilespmem:s13+$0x16680];
	v5 =	vmul.f32 v5, v4;
	v6 =	vadd.f32 v6, v3  }
0x23d: {  	s8 =	sor.u32 s3, s8;
	v18 =	vld [tilespmem:s13+$0x16700];
	v7 =	vmul.f32 v7, v4;
	v8 =	vadd.f32 v8, v3  }
0x23e: {  	v56 =	vld [tilespmem:s8+$0x16400];
	v9 =	vmul.f32 v9, v4;
	v5 =	vadd.f32 v6, v5;
	v6 =	vadd.f32 v10, v3  }
0x23f: {  	v11 =	vmul.f32 v11, v4;
	v57 =	vadd.f32 v12, v3;
	v7 =	vadd.f32 v8, v7  }
0x240: {  	v58 =	vmul.f32 v13, v4;
	[tilespmem:s13+$0xA400] =	vst.add.f32.msk $0xffff, v5;
	v5 =	vadd.f32 v6, v9;
	v6 =	vadd.f32 v14, v3  }
0x241: {  	v60 =	vmul.f32 v15, v4;
	v59 =	vadd.f32 v16, v3;
	[tilespmem:s13+$0xA480] =	vst.add.f32.msk $0xffff, v7;
	v7 =	vadd.f32 v57, v11  }
0x242: {  	p1 =	por p0, p0;
	v61 =	vmul.f32 v17, v4;
	[tilespmem:s13+$0xA500] =	vst.add.f32.msk $0xffff, v5;
	v5 =	vadd.f32 v6, v58;
	v6 =	vadd.f32 v18, v3  }
.Ltmp13:
0x243: {  	v63 =	vmul.f32 v19, v4;
	v62 =	vadd.f32 v56, v3;
	[tilespmem:s13+$0xA580] =	vst.add.f32.msk $0xffff, v7;
	v7 =	vadd.f32 v59, v60;
	(pc) =	sbr.rel @p1 .LBB2_29-.Ltmp13, $4  }
0x244: {  	[tilespmem:s13+$0xA600] =	vst.add.f32.msk $0xffff, v5;
	v5 =	vadd.f32 v6, v61  }
0x245: {  	[tilespmem:s13+$0xA680] =	vst.add.f32.msk $0xffff, v7;
	v6 =	vadd.f32 v62, v63  }
0x246: {  	[tilespmem:s13+$0xA700] =	vst.add.f32.msk $0xffff, v5  }
0x247: {  	p0 =	por $0x0, $0x0;
	[tilespmem:s8+$0xA400] =	vst.add.f32.msk $0xffff, v6;
	s8 =	simm.s32 $0x8  }
0x248: {  	s29 =	sadd.s32 $0x1, s29  }
0x249: {  	p0 =	sne.s32 s29, $0x40  }
.Ltmp14:
0x24a: {  	_ = 	snop;
	(pc) =	sbr.rel @p0 .LBB2_28-.Ltmp14, $1  }
0x24b: {  	_ =	sdelay $0x3  }
0x24c: {  	s29 =	simm.s32 $0x0;
	s2 =	rddreg [dreg:$0x11]  }
0x24d: {  	[hbm4b:s2+s29] =	stream.linear.scatter [tilespmem:s23], [sflag:$0x7], $0x4000, $0x38;
	[tilespmem:$0x1A400] =	vst v63  }
0x24e: {  	_ =	swait.ge [sflag:s21], $0x4000  }
0x24f: {  	[sflag:s21] =	ssyncset.done $0x0  }
0x250: {  	[sflag:s21] =	ssyncadd.s32 $0xFFFFC000  }
0x251: {  	v3 =	vld [tilespmem:$0x480];
	_ =	sdelay $0x4  }
0x252: {  	v4 =	vshll.u32 v3, $0x3  }
0x253: {  	v3 =	vand.u32 $0x7, v3;
	v4 =	vand.u32 $0xFFFFFFC0, v4  }
0x254: {  	v3 =	vor.u32 v3, v4  }
0x255: {  	v4 =	vperm.xlane v3, v0;
	_ =	sdelay $0x1  }
0x256: {  	v4 =	vadd.s32 v1, v4;
	_ =	sdelay $0x4  }
0x257: {  	[tilespmem:s15], [sflag:$0x2] =	stream.indirect_vreg.gather [hbm4b:s1+s29], $0x80, v4, vm0, $0xb8;
	[tilespmem:$0x1A400] =	vst v63  }
0x258: {  	s30 =	simm.s32 $0x6C00;
	v3 =	vperm.xlane v3, v2  }
0x259: {  	[tilespmem:s30], [sflag:$0x2] =	stream.indirect_vreg.gather [hbm4b:s9+s29], $0x80, v4, vm0, $0xb8;
	[tilespmem:$0x1A400] =	vst v63  }
0x25a: {  	s31 =	simm.s32 $0x7400;
	v3 =	vadd.s32 v1, v3  }
0x25b: {  	[tilespmem:s31], [sflag:$0x2] =	stream.indirect_vreg.gather [hbm4b:s10+s29], $0x80, v4, vm0, $0xb8;
	[tilespmem:$0x1A400] =	vst v63  }
0x25c: {  	s3 =	simm.s32 $0x7C00  }
0x25d: {  	[tilespmem:s3], [sflag:$0x2] =	stream.indirect_vreg.gather [hbm4b:s12+s29], $0x80, v4, vm0, $0xb8;
	[tilespmem:$0x1A400] =	vst v63  }
0x25e: {  	s8 =	simm.s32 $0x8400  }
0x25f: {  	[tilespmem:s8], [sflag:$0x2] =	stream.indirect_vreg.gather [hbm4b:s1+s29], $0x80, v3, vm0, $0xb8;
	[tilespmem:$0x1A400] =	vst v63  }
0x260: {  	s13 =	simm.s32 $0x8C00  }
0x261: {  	[tilespmem:s13], [sflag:$0x2] =	stream.indirect_vreg.gather [hbm4b:s9+s29], $0x80, v3, vm0, $0xb8;
	[tilespmem:$0x1A400] =	vst v63  }
0x262: {  	s30 =	simm.s32 $0x9400  }
0x263: {  	[tilespmem:s30], [sflag:$0x2] =	stream.indirect_vreg.gather [hbm4b:s10+s29], $0x80, v3, vm0, $0xb8;
	[tilespmem:$0x1A400] =	vst v63  }
0x264: {  	s31 =	simm.s32 $0x9C00  }
0x265: {  	[tilespmem:s31], [sflag:$0x2] =	stream.indirect_vreg.gather [hbm4b:s12+s29], $0x80, v3, vm0, $0xb8;
	[tilespmem:$0x1A400] =	vst v63  }
0x266: {  	_ =	swait.ge [sflag:s22], $0x4000  }
0x267: {  	[sflag:s22] =	ssyncset.done $0x0  }
0x268: {  	[sflag:s22] =	ssyncadd.s32 $0xFFFFC000  }
.LBB2_32:
0x269: {  	s2 =	sshll.u32 s29, $0x4;
	s3 =	sshll.u32 s29, $0x5  }
0x26a: {  	s30 =	sand.u32 $0x70, s2;
	s3 =	sand.u32 $0x3FFFFF00, s3  }
0x26b: {  	s31 =	sshrl.u32 s29, $0x3;
	v4 =	vld [tilespmem:s2+$0x2000];
	s3 =	sor.u32 s30, s3  }
0x26c: {  	p0 =	por $0x1, $0x1;
	s8 =	simm.s32 $0x0;
	v3 =	vld [tilespmem:s3+$0x1800];
	s3 =	sor.u32 $0x380, s2  }
.LBB2_33:
0x26d: {  	s2 =	sshll.u32 s8, $0x4  }
0x26e: {  	s2 =	sand.u32 $0x3FFFFFF0, s2  }
0x26f: {  	v5 =	vld [tilespmem:s2+$0xF00]  }
0x270: {  	v7 =	vld [tilespmem:s2+$0xF10]  }
0x271: {  	v9 =	vld [tilespmem:s2+$0xF20]  }
0x272: {  	v11 =	vld [tilespmem:s2+$0xF30]  }
0x273: {  	v13 =	vld [tilespmem:s2+$0xF40]  }
0x274: {  	s13 =	sor.u32 s31, s8;
	v15 =	vld [tilespmem:s2+$0xF50]  }
0x275: {  	s8 =	sshll.u32 s13, $0xA;
	v17 =	vld [tilespmem:s2+$0xF60]  }
0x276: {  	s13 =	sor.u32 s30, s8;
	v19 =	vld [tilespmem:s2+$0xF70]  }
0x277: {  	v6 =	vld [tilespmem:s13+$0x16400]  }
0x278: {  	v8 =	vld [tilespmem:s13+$0x16480]  }
0x279: {  	v10 =	vld [tilespmem:s13+$0x16500]  }
0x27a: {  	v12 =	vld [tilespmem:s13+$0x16580]  }
0x27b: {  	v14 =	vld [tilespmem:s13+$0x16600]  }
0x27c: {  	v16 =	vld [tilespmem:s13+$0x16680];
	v5 =	vmul.f32 v5, v4;
	v6 =	vadd.f32 v6, v3  }
0x27d: {  	s8 =	sor.u32 s3, s8;
	v18 =	vld [tilespmem:s13+$0x16700];
	v7 =	vmul.f32 v7, v4;
	v8 =	vadd.f32 v8, v3  }
0x27e: {  	v56 =	vld [tilespmem:s8+$0x16400];
	v9 =	vmul.f32 v9, v4;
	v5 =	vadd.f32 v6, v5;
	v6 =	vadd.f32 v10, v3  }
0x27f: {  	v11 =	vmul.f32 v11, v4;
	v57 =	vadd.f32 v12, v3;
	v7 =	vadd.f32 v8, v7  }
0x280: {  	v58 =	vmul.f32 v13, v4;
	[tilespmem:s13+$0xE400] =	vst.add.f32.msk $0xffff, v5;
	v5 =	vadd.f32 v6, v9;
	v6 =	vadd.f32 v14, v3  }
0x281: {  	v60 =	vmul.f32 v15, v4;
	v59 =	vadd.f32 v16, v3;
	[tilespmem:s13+$0xE480] =	vst.add.f32.msk $0xffff, v7;
	v7 =	vadd.f32 v57, v11  }
0x282: {  	p1 =	por p0, p0;
	v61 =	vmul.f32 v17, v4;
	[tilespmem:s13+$0xE500] =	vst.add.f32.msk $0xffff, v5;
	v5 =	vadd.f32 v6, v58;
	v6 =	vadd.f32 v18, v3  }
.Ltmp15:
0x283: {  	v63 =	vmul.f32 v19, v4;
	v62 =	vadd.f32 v56, v3;
	[tilespmem:s13+$0xE580] =	vst.add.f32.msk $0xffff, v7;
	v7 =	vadd.f32 v59, v60;
	(pc) =	sbr.rel @p1 .LBB2_33-.Ltmp15, $4  }
0x284: {  	[tilespmem:s13+$0xE600] =	vst.add.f32.msk $0xffff, v5;
	v5 =	vadd.f32 v6, v61  }
0x285: {  	[tilespmem:s13+$0xE680] =	vst.add.f32.msk $0xffff, v7;
	v6 =	vadd.f32 v62, v63  }
0x286: {  	[tilespmem:s13+$0xE700] =	vst.add.f32.msk $0xffff, v5  }
0x287: {  	p0 =	por $0x0, $0x0;
	[tilespmem:s8+$0xE400] =	vst.add.f32.msk $0xffff, v6;
	s8 =	simm.s32 $0x8  }
0x288: {  	s29 =	sadd.s32 $0x1, s29  }
0x289: {  	p0 =	sne.s32 s29, $0x40  }
.Ltmp16:
0x28a: {  	_ = 	snop;
	(pc) =	sbr.rel @p0 .LBB2_32-.Ltmp16, $1  }
0x28b: {  	_ =	sdelay $0x3  }
0x28c: {  	s29 =	simm.s32 $0x0;
	s2 =	rddreg [dreg:$0x12]  }
0x28d: {  	[hbm4b:s2+s29] =	stream.linear.scatter [tilespmem:s7], [sflag:$0x8], $0x4000, $0x38;
	[tilespmem:$0x1A400] =	vst v63  }
0x28e: {  	s31 =	rddreg [dreg:$0x13]  }
0x28f: {  	[tilespmem:s16], [sflag:$0xA] =	stream.linear.gather [hbm4b:s31+s29], $0x4000, $0x38;
	[tilespmem:$0x1A400] =	vst v63  }
0x290: {  	_ =	swait.ge [sflag:s24], $0x4000  }
0x291: {  	[sflag:s24] =	ssyncset.done $0x0  }
0x292: {  	[sflag:s24] =	ssyncadd.s32 $0xFFFFC000  }
0x293: {  	v3 =	vld [tilespmem:$0x500];
	_ =	sdelay $0x4  }
0x294: {  	v4 =	vshll.u32 v3, $0x3  }
0x295: {  	v3 =	vand.u32 $0x7, v3;
	v4 =	vand.u32 $0xFFFFFFC0, v4  }
0x296: {  	v3 =	vor.u32 v3, v4  }
0x297: {  	v4 =	vperm.xlane v3, v0;
	_ =	sdelay $0x1  }
0x298: {  	v4 =	vadd.s32 v1, v4;
	_ =	sdelay $0x4  }
0x299: {  	[tilespmem:s23], [sflag:$0x3] =	stream.indirect_vreg.gather [hbm4b:s1+s29], $0x80, v4, vm0, $0xb8;
	[tilespmem:$0x1A400] =	vst v63  }
0x29a: {  	v3 =	vperm.xlane v3, v2  }
0x29b: {  	[tilespmem:s14], [sflag:$0x3] =	stream.indirect_vreg.gather [hbm4b:s9+s29], $0x80, v4, vm0, $0xb8;
	[tilespmem:$0x1A400] =	vst v63  }
0x29c: {  	v3 =	vadd.s32 v1, v3  }
0x29d: {  	[tilespmem:s11], [sflag:$0x3] =	stream.indirect_vreg.gather [hbm4b:s10+s29], $0x80, v4, vm0, $0xb8;
	[tilespmem:$0x1A400] =	vst v63  }
0x29e: {  	s3 =	simm.s32 $0xBC00  }
0x29f: {  	[tilespmem:s3], [sflag:$0x3] =	stream.indirect_vreg.gather [hbm4b:s12+s29], $0x80, v4, vm0, $0xb8;
	[tilespmem:$0x1A400] =	vst v63  }
0x2a0: {  	s8 =	simm.s32 $0xC400  }
0x2a1: {  	[tilespmem:s8], [sflag:$0x3] =	stream.indirect_vreg.gather [hbm4b:s1+s29], $0x80, v3, vm0, $0xb8;
	[tilespmem:$0x1A400] =	vst v63  }
0x2a2: {  	s13 =	simm.s32 $0xCC00  }
0x2a3: {  	[tilespmem:s13], [sflag:$0x3] =	stream.indirect_vreg.gather [hbm4b:s9+s29], $0x80, v3, vm0, $0xb8;
	[tilespmem:$0x1A400] =	vst v63  }
0x2a4: {  	s16 =	simm.s32 $0xD400  }
0x2a5: {  	[tilespmem:s16], [sflag:$0x3] =	stream.indirect_vreg.gather [hbm4b:s10+s29], $0x80, v3, vm0, $0xb8;
	[tilespmem:$0x1A400] =	vst v63  }
0x2a6: {  	s30 =	simm.s32 $0xDC00;
	s31 =	simm.s32 $0x9  }
0x2a7: {  	[tilespmem:s30], [sflag:$0x3] =	stream.indirect_vreg.gather [hbm4b:s12+s29], $0x80, v3, vm0, $0xb8;
	[tilespmem:$0x1A400] =	vst v63  }
0x2a8: {  	_ =	swait.ge [sflag:s31], $0x4000  }
0x2a9: {  	[sflag:s31] =	ssyncset.done $0x0  }
0x2aa: {  	[sflag:s31] =	ssyncadd.s32 $0xFFFFC000  }
0x2ab: {  	_ =	swait.ge [sflag:s6], $0x4000  }
0x2ac: {  	[sflag:s6] =	ssyncset.done $0x0  }
0x2ad: {  	[sflag:s6] =	ssyncadd.s32 $0xFFFFC000  }
.LBB2_36:
0x2ae: {  	s2 =	sshll.u32 s29, $0x4;
	s3 =	sshll.u32 s29, $0x5  }
0x2af: {  	s30 =	sand.u32 $0x70, s2;
	s3 =	sand.u32 $0x3FFFFF00, s3  }
0x2b0: {  	s31 =	sshrl.u32 s29, $0x3;
	v4 =	vld [tilespmem:s2+$0x2000];
	s3 =	sor.u32 s30, s3  }
0x2b1: {  	p0 =	por $0x1, $0x1;
	s8 =	simm.s32 $0x0;
	v3 =	vld [tilespmem:s3+$0x1800];
	s3 =	sor.u32 $0x380, s2  }
.LBB2_37:
0x2b2: {  	s2 =	sshll.u32 s8, $0x4  }
0x2b3: {  	s2 =	sand.u32 $0x3FFFFFF0, s2  }
0x2b4: {  	v5 =	vld [tilespmem:s2+$0x1000]  }
0x2b5: {  	v7 =	vld [tilespmem:s2+$0x1010]  }
0x2b6: {  	v9 =	vld [tilespmem:s2+$0x1020]  }
0x2b7: {  	v11 =	vld [tilespmem:s2+$0x1030]  }
0x2b8: {  	v13 =	vld [tilespmem:s2+$0x1040]  }
0x2b9: {  	s13 =	sor.u32 s31, s8;
	v15 =	vld [tilespmem:s2+$0x1050]  }
0x2ba: {  	s8 =	sshll.u32 s13, $0xA;
	v17 =	vld [tilespmem:s2+$0x1060]  }
0x2bb: {  	s13 =	sor.u32 s30, s8;
	v19 =	vld [tilespmem:s2+$0x1070]  }
0x2bc: {  	v6 =	vld [tilespmem:s13+$0x12400]  }
0x2bd: {  	v8 =	vld [tilespmem:s13+$0x12480]  }
0x2be: {  	v10 =	vld [tilespmem:s13+$0x12500]  }
0x2bf: {  	v12 =	vld [tilespmem:s13+$0x12580]  }
0x2c0: {  	v14 =	vld [tilespmem:s13+$0x12600]  }
0x2c1: {  	v16 =	vld [tilespmem:s13+$0x12680];
	v5 =	vmul.f32 v5, v4;
	v6 =	vadd.f32 v6, v3  }
0x2c2: {  	s16 =	sor.u32 s3, s8;
	v18 =	vld [tilespmem:s13+$0x12700];
	v7 =	vmul.f32 v7, v4;
	v8 =	vadd.f32 v8, v3  }
0x2c3: {  	v56 =	vld [tilespmem:s16+$0x12400];
	v9 =	vmul.f32 v9, v4;
	v5 =	vadd.f32 v6, v5;
	v6 =	vadd.f32 v10, v3  }
0x2c4: {  	v11 =	vmul.f32 v11, v4;
	v57 =	vadd.f32 v12, v3;
	v7 =	vadd.f32 v8, v7  }
0x2c5: {  	v58 =	vmul.f32 v13, v4;
	[tilespmem:s13+$0x2400] =	vst.add.f32.msk $0xffff, v5;
	v5 =	vadd.f32 v6, v9;
	v6 =	vadd.f32 v14, v3  }
0x2c6: {  	v60 =	vmul.f32 v15, v4;
	v59 =	vadd.f32 v16, v3;
	[tilespmem:s13+$0x2480] =	vst.add.f32.msk $0xffff, v7;
	v7 =	vadd.f32 v57, v11  }
0x2c7: {  	p1 =	por p0, p0;
	v61 =	vmul.f32 v17, v4;
	[tilespmem:s13+$0x2500] =	vst.add.f32.msk $0xffff, v5;
	v5 =	vadd.f32 v6, v58;
	v6 =	vadd.f32 v18, v3  }
.Ltmp17:
0x2c8: {  	v63 =	vmul.f32 v19, v4;
	v62 =	vadd.f32 v56, v3;
	[tilespmem:s13+$0x2580] =	vst.add.f32.msk $0xffff, v7;
	v7 =	vadd.f32 v59, v60;
	(pc) =	sbr.rel @p1 .LBB2_37-.Ltmp17, $4  }
0x2c9: {  	[tilespmem:s13+$0x2600] =	vst.add.f32.msk $0xffff, v5;
	v5 =	vadd.f32 v6, v61  }
0x2ca: {  	[tilespmem:s13+$0x2680] =	vst.add.f32.msk $0xffff, v7;
	v6 =	vadd.f32 v62, v63  }
0x2cb: {  	[tilespmem:s13+$0x2700] =	vst.add.f32.msk $0xffff, v5  }
0x2cc: {  	p0 =	por $0x0, $0x0;
	s8 =	simm.s32 $0x8;
	[tilespmem:s16+$0x2400] =	vst.add.f32.msk $0xffff, v6  }
0x2cd: {  	s29 =	sadd.s32 $0x1, s29  }
0x2ce: {  	p0 =	sne.s32 s29, $0x40  }
.Ltmp18:
0x2cf: {  	_ = 	snop;
	(pc) =	sbr.rel @p0 .LBB2_36-.Ltmp18, $1  }
0x2d0: {  	_ =	sdelay $0x3  }
0x2d1: {  	s29 =	simm.s32 $0x0;
	s2 =	rddreg [dreg:$0x14]  }
0x2d2: {  	[hbm4b:s2+s29] =	stream.linear.scatter [tilespmem:s5], [sflag:$0x5], $0x4000, $0x38;
	[tilespmem:$0x1A400] =	vst v63  }
0x2d3: {  	_ =	swait.ge [sflag:s26], $0x4000  }
0x2d4: {  	[sflag:s26] =	ssyncset.done $0x0  }
0x2d5: {  	[sflag:s26] =	ssyncadd.s32 $0xFFFFC000  }
0x2d6: {  	v3 =	vld [tilespmem:$0x580];
	_ =	sdelay $0x4  }
0x2d7: {  	v4 =	vshll.u32 v3, $0x3  }
0x2d8: {  	v3 =	vand.u32 $0x7, v3;
	v4 =	vand.u32 $0xFFFFFFC0, v4  }
0x2d9: {  	v3 =	vor.u32 v3, v4  }
0x2da: {  	v4 =	vperm.xlane v3, v0;
	_ =	sdelay $0x1  }
0x2db: {  	v4 =	vadd.s32 v1, v4;
	_ =	sdelay $0x4  }
0x2dc: {  	[tilespmem:s7], [sflag:$0x4] =	stream.indirect_vreg.gather [hbm4b:s1+s29], $0x80, v4, vm0, $0xb8;
	[tilespmem:$0x1A400] =	vst v63  }
0x2dd: {  	s31 =	simm.s32 $0xEC00;
	v3 =	vperm.xlane v3, v2  }
0x2de: {  	[tilespmem:s31], [sflag:$0x4] =	stream.indirect_vreg.gather [hbm4b:s9+s29], $0x80, v4, vm0, $0xb8;
	[tilespmem:$0x1A400] =	vst v63  }
0x2df: {  	s3 =	simm.s32 $0xF400;
	v3 =	vadd.s32 v1, v3  }
0x2e0: {  	[tilespmem:s3], [sflag:$0x4] =	stream.indirect_vreg.gather [hbm4b:s10+s29], $0x80, v4, vm0, $0xb8;
	[tilespmem:$0x1A400] =	vst v63  }
0x2e1: {  	s8 =	simm.s32 $0xFC00  }
0x2e2: {  	[tilespmem:s8], [sflag:$0x4] =	stream.indirect_vreg.gather [hbm4b:s12+s29], $0x80, v4, vm0, $0xb8;
	[tilespmem:$0x1A400] =	vst v63  }
0x2e3: {  	s13 =	simm.s32 $0x10400  }
0x2e4: {  	[tilespmem:s13], [sflag:$0x4] =	stream.indirect_vreg.gather [hbm4b:s1+s29], $0x80, v3, vm0, $0xb8;
	[tilespmem:$0x1A400] =	vst v63  }
0x2e5: {  	s16 =	simm.s32 $0x10C00  }
0x2e6: {  	[tilespmem:s16], [sflag:$0x4] =	stream.indirect_vreg.gather [hbm4b:s9+s29], $0x80, v3, vm0, $0xb8;
	[tilespmem:$0x1A400] =	vst v63  }
0x2e7: {  	s30 =	simm.s32 $0x11400  }
0x2e8: {  	[tilespmem:s30], [sflag:$0x4] =	stream.indirect_vreg.gather [hbm4b:s10+s29], $0x80, v3, vm0, $0xb8;
	[tilespmem:$0x1A400] =	vst v63  }
0x2e9: {  	s31 =	simm.s32 $0x11C00  }
0x2ea: {  	[tilespmem:s31], [sflag:$0x4] =	stream.indirect_vreg.gather [hbm4b:s12+s29], $0x80, v3, vm0, $0xb8;
	[tilespmem:$0x1A400] =	vst v63  }
0x2eb: {  	_ =	swait.ge [sflag:s18], $0x4000  }
0x2ec: {  	[sflag:s18] =	ssyncset.done $0x0  }
0x2ed: {  	[sflag:s18] =	ssyncadd.s32 $0xFFFFC000  }
.LBB2_40:
0x2ee: {  	s2 =	sshll.u32 s29, $0x4;
	s3 =	sshll.u32 s29, $0x5  }
0x2ef: {  	s30 =	sand.u32 $0x70, s2;
	s3 =	sand.u32 $0x3FFFFF00, s3  }
0x2f0: {  	s31 =	sshrl.u32 s29, $0x3;
	v4 =	vld [tilespmem:s2+$0x2000];
	s3 =	sor.u32 s30, s3  }
0x2f1: {  	p0 =	por $0x1, $0x1;
	s8 =	simm.s32 $0x0;
	v3 =	vld [tilespmem:s3+$0x1800];
	s3 =	sor.u32 $0x380, s2  }
.LBB2_41:
0x2f2: {  	s2 =	sshll.u32 s8, $0x4  }
0x2f3: {  	s2 =	sand.u32 $0x3FFFFFF0, s2  }
0x2f4: {  	v5 =	vld [tilespmem:s2+$0x1100]  }
0x2f5: {  	v7 =	vld [tilespmem:s2+$0x1110]  }
0x2f6: {  	v9 =	vld [tilespmem:s2+$0x1120]  }
0x2f7: {  	v11 =	vld [tilespmem:s2+$0x1130]  }
0x2f8: {  	v13 =	vld [tilespmem:s2+$0x1140]  }
0x2f9: {  	s13 =	sor.u32 s31, s8;
	v15 =	vld [tilespmem:s2+$0x1150]  }
0x2fa: {  	s8 =	sshll.u32 s13, $0xA;
	v17 =	vld [tilespmem:s2+$0x1160]  }
0x2fb: {  	s13 =	sor.u32 s30, s8;
	v19 =	vld [tilespmem:s2+$0x1170]  }
0x2fc: {  	v6 =	vld [tilespmem:s13+$0x12400]  }
0x2fd: {  	v8 =	vld [tilespmem:s13+$0x12480]  }
0x2fe: {  	v10 =	vld [tilespmem:s13+$0x12500]  }
0x2ff: {  	v12 =	vld [tilespmem:s13+$0x12580]  }
0x300: {  	v14 =	vld [tilespmem:s13+$0x12600]  }
0x301: {  	v16 =	vld [tilespmem:s13+$0x12680];
	v5 =	vmul.f32 v5, v4;
	v6 =	vadd.f32 v6, v3  }
0x302: {  	s16 =	sor.u32 s3, s8;
	v18 =	vld [tilespmem:s13+$0x12700];
	v7 =	vmul.f32 v7, v4;
	v8 =	vadd.f32 v8, v3  }
0x303: {  	v56 =	vld [tilespmem:s16+$0x12400];
	v9 =	vmul.f32 v9, v4;
	v5 =	vadd.f32 v6, v5;
	v6 =	vadd.f32 v10, v3  }
0x304: {  	v11 =	vmul.f32 v11, v4;
	v57 =	vadd.f32 v12, v3;
	v7 =	vadd.f32 v8, v7  }
0x305: {  	v58 =	vmul.f32 v13, v4;
	[tilespmem:s13+$0x6400] =	vst.add.f32.msk $0xffff, v5;
	v5 =	vadd.f32 v6, v9;
	v6 =	vadd.f32 v14, v3  }
0x306: {  	v60 =	vmul.f32 v15, v4;
	v59 =	vadd.f32 v16, v3;
	[tilespmem:s13+$0x6480] =	vst.add.f32.msk $0xffff, v7;
	v7 =	vadd.f32 v57, v11  }
0x307: {  	p1 =	por p0, p0;
	v61 =	vmul.f32 v17, v4;
	[tilespmem:s13+$0x6500] =	vst.add.f32.msk $0xffff, v5;
	v5 =	vadd.f32 v6, v58;
	v6 =	vadd.f32 v18, v3  }
.Ltmp19:
0x308: {  	v63 =	vmul.f32 v19, v4;
	v62 =	vadd.f32 v56, v3;
	[tilespmem:s13+$0x6580] =	vst.add.f32.msk $0xffff, v7;
	v7 =	vadd.f32 v59, v60;
	(pc) =	sbr.rel @p1 .LBB2_41-.Ltmp19, $4  }
0x309: {  	[tilespmem:s13+$0x6600] =	vst.add.f32.msk $0xffff, v5;
	v5 =	vadd.f32 v6, v61  }
0x30a: {  	[tilespmem:s13+$0x6680] =	vst.add.f32.msk $0xffff, v7;
	v6 =	vadd.f32 v62, v63  }
0x30b: {  	[tilespmem:s13+$0x6700] =	vst.add.f32.msk $0xffff, v5  }
0x30c: {  	p0 =	por $0x0, $0x0;
	s8 =	simm.s32 $0x8;
	[tilespmem:s16+$0x6400] =	vst.add.f32.msk $0xffff, v6  }
0x30d: {  	s29 =	sadd.s32 $0x1, s29  }
0x30e: {  	p0 =	sne.s32 s29, $0x40  }
.Ltmp20:
0x30f: {  	_ = 	snop;
	(pc) =	sbr.rel @p0 .LBB2_40-.Ltmp20, $1  }
0x310: {  	_ =	sdelay $0x3  }
0x311: {  	s29 =	simm.s32 $0x0;
	s2 =	rddreg [dreg:$0x16]  }
0x312: {  	[hbm4b:s2+s29] =	stream.linear.scatter [tilespmem:s15], [sflag:$0x6], $0x4000, $0x38;
	[tilespmem:$0x1A400] =	vst v63  }
0x313: {  	_ =	swait.ge [sflag:s19], $0x4000  }
0x314: {  	[sflag:s19] =	ssyncset.done $0x0  }
0x315: {  	[sflag:s19] =	ssyncadd.s32 $0xFFFFC000  }
0x316: {  	v3 =	vld [tilespmem:$0x600];
	_ =	sdelay $0x4  }
0x317: {  	v4 =	vshll.u32 v3, $0x3  }
0x318: {  	v3 =	vand.u32 $0x7, v3;
	v4 =	vand.u32 $0xFFFFFFC0, v4  }
0x319: {  	v3 =	vor.u32 v3, v4  }
0x31a: {  	v4 =	vperm.xlane v3, v0;
	_ =	sdelay $0x1  }
0x31b: {  	v4 =	vadd.s32 v1, v4;
	_ =	sdelay $0x4  }
0x31c: {  	[tilespmem:s5], [sflag:$0x1] =	stream.indirect_vreg.gather [hbm4b:s1+s29], $0x80, v4, vm0, $0xb8;
	[tilespmem:$0x1A400] =	vst v63  }
0x31d: {  	v3 =	vperm.xlane v3, v2  }
0x31e: {  	[tilespmem:s17], [sflag:$0x1] =	stream.indirect_vreg.gather [hbm4b:s9+s29], $0x80, v4, vm0, $0xb8;
	[tilespmem:$0x1A400] =	vst v63  }
0x31f: {  	s8 =	simm.s32 $0x3400;
	v3 =	vadd.s32 v1, v3  }
0x320: {  	[tilespmem:s8], [sflag:$0x1] =	stream.indirect_vreg.gather [hbm4b:s10+s29], $0x80, v4, vm0, $0xb8;
	[tilespmem:$0x1A400] =	vst v63  }
0x321: {  	s13 =	simm.s32 $0x3C00  }
0x322: {  	[tilespmem:s13], [sflag:$0x1] =	stream.indirect_vreg.gather [hbm4b:s12+s29], $0x80, v4, vm0, $0xb8;
	[tilespmem:$0x1A400] =	vst v63  }
0x323: {  	s16 =	simm.s32 $0x4400  }
0x324: {  	[tilespmem:s16], [sflag:$0x1] =	stream.indirect_vreg.gather [hbm4b:s1+s29], $0x80, v3, vm0, $0xb8;
	[tilespmem:$0x1A400] =	vst v63  }
0x325: {  	s17 =	simm.s32 $0x4C00  }
0x326: {  	[tilespmem:s17], [sflag:$0x1] =	stream.indirect_vreg.gather [hbm4b:s9+s29], $0x80, v3, vm0, $0xb8;
	[tilespmem:$0x1A400] =	vst v63  }
0x327: {  	s30 =	simm.s32 $0x5400  }
0x328: {  	[tilespmem:s30], [sflag:$0x1] =	stream.indirect_vreg.gather [hbm4b:s10+s29], $0x80, v3, vm0, $0xb8;
	[tilespmem:$0x1A400] =	vst v63  }
0x329: {  	s31 =	simm.s32 $0x5C00  }
0x32a: {  	[tilespmem:s31], [sflag:$0x1] =	stream.indirect_vreg.gather [hbm4b:s12+s29], $0x80, v3, vm0, $0xb8;
	[tilespmem:$0x1A400] =	vst v63  }
0x32b: {  	_ =	swait.ge [sflag:s20], $0x4000  }
0x32c: {  	[sflag:s20] =	ssyncset.done $0x0  }
0x32d: {  	[sflag:s20] =	ssyncadd.s32 $0xFFFFC000  }
.LBB2_44:
0x32e: {  	s2 =	sshll.u32 s29, $0x4;
	s3 =	sshll.u32 s29, $0x5  }
0x32f: {  	s30 =	sand.u32 $0x70, s2;
	s3 =	sand.u32 $0x3FFFFF00, s3  }
0x330: {  	s31 =	sshrl.u32 s29, $0x3;
	v4 =	vld [tilespmem:s2+$0x2000];
	s3 =	sor.u32 s30, s3  }
0x331: {  	p0 =	por $0x1, $0x1;
	s8 =	simm.s32 $0x0;
	v3 =	vld [tilespmem:s3+$0x1800];
	s3 =	sor.u32 $0x380, s2  }
.LBB2_45:
0x332: {  	s2 =	sshll.u32 s8, $0x4  }
0x333: {  	s2 =	sand.u32 $0x3FFFFFF0, s2  }
0x334: {  	v5 =	vld [tilespmem:s2+$0x1200]  }
0x335: {  	v7 =	vld [tilespmem:s2+$0x1210]  }
0x336: {  	v9 =	vld [tilespmem:s2+$0x1220]  }
0x337: {  	v11 =	vld [tilespmem:s2+$0x1230]  }
0x338: {  	v13 =	vld [tilespmem:s2+$0x1240]  }
0x339: {  	s16 =	sor.u32 s31, s8;
	v15 =	vld [tilespmem:s2+$0x1250]  }
0x33a: {  	s8 =	sshll.u32 s16, $0xA;
	v17 =	vld [tilespmem:s2+$0x1260]  }
0x33b: {  	s13 =	sor.u32 s30, s8;
	v19 =	vld [tilespmem:s2+$0x1270]  }
0x33c: {  	v6 =	vld [tilespmem:s13+$0x12400]  }
0x33d: {  	v8 =	vld [tilespmem:s13+$0x12480]  }
0x33e: {  	v10 =	vld [tilespmem:s13+$0x12500]  }
0x33f: {  	v12 =	vld [tilespmem:s13+$0x12580]  }
0x340: {  	v14 =	vld [tilespmem:s13+$0x12600]  }
0x341: {  	v16 =	vld [tilespmem:s13+$0x12680];
	v5 =	vmul.f32 v5, v4;
	v6 =	vadd.f32 v6, v3  }
0x342: {  	s17 =	sor.u32 s3, s8;
	v18 =	vld [tilespmem:s13+$0x12700];
	v7 =	vmul.f32 v7, v4;
	v8 =	vadd.f32 v8, v3  }
0x343: {  	v56 =	vld [tilespmem:s17+$0x12400];
	v9 =	vmul.f32 v9, v4;
	v5 =	vadd.f32 v6, v5;
	v6 =	vadd.f32 v10, v3  }
0x344: {  	v11 =	vmul.f32 v11, v4;
	v57 =	vadd.f32 v12, v3;
	v7 =	vadd.f32 v8, v7  }
0x345: {  	v58 =	vmul.f32 v13, v4;
	[tilespmem:s13+$0xA400] =	vst.add.f32.msk $0xffff, v5;
	v5 =	vadd.f32 v6, v9;
	v6 =	vadd.f32 v14, v3  }
0x346: {  	v60 =	vmul.f32 v15, v4;
	v59 =	vadd.f32 v16, v3;
	[tilespmem:s13+$0xA480] =	vst.add.f32.msk $0xffff, v7;
	v7 =	vadd.f32 v57, v11  }
0x347: {  	p1 =	por p0, p0;
	v61 =	vmul.f32 v17, v4;
	[tilespmem:s13+$0xA500] =	vst.add.f32.msk $0xffff, v5;
	v5 =	vadd.f32 v6, v58;
	v6 =	vadd.f32 v18, v3  }
.Ltmp21:
0x348: {  	v63 =	vmul.f32 v19, v4;
	v62 =	vadd.f32 v56, v3;
	[tilespmem:s13+$0xA580] =	vst.add.f32.msk $0xffff, v7;
	v7 =	vadd.f32 v59, v60;
	(pc) =	sbr.rel @p1 .LBB2_45-.Ltmp21, $4  }
0x349: {  	[tilespmem:s13+$0xA600] =	vst.add.f32.msk $0xffff, v5;
	v5 =	vadd.f32 v6, v61  }
0x34a: {  	[tilespmem:s13+$0xA680] =	vst.add.f32.msk $0xffff, v7;
	v6 =	vadd.f32 v62, v63  }
0x34b: {  	[tilespmem:s13+$0xA700] =	vst.add.f32.msk $0xffff, v5  }
0x34c: {  	p0 =	por $0x0, $0x0;
	s8 =	simm.s32 $0x8;
	[tilespmem:s17+$0xA400] =	vst.add.f32.msk $0xffff, v6  }
0x34d: {  	s29 =	sadd.s32 $0x1, s29  }
0x34e: {  	p0 =	sne.s32 s29, $0x40  }
.Ltmp22:
0x34f: {  	_ = 	snop;
	(pc) =	sbr.rel @p0 .LBB2_44-.Ltmp22, $1  }
0x350: {  	_ =	sdelay $0x3  }
0x351: {  	s29 =	simm.s32 $0x0;
	s2 =	rddreg [dreg:$0x18]  }
0x352: {  	[hbm4b:s2+s29] =	stream.linear.scatter [tilespmem:s23], [sflag:$0x7], $0x4000, $0x38;
	[tilespmem:$0x1A400] =	vst v63  }
0x353: {  	_ =	swait.ge [sflag:s21], $0x4000  }
0x354: {  	[sflag:s21] =	ssyncset.done $0x0  }
0x355: {  	[sflag:s21] =	ssyncadd.s32 $0xFFFFC000  }
0x356: {  	v3 =	vld [tilespmem:$0x680];
	_ =	sdelay $0x4  }
0x357: {  	v4 =	vshll.u32 v3, $0x3  }
0x358: {  	v3 =	vand.u32 $0x7, v3;
	v4 =	vand.u32 $0xFFFFFFC0, v4  }
0x359: {  	v3 =	vor.u32 v3, v4  }
0x35a: {  	v4 =	vperm.xlane v3, v0;
	_ =	sdelay $0x1  }
0x35b: {  	v4 =	vadd.s32 v1, v4;
	_ =	sdelay $0x4  }
0x35c: {  	[tilespmem:s15], [sflag:$0x2] =	stream.indirect_vreg.gather [hbm4b:s1+s29], $0x80, v4, vm0, $0xb8;
	[tilespmem:$0x1A400] =	vst v63  }
0x35d: {  	s3 =	simm.s32 $0x6C00;
	v3 =	vperm.xlane v3, v2  }
0x35e: {  	[tilespmem:s3], [sflag:$0x2] =	stream.indirect_vreg.gather [hbm4b:s9+s29], $0x80, v4, vm0, $0xb8;
	[tilespmem:$0x1A400] =	vst v63  }
0x35f: {  	s8 =	simm.s32 $0x7400;
	v3 =	vadd.s32 v1, v3  }
0x360: {  	[tilespmem:s8], [sflag:$0x2] =	stream.indirect_vreg.gather [hbm4b:s10+s29], $0x80, v4, vm0, $0xb8;
	[tilespmem:$0x1A400] =	vst v63  }
0x361: {  	s13 =	simm.s32 $0x7C00  }
0x362: {  	[tilespmem:s13], [sflag:$0x2] =	stream.indirect_vreg.gather [hbm4b:s12+s29], $0x80, v4, vm0, $0xb8;
	[tilespmem:$0x1A400] =	vst v63  }
0x363: {  	s16 =	simm.s32 $0x8400  }
0x364: {  	[tilespmem:s16], [sflag:$0x2] =	stream.indirect_vreg.gather [hbm4b:s1+s29], $0x80, v3, vm0, $0xb8;
	[tilespmem:$0x1A400] =	vst v63  }
0x365: {  	s17 =	simm.s32 $0x8C00  }
0x366: {  	[tilespmem:s17], [sflag:$0x2] =	stream.indirect_vreg.gather [hbm4b:s9+s29], $0x80, v3, vm0, $0xb8;
	[tilespmem:$0x1A400] =	vst v63  }
0x367: {  	s30 =	simm.s32 $0x9400  }
0x368: {  	[tilespmem:s30], [sflag:$0x2] =	stream.indirect_vreg.gather [hbm4b:s10+s29], $0x80, v3, vm0, $0xb8;
	[tilespmem:$0x1A400] =	vst v63  }
0x369: {  	s31 =	simm.s32 $0x9C00  }
0x36a: {  	[tilespmem:s31], [sflag:$0x2] =	stream.indirect_vreg.gather [hbm4b:s12+s29], $0x80, v3, vm0, $0xb8;
	[tilespmem:$0x1A400] =	vst v63  }
0x36b: {  	_ =	swait.ge [sflag:s22], $0x4000  }
0x36c: {  	[sflag:s22] =	ssyncset.done $0x0  }
0x36d: {  	[sflag:s22] =	ssyncadd.s32 $0xFFFFC000  }
.LBB2_48:
0x36e: {  	s2 =	sshll.u32 s29, $0x4;
	s3 =	sshll.u32 s29, $0x5  }
0x36f: {  	s30 =	sand.u32 $0x70, s2;
	s3 =	sand.u32 $0x3FFFFF00, s3  }
0x370: {  	s31 =	sshrl.u32 s29, $0x3;
	v4 =	vld [tilespmem:s2+$0x2000];
	s3 =	sor.u32 s30, s3  }
0x371: {  	p0 =	por $0x1, $0x1;
	s8 =	simm.s32 $0x0;
	v3 =	vld [tilespmem:s3+$0x1800];
	s3 =	sor.u32 $0x380, s2  }
.LBB2_49:
0x372: {  	s2 =	sshll.u32 s8, $0x4  }
0x373: {  	s2 =	sand.u32 $0x3FFFFFF0, s2  }
0x374: {  	v5 =	vld [tilespmem:s2+$0x1300]  }
0x375: {  	v7 =	vld [tilespmem:s2+$0x1310]  }
0x376: {  	v9 =	vld [tilespmem:s2+$0x1320]  }
0x377: {  	v11 =	vld [tilespmem:s2+$0x1330]  }
0x378: {  	v13 =	vld [tilespmem:s2+$0x1340]  }
0x379: {  	s16 =	sor.u32 s31, s8;
	v15 =	vld [tilespmem:s2+$0x1350]  }
0x37a: {  	s8 =	sshll.u32 s16, $0xA;
	v17 =	vld [tilespmem:s2+$0x1360]  }
0x37b: {  	s13 =	sor.u32 s30, s8;
	v19 =	vld [tilespmem:s2+$0x1370]  }
0x37c: {  	v6 =	vld [tilespmem:s13+$0x12400]  }
0x37d: {  	v8 =	vld [tilespmem:s13+$0x12480]  }
0x37e: {  	v10 =	vld [tilespmem:s13+$0x12500]  }
0x37f: {  	v12 =	vld [tilespmem:s13+$0x12580]  }
0x380: {  	v14 =	vld [tilespmem:s13+$0x12600]  }
0x381: {  	v16 =	vld [tilespmem:s13+$0x12680];
	v5 =	vmul.f32 v5, v4;
	v6 =	vadd.f32 v6, v3  }
0x382: {  	s17 =	sor.u32 s3, s8;
	v18 =	vld [tilespmem:s13+$0x12700];
	v7 =	vmul.f32 v7, v4;
	v8 =	vadd.f32 v8, v3  }
0x383: {  	v56 =	vld [tilespmem:s17+$0x12400];
	v9 =	vmul.f32 v9, v4;
	v5 =	vadd.f32 v6, v5;
	v6 =	vadd.f32 v10, v3  }
0x384: {  	v11 =	vmul.f32 v11, v4;
	v57 =	vadd.f32 v12, v3;
	v7 =	vadd.f32 v8, v7  }
0x385: {  	v58 =	vmul.f32 v13, v4;
	[tilespmem:s13+$0xE400] =	vst.add.f32.msk $0xffff, v5;
	v5 =	vadd.f32 v6, v9;
	v6 =	vadd.f32 v14, v3  }
0x386: {  	v60 =	vmul.f32 v15, v4;
	v59 =	vadd.f32 v16, v3;
	[tilespmem:s13+$0xE480] =	vst.add.f32.msk $0xffff, v7;
	v7 =	vadd.f32 v57, v11  }
0x387: {  	p1 =	por p0, p0;
	v61 =	vmul.f32 v17, v4;
	[tilespmem:s13+$0xE500] =	vst.add.f32.msk $0xffff, v5;
	v5 =	vadd.f32 v6, v58;
	v6 =	vadd.f32 v18, v3  }
.Ltmp23:
0x388: {  	v63 =	vmul.f32 v19, v4;
	v62 =	vadd.f32 v56, v3;
	[tilespmem:s13+$0xE580] =	vst.add.f32.msk $0xffff, v7;
	v7 =	vadd.f32 v59, v60;
	(pc) =	sbr.rel @p1 .LBB2_49-.Ltmp23, $4  }
0x389: {  	[tilespmem:s13+$0xE600] =	vst.add.f32.msk $0xffff, v5;
	v5 =	vadd.f32 v6, v61  }
0x38a: {  	[tilespmem:s13+$0xE680] =	vst.add.f32.msk $0xffff, v7;
	v6 =	vadd.f32 v62, v63  }
0x38b: {  	[tilespmem:s13+$0xE700] =	vst.add.f32.msk $0xffff, v5  }
0x38c: {  	p0 =	por $0x0, $0x0;
	s8 =	simm.s32 $0x8;
	[tilespmem:s17+$0xE400] =	vst.add.f32.msk $0xffff, v6  }
0x38d: {  	s29 =	sadd.s32 $0x1, s29  }
0x38e: {  	p0 =	sne.s32 s29, $0x40  }
.Ltmp24:
0x38f: {  	_ = 	snop;
	(pc) =	sbr.rel @p0 .LBB2_48-.Ltmp24, $1  }
0x390: {  	_ =	sdelay $0x3  }
0x391: {  	s29 =	simm.s32 $0x0;
	s2 =	rddreg [dreg:$0x19]  }
0x392: {  	[hbm4b:s2+s29] =	stream.linear.scatter [tilespmem:s7], [sflag:$0x8], $0x4000, $0x38;
	[tilespmem:$0x1A400] =	vst v63  }
0x393: {  	_ =	swait.ge [sflag:s24], $0x4000  }
0x394: {  	[sflag:s24] =	ssyncset.done $0x0  }
0x395: {  	[sflag:s24] =	ssyncadd.s32 $0xFFFFC000  }
0x396: {  	v3 =	vld [tilespmem:$0x700];
	_ =	sdelay $0x4  }
0x397: {  	v4 =	vshll.u32 v3, $0x3  }
0x398: {  	v3 =	vand.u32 $0x7, v3;
	v4 =	vand.u32 $0xFFFFFFC0, v4  }
0x399: {  	v3 =	vor.u32 v3, v4  }
0x39a: {  	v4 =	vperm.xlane v3, v0;
	_ =	sdelay $0x1  }
0x39b: {  	v4 =	vadd.s32 v1, v4;
	_ =	sdelay $0x4  }
0x39c: {  	[tilespmem:s23], [sflag:$0x3] =	stream.indirect_vreg.gather [hbm4b:s1+s29], $0x80, v4, vm0, $0xb8;
	[tilespmem:$0x1A400] =	vst v63  }
0x39d: {  	v3 =	vperm.xlane v3, v2  }
0x39e: {  	[tilespmem:s14], [sflag:$0x3] =	stream.indirect_vreg.gather [hbm4b:s9+s29], $0x80, v4, vm0, $0xb8;
	[tilespmem:$0x1A400] =	vst v63  }
0x39f: {  	v3 =	vadd.s32 v1, v3  }
0x3a0: {  	[tilespmem:s11], [sflag:$0x3] =	stream.indirect_vreg.gather [hbm4b:s10+s29], $0x80, v4, vm0, $0xb8;
	[tilespmem:$0x1A400] =	vst v63  }
0x3a1: {  	s14 =	simm.s32 $0xBC00  }
0x3a2: {  	[tilespmem:s14], [sflag:$0x3] =	stream.indirect_vreg.gather [hbm4b:s12+s29], $0x80, v4, vm0, $0xb8;
	[tilespmem:$0x1A400] =	vst v63  }
0x3a3: {  	s16 =	simm.s32 $0xC400  }
0x3a4: {  	[tilespmem:s16], [sflag:$0x3] =	stream.indirect_vreg.gather [hbm4b:s1+s29], $0x80, v3, vm0, $0xb8;
	[tilespmem:$0x1A400] =	vst v63  }
0x3a5: {  	s17 =	simm.s32 $0xCC00  }
0x3a6: {  	[tilespmem:s17], [sflag:$0x3] =	stream.indirect_vreg.gather [hbm4b:s9+s29], $0x80, v3, vm0, $0xb8;
	[tilespmem:$0x1A400] =	vst v63  }
0x3a7: {  	s30 =	simm.s32 $0xD400  }
0x3a8: {  	[tilespmem:s30], [sflag:$0x3] =	stream.indirect_vreg.gather [hbm4b:s10+s29], $0x80, v3, vm0, $0xb8;
	[tilespmem:$0x1A400] =	vst v63  }
0x3a9: {  	s31 =	simm.s32 $0xDC00  }
0x3aa: {  	[tilespmem:s31], [sflag:$0x3] =	stream.indirect_vreg.gather [hbm4b:s12+s29], $0x80, v3, vm0, $0xb8;
	[tilespmem:$0x1A400] =	vst v63  }
0x3ab: {  	_ =	swait.ge [sflag:s25], $0x4000  }
0x3ac: {  	[sflag:s25] =	ssyncset.done $0x0  }
0x3ad: {  	[sflag:s25] =	ssyncadd.s32 $0xFFFFC000  }
0x3ae: {  	_ =	swait.ge [sflag:s6], $0x4000  }
0x3af: {  	[sflag:s6] =	ssyncset.done $0x0  }
0x3b0: {  	[sflag:s6] =	ssyncadd.s32 $0xFFFFC000  }
.LBB2_52:
0x3b1: {  	s2 =	sshll.u32 s29, $0x4;
	s3 =	sshll.u32 s29, $0x5  }
0x3b2: {  	s30 =	sand.u32 $0x70, s2;
	s3 =	sand.u32 $0x3FFFFF00, s3  }
0x3b3: {  	s31 =	sshrl.u32 s29, $0x3;
	v4 =	vld [tilespmem:s2+$0x2000];
	s3 =	sor.u32 s30, s3  }
0x3b4: {  	p0 =	por $0x1, $0x1;
	s8 =	simm.s32 $0x0;
	v3 =	vld [tilespmem:s3+$0x1800];
	s3 =	sor.u32 $0x380, s2  }
.LBB2_53:
0x3b5: {  	s2 =	sshll.u32 s8, $0x4  }
0x3b6: {  	s2 =	sand.u32 $0x3FFFFFF0, s2  }
0x3b7: {  	v5 =	vld [tilespmem:s2+$0x1400]  }
0x3b8: {  	v7 =	vld [tilespmem:s2+$0x1410]  }
0x3b9: {  	v9 =	vld [tilespmem:s2+$0x1420]  }
0x3ba: {  	v11 =	vld [tilespmem:s2+$0x1430]  }
0x3bb: {  	v13 =	vld [tilespmem:s2+$0x1440]  }
0x3bc: {  	s16 =	sor.u32 s31, s8;
	v15 =	vld [tilespmem:s2+$0x1450]  }
0x3bd: {  	s8 =	sshll.u32 s16, $0xA;
	v17 =	vld [tilespmem:s2+$0x1460]  }
0x3be: {  	s13 =	sor.u32 s30, s8;
	v19 =	vld [tilespmem:s2+$0x1470]  }
0x3bf: {  	v6 =	vld [tilespmem:s13+$0x16400]  }
0x3c0: {  	v8 =	vld [tilespmem:s13+$0x16480]  }
0x3c1: {  	v10 =	vld [tilespmem:s13+$0x16500]  }
0x3c2: {  	v12 =	vld [tilespmem:s13+$0x16580]  }
0x3c3: {  	v14 =	vld [tilespmem:s13+$0x16600]  }
0x3c4: {  	v16 =	vld [tilespmem:s13+$0x16680];
	v5 =	vmul.f32 v5, v4;
	v6 =	vadd.f32 v6, v3  }
0x3c5: {  	s17 =	sor.u32 s3, s8;
	v18 =	vld [tilespmem:s13+$0x16700];
	v7 =	vmul.f32 v7, v4;
	v8 =	vadd.f32 v8, v3  }
0x3c6: {  	v56 =	vld [tilespmem:s17+$0x16400];
	v9 =	vmul.f32 v9, v4;
	v5 =	vadd.f32 v6, v5;
	v6 =	vadd.f32 v10, v3  }
0x3c7: {  	v11 =	vmul.f32 v11, v4;
	v57 =	vadd.f32 v12, v3;
	v7 =	vadd.f32 v8, v7  }
0x3c8: {  	v58 =	vmul.f32 v13, v4;
	[tilespmem:s13+$0x2400] =	vst.add.f32.msk $0xffff, v5;
	v5 =	vadd.f32 v6, v9;
	v6 =	vadd.f32 v14, v3  }
0x3c9: {  	v60 =	vmul.f32 v15, v4;
	v59 =	vadd.f32 v16, v3;
	[tilespmem:s13+$0x2480] =	vst.add.f32.msk $0xffff, v7;
	v7 =	vadd.f32 v57, v11  }
0x3ca: {  	p1 =	por p0, p0;
	v61 =	vmul.f32 v17, v4;
	[tilespmem:s13+$0x2500] =	vst.add.f32.msk $0xffff, v5;
	v5 =	vadd.f32 v6, v58;
	v6 =	vadd.f32 v18, v3  }
.Ltmp25:
0x3cb: {  	v63 =	vmul.f32 v19, v4;
	v62 =	vadd.f32 v56, v3;
	[tilespmem:s13+$0x2580] =	vst.add.f32.msk $0xffff, v7;
	v7 =	vadd.f32 v59, v60;
	(pc) =	sbr.rel @p1 .LBB2_53-.Ltmp25, $4  }
0x3cc: {  	[tilespmem:s13+$0x2600] =	vst.add.f32.msk $0xffff, v5;
	v5 =	vadd.f32 v6, v61  }
0x3cd: {  	[tilespmem:s13+$0x2680] =	vst.add.f32.msk $0xffff, v7;
	v6 =	vadd.f32 v62, v63  }
0x3ce: {  	[tilespmem:s13+$0x2700] =	vst.add.f32.msk $0xffff, v5  }
0x3cf: {  	p0 =	por $0x0, $0x0;
	s8 =	simm.s32 $0x8;
	[tilespmem:s17+$0x2400] =	vst.add.f32.msk $0xffff, v6  }
0x3d0: {  	s29 =	sadd.s32 $0x1, s29  }
0x3d1: {  	p0 =	sne.s32 s29, $0x40  }
.Ltmp26:
0x3d2: {  	_ = 	snop;
	(pc) =	sbr.rel @p0 .LBB2_52-.Ltmp26, $1  }
0x3d3: {  	_ =	sdelay $0x3  }
0x3d4: {  	s29 =	simm.s32 $0x0;
	s2 =	rddreg [dreg:$0x15]  }
0x3d5: {  	[hbm4b:s2+s29] =	stream.linear.scatter [tilespmem:s5], [sflag:$0x5], $0x4000, $0x38;
	[tilespmem:$0x1A400] =	vst v63  }
0x3d6: {  	_ =	swait.ge [sflag:s26], $0x4000  }
0x3d7: {  	[sflag:s26] =	ssyncset.done $0x0  }
0x3d8: {  	[sflag:s26] =	ssyncadd.s32 $0xFFFFC000  }
0x3d9: {  	v3 =	vld [tilespmem:$0x780];
	_ =	sdelay $0x4  }
0x3da: {  	v4 =	vshll.u32 v3, $0x3  }
0x3db: {  	v3 =	vand.u32 $0x7, v3;
	v4 =	vand.u32 $0xFFFFFFC0, v4  }
0x3dc: {  	v3 =	vor.u32 v3, v4  }
0x3dd: {  	v4 =	vperm.xlane v3, v0;
	_ =	sdelay $0x1  }
0x3de: {  	v4 =	vadd.s32 v1, v4;
	_ =	sdelay $0x4  }
0x3df: {  	[tilespmem:s7], [sflag:$0x4] =	stream.indirect_vreg.gather [hbm4b:s1+s29], $0x80, v4, vm0, $0xb8;
	[tilespmem:$0x1A400] =	vst v63  }
0x3e0: {  	s11 =	simm.s32 $0xEC00;
	v3 =	vperm.xlane v3, v2  }
0x3e1: {  	[tilespmem:s11], [sflag:$0x4] =	stream.indirect_vreg.gather [hbm4b:s9+s29], $0x80, v4, vm0, $0xb8;
	[tilespmem:$0x1A400] =	vst v63  }
0x3e2: {  	s13 =	simm.s32 $0xF400;
	v3 =	vadd.s32 v1, v3  }
0x3e3: {  	[tilespmem:s13], [sflag:$0x4] =	stream.indirect_vreg.gather [hbm4b:s10+s29], $0x80, v4, vm0, $0xb8;
	[tilespmem:$0x1A400] =	vst v63  }
0x3e4: {  	s14 =	simm.s32 $0xFC00  }
0x3e5: {  	[tilespmem:s14], [sflag:$0x4] =	stream.indirect_vreg.gather [hbm4b:s12+s29], $0x80, v4, vm0, $0xb8;
	[tilespmem:$0x1A400] =	vst v63  }
0x3e6: {  	s16 =	simm.s32 $0x10400  }
0x3e7: {  	[tilespmem:s16], [sflag:$0x4] =	stream.indirect_vreg.gather [hbm4b:s1+s29], $0x80, v3, vm0, $0xb8;
	[tilespmem:$0x1A400] =	vst v63  }
0x3e8: {  	s17 =	simm.s32 $0x10C00  }
0x3e9: {  	[tilespmem:s17], [sflag:$0x4] =	stream.indirect_vreg.gather [hbm4b:s9+s29], $0x80, v3, vm0, $0xb8;
	[tilespmem:$0x1A400] =	vst v63  }
0x3ea: {  	s30 =	simm.s32 $0x11400  }
0x3eb: {  	[tilespmem:s30], [sflag:$0x4] =	stream.indirect_vreg.gather [hbm4b:s10+s29], $0x80, v3, vm0, $0xb8;
	[tilespmem:$0x1A400] =	vst v63  }
0x3ec: {  	s31 =	simm.s32 $0x11C00  }
0x3ed: {  	[tilespmem:s31], [sflag:$0x4] =	stream.indirect_vreg.gather [hbm4b:s12+s29], $0x80, v3, vm0, $0xb8;
	[tilespmem:$0x1A400] =	vst v63  }
0x3ee: {  	_ =	swait.ge [sflag:s18], $0x4000  }
0x3ef: {  	[sflag:s18] =	ssyncset.done $0x0  }
0x3f0: {  	[sflag:s18] =	ssyncadd.s32 $0xFFFFC000  }
.LBB2_56:
0x3f1: {  	s2 =	sshll.u32 s29, $0x4;
	s3 =	sshll.u32 s29, $0x5  }
0x3f2: {  	s30 =	sand.u32 $0x70, s2;
	s3 =	sand.u32 $0x3FFFFF00, s3  }
0x3f3: {  	s31 =	sshrl.u32 s29, $0x3;
	v4 =	vld [tilespmem:s2+$0x2000];
	s3 =	sor.u32 s30, s3  }
0x3f4: {  	p0 =	por $0x1, $0x1;
	s8 =	simm.s32 $0x0;
	v3 =	vld [tilespmem:s3+$0x1800];
	s3 =	sor.u32 $0x380, s2  }
.LBB2_57:
0x3f5: {  	s2 =	sshll.u32 s8, $0x4  }
0x3f6: {  	s2 =	sand.u32 $0x3FFFFFF0, s2  }
0x3f7: {  	v5 =	vld [tilespmem:s2+$0x1500]  }
0x3f8: {  	v7 =	vld [tilespmem:s2+$0x1510]  }
0x3f9: {  	v9 =	vld [tilespmem:s2+$0x1520]  }
0x3fa: {  	v11 =	vld [tilespmem:s2+$0x1530]  }
0x3fb: {  	v13 =	vld [tilespmem:s2+$0x1540]  }
0x3fc: {  	s16 =	sor.u32 s31, s8;
	v15 =	vld [tilespmem:s2+$0x1550]  }
0x3fd: {  	s8 =	sshll.u32 s16, $0xA;
	v17 =	vld [tilespmem:s2+$0x1560]  }
0x3fe: {  	s13 =	sor.u32 s30, s8;
	v19 =	vld [tilespmem:s2+$0x1570]  }
0x3ff: {  	v6 =	vld [tilespmem:s13+$0x16400]  }
0x400: {  	v8 =	vld [tilespmem:s13+$0x16480]  }
0x401: {  	v10 =	vld [tilespmem:s13+$0x16500]  }
0x402: {  	v12 =	vld [tilespmem:s13+$0x16580]  }
0x403: {  	v14 =	vld [tilespmem:s13+$0x16600]  }
0x404: {  	v16 =	vld [tilespmem:s13+$0x16680];
	v5 =	vmul.f32 v5, v4;
	v6 =	vadd.f32 v6, v3  }
0x405: {  	s17 =	sor.u32 s3, s8;
	v18 =	vld [tilespmem:s13+$0x16700];
	v7 =	vmul.f32 v7, v4;
	v8 =	vadd.f32 v8, v3  }
0x406: {  	v56 =	vld [tilespmem:s17+$0x16400];
	v9 =	vmul.f32 v9, v4;
	v5 =	vadd.f32 v6, v5;
	v6 =	vadd.f32 v10, v3  }
0x407: {  	v11 =	vmul.f32 v11, v4;
	v57 =	vadd.f32 v12, v3;
	v7 =	vadd.f32 v8, v7  }
0x408: {  	v58 =	vmul.f32 v13, v4;
	[tilespmem:s13+$0x6400] =	vst.add.f32.msk $0xffff, v5;
	v5 =	vadd.f32 v6, v9;
	v6 =	vadd.f32 v14, v3  }
0x409: {  	v60 =	vmul.f32 v15, v4;
	v59 =	vadd.f32 v16, v3;
	[tilespmem:s13+$0x6480] =	vst.add.f32.msk $0xffff, v7;
	v7 =	vadd.f32 v57, v11  }
0x40a: {  	p1 =	por p0, p0;
	v61 =	vmul.f32 v17, v4;
	[tilespmem:s13+$0x6500] =	vst.add.f32.msk $0xffff, v5;
	v5 =	vadd.f32 v6, v58;
	v6 =	vadd.f32 v18, v3  }
.Ltmp27:
0x40b: {  	v63 =	vmul.f32 v19, v4;
	v62 =	vadd.f32 v56, v3;
	[tilespmem:s13+$0x6580] =	vst.add.f32.msk $0xffff, v7;
	v7 =	vadd.f32 v59, v60;
	(pc) =	sbr.rel @p1 .LBB2_57-.Ltmp27, $4  }
0x40c: {  	[tilespmem:s13+$0x6600] =	vst.add.f32.msk $0xffff, v5;
	v5 =	vadd.f32 v6, v61  }
0x40d: {  	[tilespmem:s13+$0x6680] =	vst.add.f32.msk $0xffff, v7;
	v6 =	vadd.f32 v62, v63  }
0x40e: {  	[tilespmem:s13+$0x6700] =	vst.add.f32.msk $0xffff, v5  }
0x40f: {  	p0 =	por $0x0, $0x0;
	s8 =	simm.s32 $0x8;
	[tilespmem:s17+$0x6400] =	vst.add.f32.msk $0xffff, v6  }
0x410: {  	s29 =	sadd.s32 $0x1, s29  }
0x411: {  	p0 =	sne.s32 s29, $0x40  }
.Ltmp28:
0x412: {  	_ = 	snop;
	(pc) =	sbr.rel @p0 .LBB2_56-.Ltmp28, $1  }
0x413: {  	_ =	sdelay $0x3  }
0x414: {  	s29 =	simm.s32 $0x0;
	s2 =	rddreg [dreg:$0x1a]  }
0x415: {  	[hbm4b:s2+s29] =	stream.linear.scatter [tilespmem:s15], [sflag:$0x6], $0x4000, $0x38;
	[tilespmem:$0x1A400] =	vst v63  }
0x416: {  	_ =	swait.ge [sflag:s20], $0x4000  }
0x417: {  	[sflag:s20] =	ssyncset.done $0x0  }
0x418: {  	[sflag:s20] =	ssyncadd.s32 $0xFFFFC000  }
.LBB2_60:
0x419: {  	s2 =	sshll.u32 s29, $0x4;
	s3 =	sshll.u32 s29, $0x5  }
0x41a: {  	s30 =	sand.u32 $0x70, s2;
	s3 =	sand.u32 $0x3FFFFF00, s3  }
0x41b: {  	s31 =	sshrl.u32 s29, $0x3;
	v4 =	vld [tilespmem:s2+$0x2000];
	s3 =	sor.u32 s30, s3  }
0x41c: {  	p0 =	por $0x1, $0x1;
	s8 =	simm.s32 $0x0;
	v3 =	vld [tilespmem:s3+$0x1800];
	s3 =	sor.u32 $0x380, s2  }
.LBB2_61:
0x41d: {  	s2 =	sshll.u32 s8, $0x4  }
0x41e: {  	s2 =	sand.u32 $0x3FFFFFF0, s2  }
0x41f: {  	v5 =	vld [tilespmem:s2+$0x1600]  }
0x420: {  	v7 =	vld [tilespmem:s2+$0x1610]  }
0x421: {  	v9 =	vld [tilespmem:s2+$0x1620]  }
0x422: {  	v11 =	vld [tilespmem:s2+$0x1630]  }
0x423: {  	v13 =	vld [tilespmem:s2+$0x1640]  }
0x424: {  	s16 =	sor.u32 s31, s8;
	v15 =	vld [tilespmem:s2+$0x1650]  }
0x425: {  	s8 =	sshll.u32 s16, $0xA;
	v17 =	vld [tilespmem:s2+$0x1660]  }
0x426: {  	s13 =	sor.u32 s30, s8;
	v19 =	vld [tilespmem:s2+$0x1670]  }
0x427: {  	v6 =	vld [tilespmem:s13+$0x16400]  }
0x428: {  	v8 =	vld [tilespmem:s13+$0x16480]  }
0x429: {  	v10 =	vld [tilespmem:s13+$0x16500]  }
0x42a: {  	v12 =	vld [tilespmem:s13+$0x16580]  }
0x42b: {  	v14 =	vld [tilespmem:s13+$0x16600]  }
0x42c: {  	v16 =	vld [tilespmem:s13+$0x16680];
	v5 =	vmul.f32 v5, v4;
	v6 =	vadd.f32 v6, v3  }
0x42d: {  	s17 =	sor.u32 s3, s8;
	v18 =	vld [tilespmem:s13+$0x16700];
	v7 =	vmul.f32 v7, v4;
	v8 =	vadd.f32 v8, v3  }
0x42e: {  	v56 =	vld [tilespmem:s17+$0x16400];
	v9 =	vmul.f32 v9, v4;
	v5 =	vadd.f32 v6, v5;
	v6 =	vadd.f32 v10, v3  }
0x42f: {  	v11 =	vmul.f32 v11, v4;
	v57 =	vadd.f32 v12, v3;
	v7 =	vadd.f32 v8, v7  }
0x430: {  	v58 =	vmul.f32 v13, v4;
	[tilespmem:s13+$0xA400] =	vst.add.f32.msk $0xffff, v5;
	v5 =	vadd.f32 v6, v9;
	v6 =	vadd.f32 v14, v3  }
0x431: {  	v60 =	vmul.f32 v15, v4;
	v59 =	vadd.f32 v16, v3;
	[tilespmem:s13+$0xA480] =	vst.add.f32.msk $0xffff, v7;
	v7 =	vadd.f32 v57, v11  }
0x432: {  	p1 =	por p0, p0;
	v61 =	vmul.f32 v17, v4;
	[tilespmem:s13+$0xA500] =	vst.add.f32.msk $0xffff, v5;
	v5 =	vadd.f32 v6, v58;
	v6 =	vadd.f32 v18, v3  }
.Ltmp29:
0x433: {  	v63 =	vmul.f32 v19, v4;
	v62 =	vadd.f32 v56, v3;
	[tilespmem:s13+$0xA580] =	vst.add.f32.msk $0xffff, v7;
	v7 =	vadd.f32 v59, v60;
	(pc) =	sbr.rel @p1 .LBB2_61-.Ltmp29, $4  }
0x434: {  	[tilespmem:s13+$0xA600] =	vst.add.f32.msk $0xffff, v5;
	v5 =	vadd.f32 v6, v61  }
0x435: {  	[tilespmem:s13+$0xA680] =	vst.add.f32.msk $0xffff, v7;
	v6 =	vadd.f32 v62, v63  }
0x436: {  	[tilespmem:s13+$0xA700] =	vst.add.f32.msk $0xffff, v5  }
0x437: {  	p0 =	por $0x0, $0x0;
	s8 =	simm.s32 $0x8;
	[tilespmem:s17+$0xA400] =	vst.add.f32.msk $0xffff, v6  }
0x438: {  	s29 =	sadd.s32 $0x1, s29  }
0x439: {  	p0 =	sne.s32 s29, $0x40  }
.Ltmp30:
0x43a: {  	_ = 	snop;
	(pc) =	sbr.rel @p0 .LBB2_60-.Ltmp30, $1  }
0x43b: {  	_ =	sdelay $0x3  }
0x43c: {  	s29 =	simm.s32 $0x0;
	s2 =	rddreg [dreg:$0x1b]  }
0x43d: {  	[hbm4b:s2+s29] =	stream.linear.scatter [tilespmem:s23], [sflag:$0x7], $0x4000, $0x38;
	[tilespmem:$0x1A400] =	vst v63  }
0x43e: {  	_ =	swait.ge [sflag:s22], $0x4000  }
0x43f: {  	[sflag:s22] =	ssyncset.done $0x0  }
0x440: {  	[sflag:s22] =	ssyncadd.s32 $0xFFFFC000  }
.LBB2_64:
0x441: {  	s2 =	sshll.u32 s29, $0x4;
	s3 =	sshll.u32 s29, $0x5  }
0x442: {  	s30 =	sand.u32 $0x70, s2;
	s3 =	sand.u32 $0x3FFFFF00, s3  }
0x443: {  	s31 =	sshrl.u32 s29, $0x3;
	v4 =	vld [tilespmem:s2+$0x2000];
	s3 =	sor.u32 s30, s3  }
0x444: {  	p0 =	por $0x1, $0x1;
	s8 =	simm.s32 $0x0;
	v3 =	vld [tilespmem:s3+$0x1800];
	s3 =	sor.u32 $0x380, s2  }
.LBB2_65:
0x445: {  	s2 =	sshll.u32 s8, $0x4  }
0x446: {  	s2 =	sand.u32 $0x3FFFFFF0, s2  }
0x447: {  	v5 =	vld [tilespmem:s2+$0x1700]  }
0x448: {  	v7 =	vld [tilespmem:s2+$0x1710]  }
0x449: {  	v9 =	vld [tilespmem:s2+$0x1720]  }
0x44a: {  	v11 =	vld [tilespmem:s2+$0x1730]  }
0x44b: {  	v13 =	vld [tilespmem:s2+$0x1740]  }
0x44c: {  	s16 =	sor.u32 s31, s8;
	v15 =	vld [tilespmem:s2+$0x1750]  }
0x44d: {  	s8 =	sshll.u32 s16, $0xA;
	v17 =	vld [tilespmem:s2+$0x1760]  }
0x44e: {  	s13 =	sor.u32 s30, s8;
	v19 =	vld [tilespmem:s2+$0x1770]  }
0x44f: {  	v6 =	vld [tilespmem:s13+$0x16400]  }
0x450: {  	v8 =	vld [tilespmem:s13+$0x16480]  }
0x451: {  	v10 =	vld [tilespmem:s13+$0x16500]  }
0x452: {  	v12 =	vld [tilespmem:s13+$0x16580]  }
0x453: {  	v14 =	vld [tilespmem:s13+$0x16600]  }
0x454: {  	v16 =	vld [tilespmem:s13+$0x16680];
	v5 =	vmul.f32 v5, v4;
	v6 =	vadd.f32 v6, v3  }
0x455: {  	s17 =	sor.u32 s3, s8;
	v18 =	vld [tilespmem:s13+$0x16700];
	v7 =	vmul.f32 v7, v4;
	v8 =	vadd.f32 v8, v3  }
0x456: {  	v56 =	vld [tilespmem:s17+$0x16400];
	v9 =	vmul.f32 v9, v4;
	v5 =	vadd.f32 v6, v5;
	v6 =	vadd.f32 v10, v3  }
0x457: {  	v11 =	vmul.f32 v11, v4;
	v57 =	vadd.f32 v12, v3;
	v7 =	vadd.f32 v8, v7  }
0x458: {  	v58 =	vmul.f32 v13, v4;
	[tilespmem:s13+$0xE400] =	vst.add.f32.msk $0xffff, v5;
	v5 =	vadd.f32 v6, v9;
	v6 =	vadd.f32 v14, v3  }
0x459: {  	v60 =	vmul.f32 v15, v4;
	v59 =	vadd.f32 v16, v3;
	[tilespmem:s13+$0xE480] =	vst.add.f32.msk $0xffff, v7;
	v7 =	vadd.f32 v57, v11  }
0x45a: {  	p1 =	por p0, p0;
	v61 =	vmul.f32 v17, v4;
	[tilespmem:s13+$0xE500] =	vst.add.f32.msk $0xffff, v5;
	v5 =	vadd.f32 v6, v58;
	v6 =	vadd.f32 v18, v3  }
.Ltmp31:
0x45b: {  	v63 =	vmul.f32 v19, v4;
	v62 =	vadd.f32 v56, v3;
	[tilespmem:s13+$0xE580] =	vst.add.f32.msk $0xffff, v7;
	v7 =	vadd.f32 v59, v60;
	(pc) =	sbr.rel @p1 .LBB2_65-.Ltmp31, $4  }
0x45c: {  	[tilespmem:s13+$0xE600] =	vst.add.f32.msk $0xffff, v5;
	v5 =	vadd.f32 v6, v61  }
0x45d: {  	[tilespmem:s13+$0xE680] =	vst.add.f32.msk $0xffff, v7;
	v6 =	vadd.f32 v62, v63  }
0x45e: {  	[tilespmem:s13+$0xE700] =	vst.add.f32.msk $0xffff, v5  }
0x45f: {  	p0 =	por $0x0, $0x0;
	s8 =	simm.s32 $0x8;
	[tilespmem:s17+$0xE400] =	vst.add.f32.msk $0xffff, v6  }
0x460: {  	s29 =	sadd.s32 $0x1, s29  }
0x461: {  	p0 =	sne.s32 s29, $0x40  }
.Ltmp32:
0x462: {  	_ = 	snop;
	(pc) =	sbr.rel @p0 .LBB2_64-.Ltmp32, $1  }
0x463: {  	_ =	sdelay $0x3  }
0x464: {  	s2 =	rddreg [dreg:$0x1c]  }
0x465: {  	[hbm4b:s2+s4] =	stream.linear.scatter [tilespmem:s7], [sflag:$0x8], $0x4000, $0x38;
	[tilespmem:$0x1A400] =	vst v63  }
0x466: {  	_ =	swait.ge [sflag:s19], $0x4000  }
0x467: {  	[sflag:s19] =	ssyncset.done $0x0  }
0x468: {  	[sflag:s19] =	ssyncadd.s32 $0xFFFFC000  }
0x469: {  	_ =	swait.ge [sflag:s21], $0x4000  }
0x46a: {  	[sflag:s21] =	ssyncset.done $0x0  }
0x46b: {  	[sflag:s21] =	ssyncadd.s32 $0xFFFFC000  }
0x46c: {  	_ =	swait.ge [sflag:s24], $0x4000  }
0x46d: {  	[sflag:s24] =	ssyncset.done $0x0  }
0x46e: {  	[sflag:s24] =	ssyncadd.s32 $0xFFFFC000  }
0x46f: {  	_ =	swait.ge [sflag:s26], $0x4000  }
0x470: {  	s28 =	sadd.s32 $0x1, s28;
	s31 =	rddreg [dreg:$0x17]  }
0x471: {  	p0 =	sne.s32 s28, s31  }
.Ltmp33:
0x472: {  	_ = 	snop;
	(pc) =	sbr.rel @p0 .LBB2_1-.Ltmp33, $3  }
0x473: {  	_ =	sdelay $0x1  }
0x474: {  	[sflag:s26] =	ssyncset.done $0x0  }
0x475: {  	[sflag:s26] =	ssyncadd.s32 $0xFFFFC000  }
0x476: {  	_ =	sfence.sel $0x180000  }
0x477: {  	[bflag:$0x0] =	sbarrier.arrive $0xFFFF  }
0x478: {  	_ =	strace $0x90000047  }
0x479: {  	s0 =	stileid.u32;
	[bflag:$0x2] =	sbarrier.arrive $0xFFFF  }
0x47a: {  	p0 =	sne.s32 s0, $0x0;
	s0 =	rddreg [dreg:$0x5]  }
0x47b: {  	s0 =	sadd.s32 @!p0 $0x100000, s0  }
0x47c: {  	[sflag:s0] =	ssyncadd.tile.s32 @!p0 $0x1;
	_ =	shalt  }
.Lfunc_end2:
_tile_overlayer_lowered:
.L_overlay_start_2:
0x47d: {  	(tag) =	ssettag $0x2  }
0x47e: {  	s0 =	rddreg [dreg:$0x0];
	s2 =	stileid.u32  }
0x47f: {  	s1 =	rddreg [dreg:$0x1];
	p0 =	sne.s32 s2, $0x0  }
0x480: {  	s3 =	rddreg [dreg:$0x2];
	[bflag:$0x3] =	sbarrier.arrive $0xFFFF;
	s2 =	simm.s32 @!p0 $0x1C0B  }
0x481: {  	[timem:s3], [sflag:s2] =	dma.local @!p0 [hbm:s0], s1  }
0x482: {  	s0 =	simm.s32 @!p0 $0xB  }
0x483: {  	_ =	swait.ge @!p0 [sflag:s0], s1  }
0x484: {  	s1 =	ssub.s32 @!p0 $0x0, s1;
	[sflag:s0] =	ssyncset.done @!p0 $0x0  }
0x485: {  	[sflag:s0] =	ssyncadd.s32 @!p0 s1  }
0x486: {  	[bflag:$0x3] =	sbarrier.arrive $0xFFFF  }
0x487: {  	_ =	shalt  }

</sc_bundles>
